<compile_context>
chip_gen: v7x
topology: tpu7x:2x2x1
jax: 0.10.2.dev20260603
libtpu: 0.0.44.dev20260713+nightly
codegen_flags: <defaults>
</compile_context>

<pallas_src>
import functools

import jax
import jax.numpy as jnp
from jax import lax
from jax.experimental import pallas as pl
from jax.experimental.pallas import tpu as pltpu
from jax.experimental.pallas import tpu_sc as plsc

L = 200
B = 4096
H = 64
VP = 500000
HP = 128
NC, NS = 2, 16
NW = NC * NS
BPW = B // NW
CG = BPW // 16
S0, S1 = 96, 104
UNROLL = 8


NSLAB = 3906
VTAIL = 999936


def _sc_pack_table(tableT, tail):
    mesh = plsc.VectorSubcoreMesh(core_axis_name="c", subcore_axis_name="s")

    @functools.partial(
        pl.kernel,
        mesh=mesh,
        out_type=jax.ShapeDtypeStruct((VP, HP), jnp.float32),
        compiler_params=pltpu.CompilerParams(
            use_tc_tiling_on_sc=True, needs_layout_passes=False),
        scratch_types=[
            pltpu.VMEM((H, 256), jnp.float32),
            pltpu.VMEM((H, 256), jnp.float32),
            pltpu.VMEM((128, HP), jnp.float32),
            pltpu.VMEM((128, HP), jnp.float32),
            pltpu.VMEM((64, H), jnp.float32),
            pltpu.SemaphoreType.DMA,
            pltpu.SemaphoreType.DMA,
            pltpu.SemaphoreType.DMA,
            pltpu.SemaphoreType.DMA,
        ],
    )
    def k(tab_hbm, tail_hbm, out_hbm, in0, in1, ob0, ob1, tbuf,
          si0, si1, so0, so1):
        wid = lax.axis_index("s") * NC + lax.axis_index("c")
        iota = lax.iota(jnp.int32, 16)
        hgs = [16 * g + iota for g in range(4)]

        def in_copy(sid, buf, sem):
            return pltpu.make_async_copy(
                tab_hbm.at[:, pl.ds(sid * 256, 256)], buf, sem)

        def out_copy(sid, buf, sem):
            return pltpu.make_async_copy(
                buf, out_hbm.at[pl.ds(sid * 128, 128)], sem)

        def transpose(src, dst):
            def vbody(v0, _):
                for u in range(8):
                    vm = (8 * v0 + u) ^ iota
                    r = lax.shift_right_logical(vm, 1)
                    p64 = (vm & 1) * H
                    for g in range(4):
                        val = plsc.load_gather(src, [hgs[g], vm])
                        plsc.store_scatter(dst, [r, p64 + hgs[g]], val)
                return 0

            lax.fori_loop(0, 32, vbody, 0)

        def sid_of(t):
            return wid + NW * t

        nt = NSLAB // NW + 1

        @pl.when(sid_of(0) < NSLAB)
        def _():
            in_copy(sid_of(0), in0, si0).start()

        @pl.when(sid_of(1) < NSLAB)
        def _():
            in_copy(sid_of(1), in1, si1).start()

        def outer(t, _):
            for phase, (ib, ob, si, so) in enumerate(
                    ((in0, ob0, si0, so0), (in1, ob1, si1, so1))):
                tt = 2 * t + phase
                sid = sid_of(tt)

                @pl.when(sid < NSLAB)
                def _():
                    in_copy(sid, ib, si).wait()

                    @pl.when(tt >= 2)
                    def _():
                        out_copy(sid_of(tt - 2), ob, so).wait()

                    transpose(ib, ob)
                    out_copy(sid, ob, so).start()
                    nsid = sid_of(tt + 2)

                    @pl.when(nsid < NSLAB)
                    def _():
                        in_copy(nsid, ib, si).start()
            return 0

        lax.fori_loop(0, (nt + 1) // 2, outer, 0)

        for tt in (nt - 3, nt - 2, nt - 1):
            ob, so = (ob0, so0) if tt % 2 == 0 else (ob1, so1)

            @pl.when((sid_of(tt) < NSLAB) & (sid_of(tt + 2) >= NSLAB))
            def _():
                out_copy(sid_of(tt), ob, so).wait()

        @pl.when(wid == NW - 1)
        def _():
            pltpu.sync_copy(tail_hbm, tbuf)

            def rbody(r, _):
                for c in range(8):
                    ob0[r, pl.ds(16 * c, 16)] = tbuf[
                        2 * r + c // 4, pl.ds((c % 4) * 16, 16)]
                return 0

            lax.fori_loop(0, 32, rbody, 0)
            pltpu.sync_copy(ob0.at[pl.ds(0, 32)],
                            out_hbm.at[pl.ds(VTAIL // 2, 32)])

    return k(tableT, tail)


def _sc_embed_sum(features, table2):

    mesh = plsc.VectorSubcoreMesh(core_axis_name="c", subcore_axis_name="s")

    @functools.partial(
        pl.kernel,
        mesh=mesh,
        out_type=jax.ShapeDtypeStruct((B, H), jnp.float32),
        compiler_params=pltpu.CompilerParams(
            use_tc_tiling_on_sc=True, needs_layout_passes=False),
        scratch_types=[
            pltpu.VMEM((L, BPW), jnp.int32),
            pltpu.VMEM((BPW * L,), jnp.int32),
            pltpu.VMEM((BPW,), jnp.int32),
            pltpu.VMEM((L, HP), jnp.float32),
            pltpu.VMEM((L, HP), jnp.float32),
            pltpu.VMEM((BPW, H), jnp.float32),
            pltpu.SemaphoreType.DMA,
            pltpu.SemaphoreType.DMA,
        ],
    )
    def k(feat_hbm, table_hbm, out_hbm, idx2d, idx_v, n0_v, rows0, rows1,
          out_v, sem0, sem1):
        wid = lax.axis_index("s") * NC + lax.axis_index("c")
        base = wid * BPW

        pltpu.sync_copy(feat_hbm.at[:, pl.ds(base, BPW)], idx2d)

        lane_base = lax.iota(jnp.int32, 16) * L
        zero16 = jnp.zeros((16,), jnp.int32)
        one16 = jnp.ones((16,), jnp.int32)

        def tbody(l, carry):
            los, his = carry
            nlos, nhis = [], []
            for c in range(CG):
                v = idx2d[l, pl.ds(c * 16, 16)]
                par = v & 1
                v2 = lax.shift_right_logical(v, 1)
                is_hi = par == 1
                pos = lane_base + c * 16 * L + jnp.where(
                    is_hi, (L - 1) - his[c], los[c])
                plsc.store_scatter(idx_v, [pos], v2)
                nlos.append(los[c] + (one16 - par))
                nhis.append(his[c] + par)
            return tuple(nlos), tuple(nhis)

        los, his = lax.fori_loop(
            0, L, tbody, ((zero16,) * CG, (zero16,) * CG))
        for c in range(CG):
            n0_v[pl.ds(c * 16, 16)] = los[c]

        def copies(b, rows, sem):
            off = b * L
            c1 = pltpu.make_async_copy(
                table_hbm.at[idx_v.at[pl.ds(off, S0)]],
                rows.at[pl.ds(0, S0)], sem)
            c2 = pltpu.make_async_copy(
                table_hbm.at[idx_v.at[pl.ds(off + S0, S1)]],
                rows.at[pl.ds(S0, S1)], sem)
            return c1, c2

        def fire(b, rows, sem):
            c1, c2 = copies(b, rows, sem)
            c1.start()
            c2.start()

        def drain(b, rows, sem):
            c1, c2 = copies(b, rows, sem)
            c1.wait()
            c2.wait()

        def accumulate(b, rows):
            zero = jnp.zeros((16,), jnp.float32)
            n0b = plsc.load_gather(n0_v, [jnp.broadcast_to(b, (16,))])

            def body(j, accs):
                a0, a1, a2, a3 = accs
                for u in range(UNROLL):
                    jj = j * UNROLL + u
                    lo = jnp.broadcast_to(jj, (16,)) < n0b
                    r0 = jnp.where(lo, rows[jj, pl.ds(0, 16)],
                                   rows[jj, pl.ds(64, 16)])
                    r1 = jnp.where(lo, rows[jj, pl.ds(16, 16)],
                                   rows[jj, pl.ds(80, 16)])
                    r2 = jnp.where(lo, rows[jj, pl.ds(32, 16)],
                                   rows[jj, pl.ds(96, 16)])
                    r3 = jnp.where(lo, rows[jj, pl.ds(48, 16)],
                                   rows[jj, pl.ds(112, 16)])
                    a0, a1, a2, a3 = a0 + r0, a1 + r1, a2 + r2, a3 + r3
                return a0, a1, a2, a3

            return lax.fori_loop(0, L // UNROLL, body, (zero,) * 4)

        fire(0, rows0, sem0)
        fire(1, rows1, sem1)

        def outer(i, _):
            for phase, (rows, sem) in enumerate(((rows0, sem0), (rows1, sem1))):
                b = 2 * i + phase
                drain(b, rows, sem)
                a0, a1, a2, a3 = accumulate(b, rows)
                nb = b + 2

                @pl.when(nb < BPW)
                def _():
                    fire(nb, rows, sem)

                out_v[b, pl.ds(0, 16)] = a0
                out_v[b, pl.ds(16, 16)] = a1
                out_v[b, pl.ds(32, 16)] = a2
                out_v[b, pl.ds(48, 16)] = a3
            return 0

        lax.fori_loop(0, BPW // 2, outer, 0)
        pltpu.sync_copy(out_v, out_hbm.at[pl.ds(base, BPW)])

    return k(features, table2)


def _tc_head(h, W, b2):

    def body(h_ref, w_ref, b_ref, o_ref):
        hv = jnp.maximum(h_ref[...], 0.0)
        o_ref[...] = lax.dot_general(
            hv, w_ref[...], (((1,), (1,)), ((), ())),
            preferred_element_type=jnp.float32) + b_ref[...]

    return pl.pallas_call(
        body,
        out_shape=jax.ShapeDtypeStruct((B, H), jnp.float32),
    )(h, W, b2)


def kernel(features, table, W, b):
    table2 = _sc_pack_table(jnp.transpose(table), table[VTAIL:, :])
    pooled = _sc_embed_sum(features, table2)
    return _tc_head(pooled, W, b.reshape(1, H))

# --- scband reference (transcript-rebuilt; emitter-appended) ---
"""Pipeline reference for scband-evaluator-78597901517171 (READ-ONLY COPY).

The authoritative reference and input builder live on the scoring server;
editing this copy changes nothing except your own understanding.
"""

import jax, jax.numpy as jnp
import numpy as np

IO_CHANNELS = 1000000
HIDDEN = 64
OUT = 64
L = 200
B = 4096


def setup_inputs(seed: int = 0) -> dict:
    key = jax.random.key(seed)
    k1, k2, k3, k4 = jax.random.split(key, 4)
    features = jax.random.randint(k1, (L, B), 0, IO_CHANNELS, dtype=jnp.int64 if jax.config.jax_enable_x64 else jnp.int32).astype(jnp.int32)
    table = jax.random.normal(k2, (IO_CHANNELS, HIDDEN), dtype=jnp.float32) * 0.02
    W = jax.random.normal(k3, (OUT, HIDDEN), dtype=jnp.float32) * (1.0 / np.sqrt(HIDDEN))
    b = jax.random.normal(k4, (OUT,), dtype=jnp.float32) * 0.01
    return {"features": features, "table": table, "W": W, "b": b}


def reference(features, table, W, b):
    # nn.Embedding lookup: gather rows of table
    encodes = jnp.take(table, features, axis=0)          # [L, B, HIDDEN]
    # torch.sum(encodes, 0)
    encode = jnp.sum(encodes, axis=0)                     # [B, HIDDEN]
    # nn.Sequential(nn.ReLU(), nn.Linear(HIDDEN, OUT))
    h = jax.nn.relu(encode)
    output = h @ W.T + b                                  # [B, OUT]
    return output

if __name__ == "__main__":
    import jax
    _d = setup_inputs()
    print(jax.jit(kernel)(*tuple(_d.values())))

</pallas_src>

<mosaic_0001>
#map = affine_map<(d0, d1) -> (0, 0)>
module attributes {stable_mosaic.version = 14 : i64} {
  func.func @k(%arg0: i32, %arg1: i32, %arg2: memref<200x4096xi32, #tpu.memory_space<hbm>>, %arg3: memref<500000x128xf32, #tpu.memory_space<hbm>>, %arg4: memref<4096x64xf32, #tpu.memory_space<hbm>>, %arg5: memref<200x128xi32, #tpu.memory_space<vmem>>, %arg6: memref<25600xi32, #tpu.memory_space<vmem>>, %arg7: memref<128xi32, #tpu.memory_space<vmem>>, %arg8: memref<200x128xf32, #tpu.memory_space<vmem>>, %arg9: memref<200x128xf32, #tpu.memory_space<vmem>>, %arg10: memref<128x64xf32, #tpu.memory_space<vmem>>, %arg11: memref<!tpu.dma_semaphore, #tpu.memory_space<semaphore_mem>>, %arg12: memref<!tpu.dma_semaphore, #tpu.memory_space<semaphore_mem>>) attributes {dimension_semantics = [#tpu.dimension_semantics<core_parallel>, #tpu.dimension_semantics<subcore_parallel>], iteration_bounds = array<i64: 2, 16>, scalar_prefetch = 0 : i64, scratch_operands = 8 : i64, tpu.core_type = #tpu.core_type<sc_vector_subcore>, window_params = [{transform_indices = #map}, {transform_indices = #map}, {transform_indices = #map}]} {
    %mul3A = arith.constant 2 : i32
    %mul3A_0 = arith.muli %arg1, %mul3A : i32
    %add3A = arith.addi %mul3A_0, %arg0 : i32
    %mul3A_1 = arith.constant 128 : i32
    %mul3A_2 = arith.muli %add3A, %mul3A_1 : i32
    "tpu.region"() ({
      %run_scoped3A = tpu.sem_alloc : memref<!tpu.dma_semaphore, #tpu.memory_space<semaphore_mem>>
      %dma_start3A_67 = arith.constant 0 : i32
      %dma_start3A_68 = tpu.memref_slice %arg2[%dma_start3A_67, %mul3A_2] : memref<200x4096xi32, #tpu.memory_space<hbm>> -> memref<200x128xi32, #tpu.memory_space<hbm>>
      %dma_start3A_69 = arith.constant 0 : i32
      %dma_start3A_70 = tpu.memref_slice %arg2[%dma_start3A_69, %mul3A_2] : memref<200x4096xi32, #tpu.memory_space<hbm>> -> memref<200x128xi32, #tpu.memory_space<hbm>>
      tpu.enqueue_dma source(%dma_start3A_70 : memref<200x128xi32, #tpu.memory_space<hbm>>) target(%arg5 : memref<200x128xi32, #tpu.memory_space<vmem>>) target_semaphore(%run_scoped3A : memref<!tpu.dma_semaphore, #tpu.memory_space<semaphore_mem>>)
      %dma_wait3A = arith.constant 0 : i32
      %dma_wait3A_71 = tpu.memref_slice %arg2[%dma_wait3A, %mul3A_2] : memref<200x4096xi32, #tpu.memory_space<hbm>> -> memref<200x128xi32, #tpu.memory_space<hbm>>
      %dma_wait3A_72 = arith.constant 0 : i32
      %dma_wait3A_73 = tpu.memref_slice %arg2[%dma_wait3A_72, %mul3A_2] : memref<200x4096xi32, #tpu.memory_space<hbm>> -> memref<200x128xi32, #tpu.memory_space<hbm>>
      tpu.wait_dma2 semaphore(%run_scoped3A : memref<!tpu.dma_semaphore, #tpu.memory_space<semaphore_mem>>) src(%dma_wait3A_73 : memref<200x128xi32, #tpu.memory_space<hbm>>) dst(%arg5 : memref<200x128xi32, #tpu.memory_space<vmem>>)
      tpu.yield
    }) : () -> ()
    %iota3A = tpu.iota {dimensions = array<i32: 0>} : vector<16xi32>
    %mul3A_3 = arith.constant 200 : i32
    %mul3A_4 = vector.broadcast %mul3A_3 : i32 to vector<16xi32>
    %mul3A_5 = arith.muli %iota3A, %mul3A_4 : vector<16xi32>
    %broadcast_in_dim3A = arith.constant 0 : i32
    %broadcast_in_dim3A_6 = vector.broadcast %broadcast_in_dim3A : i32 to vector<16xi32>
    %broadcast_in_dim3A_7 = arith.constant 1 : i32
    %broadcast_in_dim3A_8 = vector.broadcast %broadcast_in_dim3A_7 : i32 to vector<16xi32>
    %scan3A = arith.constant 0 : i32
    %scan3A_9 = arith.constant 200 : i32
    %scan3A_10 = arith.addi %scan3A, %scan3A_9 : i32
    %scan3A_11 = arith.constant 1 : i32
    %scan3A_12:16 = scf.for %scan3A_67 = %scan3A to %scan3A_10 step %scan3A_11 iter_args(%scan3A_68 = %broadcast_in_dim3A_6, %scan3A_69 = %broadcast_in_dim3A_6, %scan3A_70 = %broadcast_in_dim3A_6, %scan3A_71 = %broadcast_in_dim3A_6, %scan3A_72 = %broadcast_in_dim3A_6, %scan3A_73 = %broadcast_in_dim3A_6, %scan3A_74 = %broadcast_in_dim3A_6, %scan3A_75 = %broadcast_in_dim3A_6, %scan3A_76 = %broadcast_in_dim3A_6, %scan3A_77 = %broadcast_in_dim3A_6, %scan3A_78 = %broadcast_in_dim3A_6, %scan3A_79 = %broadcast_in_dim3A_6, %scan3A_80 = %broadcast_in_dim3A_6, %scan3A_81 = %broadcast_in_dim3A_6, %scan3A_82 = %broadcast_in_dim3A_6, %scan3A_83 = %broadcast_in_dim3A_6) -> (vector<16xi32>, vector<16xi32>, vector<16xi32>, vector<16xi32>, vector<16xi32>, vector<16xi32>, vector<16xi32>, vector<16xi32>, vector<16xi32>, vector<16xi32>, vector<16xi32>, vector<16xi32>, vector<16xi32>, vector<16xi32>, vector<16xi32>, vector<16xi32>)  : i32 {
      %get3A = arith.index_cast %scan3A_67 : i32 to index
      %get3A_84 = arith.constant 0 : index
      %get3A_85 = tpu.vector_load %arg5[%get3A, %get3A_84] {strides = array<i32>} : memref<200x128xi32, #tpu.memory_space<vmem>>, vector<16xi32>,
      %and3A = arith.constant 1 : i32
      %and3A_86 = vector.broadcast %and3A : i32 to vector<16xi32>
      %and3A_87 = arith.andi %get3A_85, %and3A_86 : vector<16xi32>
      %shift_right_logical3A = arith.constant 1 : i32
      %shift_right_logical3A_88 = vector.broadcast %shift_right_logical3A : i32 to vector<16xi32>
      %shift_right_logical3A_89 = arith.shrui %get3A_85, %shift_right_logical3A_88 : vector<16xi32>
      %eq3A = arith.constant 1 : i32
      %eq3A_90 = vector.broadcast %eq3A : i32 to vector<16xi32>
      %eq3A_91 = arith.cmpi eq, %and3A_87, %eq3A_90 : vector<16xi32>
      %add3A_92 = arith.constant 0 : i32
      %add3A_93 = vector.broadcast %add3A_92 : i32 to vector<16xi32>
      %add3A_94 = arith.addi %mul3A_5, %add3A_93 : vector<16xi32>
      %sub3A = arith.constant 199 : i32
      %sub3A_95 = vector.broadcast %sub3A : i32 to vector<16xi32>
      %sub3A_96 = arith.subi %sub3A_95, %scan3A_76 : vector<16xi32>
      %select_n3A = arith.select %eq3A_91, %sub3A_96, %scan3A_68 : vector<16xi1>, vector<16xi32>
      %add3A_97 = arith.addi %add3A_94, %select_n3A : vector<16xi32>
      tpu.vector_store_idx %arg6[%add3A_97], %shift_right_logical3A_89 : memref<25600xi32, #tpu.memory_space<vmem>>[vector<16xi32>], vector<16xi32>,
      %sub3A_98 = arith.subi %broadcast_in_dim3A_8, %and3A_87 : vector<16xi32>
      %add3A_99 = arith.addi %scan3A_68, %sub3A_98 : vector<16xi32>
      %add3A_100 = arith.addi %scan3A_76, %and3A_87 : vector<16xi32>
      %get3A_101 = arith.index_cast %scan3A_67 : i32 to index
      %get3A_102 = arith.constant 16 : index
      %get3A_103 = tpu.vector_load %arg5[%get3A_101, %get3A_102] {strides = array<i32>} : memref<200x128xi32, #tpu.memory_space<vmem>>, vector<16xi32>,
      %and3A_104 = arith.constant 1 : i32
      %and3A_105 = vector.broadcast %and3A_104 : i32 to vector<16xi32>
      %and3A_106 = arith.andi %get3A_103, %and3A_105 : vector<16xi32>
      %shift_right_logical3A_107 = arith.constant 1 : i32
      %shift_right_logical3A_108 = vector.broadcast %shift_right_logical3A_107 : i32 to vector<16xi32>
      %shift_right_logical3A_109 = arith.shrui %get3A_103, %shift_right_logical3A_108 : vector<16xi32>
      %eq3A_110 = arith.constant 1 : i32
      %eq3A_111 = vector.broadcast %eq3A_110 : i32 to vector<16xi32>
      %eq3A_112 = arith.cmpi eq, %and3A_106, %eq3A_111 : vector<16xi32>
      %add3A_113 = arith.constant 3200 : i32
      %add3A_114 = vector.broadcast %add3A_113 : i32 to vector<16xi32>
      %add3A_115 = arith.addi %mul3A_5, %add3A_114 : vector<16xi32>
      %sub3A_116 = arith.constant 199 : i32
      %sub3A_117 = vector.broadcast %sub3A_116 : i32 to vector<16xi32>
      %sub3A_118 = arith.subi %sub3A_117, %scan3A_77 : vector<16xi32>
      %select_n3A_119 = arith.select %eq3A_112, %sub3A_118, %scan3A_69 : vector<16xi1>, vector<16xi32>
      %add3A_120 = arith.addi %add3A_115, %select_n3A_119 : vector<16xi32>
      tpu.vector_store_idx %arg6[%add3A_120], %shift_right_logical3A_109 : memref<25600xi32, #tpu.memory_space<vmem>>[vector<16xi32>], vector<16xi32>,
      %sub3A_121 = arith.subi %broadcast_in_dim3A_8, %and3A_106 : vector<16xi32>
      %add3A_122 = arith.addi %scan3A_69, %sub3A_121 : vector<16xi32>
      %add3A_123 = arith.addi %scan3A_77, %and3A_106 : vector<16xi32>
      %get3A_124 = arith.index_cast %scan3A_67 : i32 to index
      %get3A_125 = arith.constant 32 : index
      %get3A_126 = tpu.vector_load %arg5[%get3A_124, %get3A_125] {strides = array<i32>} : memref<200x128xi32, #tpu.memory_space<vmem>>, vector<16xi32>,
      %and3A_127 = arith.constant 1 : i32
      %and3A_128 = vector.broadcast %and3A_127 : i32 to vector<16xi32>
      %and3A_129 = arith.andi %get3A_126, %and3A_128 : vector<16xi32>
      %shift_right_logical3A_130 = arith.constant 1 : i32
      %shift_right_logical3A_131 = vector.broadcast %shift_right_logical3A_130 : i32 to vector<16xi32>
      %shift_right_logical3A_132 = arith.shrui %get3A_126, %shift_right_logical3A_131 : vector<16xi32>
      %eq3A_133 = arith.constant 1 : i32
      %eq3A_134 = vector.broadcast %eq3A_133 : i32 to vector<16xi32>
      %eq3A_135 = arith.cmpi eq, %and3A_129, %eq3A_134 : vector<16xi32>
      %add3A_136 = arith.constant 6400 : i32
      %add3A_137 = vector.broadcast %add3A_136 : i32 to vector<16xi32>
      %add3A_138 = arith.addi %mul3A_5, %add3A_137 : vector<16xi32>
      %sub3A_139 = arith.constant 199 : i32
      %sub3A_140 = vector.broadcast %sub3A_139 : i32 to vector<16xi32>
      %sub3A_141 = arith.subi %sub3A_140, %scan3A_78 : vector<16xi32>
      %select_n3A_142 = arith.select %eq3A_135, %sub3A_141, %scan3A_70 : vector<16xi1>, vector<16xi32>
      %add3A_143 = arith.addi %add3A_138, %select_n3A_142 : vector<16xi32>
      tpu.vector_store_idx %arg6[%add3A_143], %shift_right_logical3A_132 : memref<25600xi32, #tpu.memory_space<vmem>>[vector<16xi32>], vector<16xi32>,
      %sub3A_144 = arith.subi %broadcast_in_dim3A_8, %and3A_129 : vector<16xi32>
      %add3A_145 = arith.addi %scan3A_70, %sub3A_144 : vector<16xi32>
      %add3A_146 = arith.addi %scan3A_78, %and3A_129 : vector<16xi32>
      %get3A_147 = arith.index_cast %scan3A_67 : i32 to index
      %get3A_148 = arith.constant 48 : index
      %get3A_149 = tpu.vector_load %arg5[%get3A_147, %get3A_148] {strides = array<i32>} : memref<200x128xi32, #tpu.memory_space<vmem>>, vector<16xi32>,
      %and3A_150 = arith.constant 1 : i32
      %and3A_151 = vector.broadcast %and3A_150 : i32 to vector<16xi32>
      %and3A_152 = arith.andi %get3A_149, %and3A_151 : vector<16xi32>
      %shift_right_logical3A_153 = arith.constant 1 : i32
      %shift_right_logical3A_154 = vector.broadcast %shift_right_logical3A_153 : i32 to vector<16xi32>
      %shift_right_logical3A_155 = arith.shrui %get3A_149, %shift_right_logical3A_154 : vector<16xi32>
      %eq3A_156 = arith.constant 1 : i32
      %eq3A_157 = vector.broadcast %eq3A_156 : i32 to vector<16xi32>
      %eq3A_158 = arith.cmpi eq, %and3A_152, %eq3A_157 : vector<16xi32>
      %add3A_159 = arith.constant 9600 : i32
      %add3A_160 = vector.broadcast %add3A_159 : i32 to vector<16xi32>
      %add3A_161 = arith.addi %mul3A_5, %add3A_160 : vector<16xi32>
      %sub3A_162 = arith.constant 199 : i32
      %sub3A_163 = vector.broadcast %sub3A_162 : i32 to vector<16xi32>
      %sub3A_164 = arith.subi %sub3A_163, %scan3A_79 : vector<16xi32>
      %select_n3A_165 = arith.select %eq3A_158, %sub3A_164, %scan3A_71 : vector<16xi1>, vector<16xi32>
      %add3A_166 = arith.addi %add3A_161, %select_n3A_165 : vector<16xi32>
      tpu.vector_store_idx %arg6[%add3A_166], %shift_right_logical3A_155 : memref<25600xi32, #tpu.memory_space<vmem>>[vector<16xi32>], vector<16xi32>,
      %sub3A_167 = arith.subi %broadcast_in_dim3A_8, %and3A_152 : vector<16xi32>
      %add3A_168 = arith.addi %scan3A_71, %sub3A_167 : vector<16xi32>
      %add3A_169 = arith.addi %scan3A_79, %and3A_152 : vector<16xi32>
      %get3A_170 = arith.index_cast %scan3A_67 : i32 to index
      %get3A_171 = arith.constant 64 : index
      %get3A_172 = tpu.vector_load %arg5[%get3A_170, %get3A_171] {strides = array<i32>} : memref<200x128xi32, #tpu.memory_space<vmem>>, vector<16xi32>,
      %and3A_173 = arith.constant 1 : i32
      %and3A_174 = vector.broadcast %and3A_173 : i32 to vector<16xi32>
      %and3A_175 = arith.andi %get3A_172, %and3A_174 : vector<16xi32>
      %shift_right_logical3A_176 = arith.constant 1 : i32
      %shift_right_logical3A_177 = vector.broadcast %shift_right_logical3A_176 : i32 to vector<16xi32>
      %shift_right_logical3A_178 = arith.shrui %get3A_172, %shift_right_logical3A_177 : vector<16xi32>
      %eq3A_179 = arith.constant 1 : i32
      %eq3A_180 = vector.broadcast %eq3A_179 : i32 to vector<16xi32>
      %eq3A_181 = arith.cmpi eq, %and3A_175, %eq3A_180 : vector<16xi32>
      %add3A_182 = arith.constant 12800 : i32
      %add3A_183 = vector.broadcast %add3A_182 : i32 to vector<16xi32>
      %add3A_184 = arith.addi %mul3A_5, %add3A_183 : vector<16xi32>
      %sub3A_185 = arith.constant 199 : i32
      %sub3A_186 = vector.broadcast %sub3A_185 : i32 to vector<16xi32>
      %sub3A_187 = arith.subi %sub3A_186, %scan3A_80 : vector<16xi32>
      %select_n3A_188 = arith.select %eq3A_181, %sub3A_187, %scan3A_72 : vector<16xi1>, vector<16xi32>
      %add3A_189 = arith.addi %add3A_184, %select_n3A_188 : vector<16xi32>
      tpu.vector_store_idx %arg6[%add3A_189], %shift_right_logical3A_178 : memref<25600xi32, #tpu.memory_space<vmem>>[vector<16xi32>], vector<16xi32>,
      %sub3A_190 = arith.subi %broadcast_in_dim3A_8, %and3A_175 : vector<16xi32>
      %add3A_191 = arith.addi %scan3A_72, %sub3A_190 : vector<16xi32>
      %add3A_192 = arith.addi %scan3A_80, %and3A_175 : vector<16xi32>
      %get3A_193 = arith.index_cast %scan3A_67 : i32 to index
      %get3A_194 = arith.constant 80 : index
      %get3A_195 = tpu.vector_load %arg5[%get3A_193, %get3A_194] {strides = array<i32>} : memref<200x128xi32, #tpu.memory_space<vmem>>, vector<16xi32>,
      %and3A_196 = arith.constant 1 : i32
      %and3A_197 = vector.broadcast %and3A_196 : i32 to vector<16xi32>
      %and3A_198 = arith.andi %get3A_195, %and3A_197 : vector<16xi32>
      %shift_right_logical3A_199 = arith.constant 1 : i32
      %shift_right_logical3A_200 = vector.broadcast %shift_right_logical3A_199 : i32 to vector<16xi32>
      %shift_right_logical3A_201 = arith.shrui %get3A_195, %shift_right_logical3A_200 : vector<16xi32>
      %eq3A_202 = arith.constant 1 : i32
      %eq3A_203 = vector.broadcast %eq3A_202 : i32 to vector<16xi32>
      %eq3A_204 = arith.cmpi eq, %and3A_198, %eq3A_203 : vector<16xi32>
      %add3A_205 = arith.constant 16000 : i32
      %add3A_206 = vector.broadcast %add3A_205 : i32 to vector<16xi32>
      %add3A_207 = arith.addi %mul3A_5, %add3A_206 : vector<16xi32>
      %sub3A_208 = arith.constant 199 : i32
      %sub3A_209 = vector.broadcast %sub3A_208 : i32 to vector<16xi32>
      %sub3A_210 = arith.subi %sub3A_209, %scan3A_81 : vector<16xi32>
      %select_n3A_211 = arith.select %eq3A_204, %sub3A_210, %scan3A_73 : vector<16xi1>, vector<16xi32>
      %add3A_212 = arith.addi %add3A_207, %select_n3A_211 : vector<16xi32>
      tpu.vector_store_idx %arg6[%add3A_212], %shift_right_logical3A_201 : memref<25600xi32, #tpu.memory_space<vmem>>[vector<16xi32>], vector<16xi32>,
      %sub3A_213 = arith.subi %broadcast_in_dim3A_8, %and3A_198 : vector<16xi32>
      %add3A_214 = arith.addi %scan3A_73, %sub3A_213 : vector<16xi32>
      %add3A_215 = arith.addi %scan3A_81, %and3A_198 : vector<16xi32>
      %get3A_216 = arith.index_cast %scan3A_67 : i32 to index
      %get3A_217 = arith.constant 96 : index
      %get3A_218 = tpu.vector_load %arg5[%get3A_216, %get3A_217] {strides = array<i32>} : memref<200x128xi32, #tpu.memory_space<vmem>>, vector<16xi32>,
      %and3A_219 = arith.constant 1 : i32
      %and3A_220 = vector.broadcast %and3A_219 : i32 to vector<16xi32>
      %and3A_221 = arith.andi %get3A_218, %and3A_220 : vector<16xi32>
      %shift_right_logical3A_222 = arith.constant 1 : i32
      %shift_right_logical3A_223 = vector.broadcast %shift_right_logical3A_222 : i32 to vector<16xi32>
      %shift_right_logical3A_224 = arith.shrui %get3A_218, %shift_right_logical3A_223 : vector<16xi32>
      %eq3A_225 = arith.constant 1 : i32
      %eq3A_226 = vector.broadcast %eq3A_225 : i32 to vector<16xi32>
      %eq3A_227 = arith.cmpi eq, %and3A_221, %eq3A_226 : vector<16xi32>
      %add3A_228 = arith.constant 19200 : i32
      %add3A_229 = vector.broadcast %add3A_228 : i32 to vector<16xi32>
      %add3A_230 = arith.addi %mul3A_5, %add3A_229 : vector<16xi32>
      %sub3A_231 = arith.constant 199 : i32
      %sub3A_232 = vector.broadcast %sub3A_231 : i32 to vector<16xi32>
      %sub3A_233 = arith.subi %sub3A_232, %scan3A_82 : vector<16xi32>
      %select_n3A_234 = arith.select %eq3A_227, %sub3A_233, %scan3A_74 : vector<16xi1>, vector<16xi32>
      %add3A_235 = arith.addi %add3A_230, %select_n3A_234 : vector<16xi32>
      tpu.vector_store_idx %arg6[%add3A_235], %shift_right_logical3A_224 : memref<25600xi32, #tpu.memory_space<vmem>>[vector<16xi32>], vector<16xi32>,
      %sub3A_236 = arith.subi %broadcast_in_dim3A_8, %and3A_221 : vector<16xi32>
      %add3A_237 = arith.addi %scan3A_74, %sub3A_236 : vector<16xi32>
      %add3A_238 = arith.addi %scan3A_82, %and3A_221 : vector<16xi32>
      %get3A_239 = arith.index_cast %scan3A_67 : i32 to index
      %get3A_240 = arith.constant 112 : index
      %get3A_241 = tpu.vector_load %arg5[%get3A_239, %get3A_240] {strides = array<i32>} : memref<200x128xi32, #tpu.memory_space<vmem>>, vector<16xi32>,
      %and3A_242 = arith.constant 1 : i32
      %and3A_243 = vector.broadcast %and3A_242 : i32 to vector<16xi32>
      %and3A_244 = arith.andi %get3A_241, %and3A_243 : vector<16xi32>
      %shift_right_logical3A_245 = arith.constant 1 : i32
      %shift_right_logical3A_246 = vector.broadcast %shift_right_logical3A_245 : i32 to vector<16xi32>
      %shift_right_logical3A_247 = arith.shrui %get3A_241, %shift_right_logical3A_246 : vector<16xi32>
      %eq3A_248 = arith.constant 1 : i32
      %eq3A_249 = vector.broadcast %eq3A_248 : i32 to vector<16xi32>
      %eq3A_250 = arith.cmpi eq, %and3A_244, %eq3A_249 : vector<16xi32>
      %add3A_251 = arith.constant 22400 : i32
      %add3A_252 = vector.broadcast %add3A_251 : i32 to vector<16xi32>
      %add3A_253 = arith.addi %mul3A_5, %add3A_252 : vector<16xi32>
      %sub3A_254 = arith.constant 199 : i32
      %sub3A_255 = vector.broadcast %sub3A_254 : i32 to vector<16xi32>
      %sub3A_256 = arith.subi %sub3A_255, %scan3A_83 : vector<16xi32>
      %select_n3A_257 = arith.select %eq3A_250, %sub3A_256, %scan3A_75 : vector<16xi1>, vector<16xi32>
      %add3A_258 = arith.addi %add3A_253, %select_n3A_257 : vector<16xi32>
      tpu.vector_store_idx %arg6[%add3A_258], %shift_right_logical3A_247 : memref<25600xi32, #tpu.memory_space<vmem>>[vector<16xi32>], vector<16xi32>,
      %sub3A_259 = arith.subi %broadcast_in_dim3A_8, %and3A_244 : vector<16xi32>
      %add3A_260 = arith.addi %scan3A_75, %sub3A_259 : vector<16xi32>
      %add3A_261 = arith.addi %scan3A_83, %and3A_244 : vector<16xi32>
      scf.yield %add3A_99, %add3A_122, %add3A_145, %add3A_168, %add3A_191, %add3A_214, %add3A_237, %add3A_260, %add3A_100, %add3A_123, %add3A_146, %add3A_169, %add3A_192, %add3A_215, %add3A_238, %add3A_261 : vector<16xi32>, vector<16xi32>, vector<16xi32>, vector<16xi32>, vector<16xi32>, vector<16xi32>, vector<16xi32>, vector<16xi32>, vector<16xi32>, vector<16xi32>, vector<16xi32>, vector<16xi32>, vector<16xi32>, vector<16xi32>, vector<16xi32>, vector<16xi32>
    }
    %scan3A_13 = arith.constant 200 : i32
    %swap3A = arith.constant 0 : index
    %swap3A_14 = tpu.vector_load %arg7[%swap3A] {strides = array<i32>} : memref<128xi32, #tpu.memory_space<vmem>>, vector<16xi32>,
    tpu.vector_store %arg7[%swap3A], %scan3A_12#0 {strides = array<i32>} : memref<128xi32, #tpu.memory_space<vmem>>, vector<16xi32>,
    %swap3A_15 = arith.constant 16 : index
    %swap3A_16 = tpu.vector_load %arg7[%swap3A_15] {strides = array<i32>} : memref<128xi32, #tpu.memory_space<vmem>>, vector<16xi32>,
    tpu.vector_store %arg7[%swap3A_15], %scan3A_12#1 {strides = array<i32>} : memref<128xi32, #tpu.memory_space<vmem>>, vector<16xi32>,
    %swap3A_17 = arith.constant 32 : index
    %swap3A_18 = tpu.vector_load %arg7[%swap3A_17] {strides = array<i32>} : memref<128xi32, #tpu.memory_space<vmem>>, vector<16xi32>,
    tpu.vector_store %arg7[%swap3A_17], %scan3A_12#2 {strides = array<i32>} : memref<128xi32, #tpu.memory_space<vmem>>, vector<16xi32>,
    %swap3A_19 = arith.constant 48 : index
    %swap3A_20 = tpu.vector_load %arg7[%swap3A_19] {strides = array<i32>} : memref<128xi32, #tpu.memory_space<vmem>>, vector<16xi32>,
    tpu.vector_store %arg7[%swap3A_19], %scan3A_12#3 {strides = array<i32>} : memref<128xi32, #tpu.memory_space<vmem>>, vector<16xi32>,
    %swap3A_21 = arith.constant 64 : index
    %swap3A_22 = tpu.vector_load %arg7[%swap3A_21] {strides = array<i32>} : memref<128xi32, #tpu.memory_space<vmem>>, vector<16xi32>,
    tpu.vector_store %arg7[%swap3A_21], %scan3A_12#4 {strides = array<i32>} : memref<128xi32, #tpu.memory_space<vmem>>, vector<16xi32>,
    %swap3A_23 = arith.constant 80 : index
    %swap3A_24 = tpu.vector_load %arg7[%swap3A_23] {strides = array<i32>} : memref<128xi32, #tpu.memory_space<vmem>>, vector<16xi32>,
    tpu.vector_store %arg7[%swap3A_23], %scan3A_12#5 {strides = array<i32>} : memref<128xi32, #tpu.memory_space<vmem>>, vector<16xi32>,
    %swap3A_25 = arith.constant 96 : index
    %swap3A_26 = tpu.vector_load %arg7[%swap3A_25] {strides = array<i32>} : memref<128xi32, #tpu.memory_space<vmem>>, vector<16xi32>,
    tpu.vector_store %arg7[%swap3A_25], %scan3A_12#6 {strides = array<i32>} : memref<128xi32, #tpu.memory_space<vmem>>, vector<16xi32>,
    %swap3A_27 = arith.constant 112 : index
    %swap3A_28 = tpu.vector_load %arg7[%swap3A_27] {strides = array<i32>} : memref<128xi32, #tpu.memory_space<vmem>>, vector<16xi32>,
    tpu.vector_store %arg7[%swap3A_27], %scan3A_12#7 {strides = array<i32>} : memref<128xi32, #tpu.memory_space<vmem>>, vector<16xi32>,
    %dma_start3A = arith.constant 0 : i32
    %dma_start3A_29 = arith.constant 0 : i32
    %dma_start3A_30 = tpu.memref_slice %arg8[%dma_start3A, %dma_start3A_29] : memref<200x128xf32, #tpu.memory_space<vmem>> -> memref<96x128xf32, #tpu.memory_space<vmem>>
    %dma_start3A_31 = arith.constant 0 : i32
    %dma_start3A_32 = tpu.memref_slice %arg6[%dma_start3A_31] : memref<25600xi32, #tpu.memory_space<vmem>> -> memref<96xi32, #tpu.memory_space<vmem>>
    %dma_start3A_33 = arith.constant 0 : i32
    %dma_start3A_34 = arith.constant 0 : i32
    %dma_start3A_35 = tpu.memref_slice %arg3[%dma_start3A_33, %dma_start3A_34] : memref<500000x128xf32, #tpu.memory_space<hbm>> -> memref<500000x128xf32, #tpu.memory_space<hbm>>
    tpu.enqueue_indirect_dma source(%dma_start3A_35 : memref<500000x128xf32, #tpu.memory_space<hbm>>) target(%dma_start3A_30 : memref<96x128xf32, #tpu.memory_space<vmem>>) offsets(%dma_start3A_32 : memref<96xi32, #tpu.memory_space<vmem>>) semaphore(%arg11 : memref<!tpu.dma_semaphore, #tpu.memory_space<semaphore_mem>>)
    %dma_start3A_36 = arith.constant 96 : i32
    %dma_start3A_37 = arith.constant 0 : i32
    %dma_start3A_38 = tpu.memref_slice %arg8[%dma_start3A_36, %dma_start3A_37] : memref<200x128xf32, #tpu.memory_space<vmem>> -> memref<104x128xf32, #tpu.memory_space<vmem>>
    %dma_start3A_39 = arith.constant 96 : i32
    %dma_start3A_40 = tpu.memref_slice %arg6[%dma_start3A_39] : memref<25600xi32, #tpu.memory_space<vmem>> -> memref<104xi32, #tpu.memory_space<vmem>>
    %dma_start3A_41 = arith.constant 0 : i32
    %dma_start3A_42 = arith.constant 0 : i32
    %dma_start3A_43 = tpu.memref_slice %arg3[%dma_start3A_41, %dma_start3A_42] : memref<500000x128xf32, #tpu.memory_space<hbm>> -> memref<500000x128xf32, #tpu.memory_space<hbm>>
    tpu.enqueue_indirect_dma source(%dma_start3A_43 : memref<500000x128xf32, #tpu.memory_space<hbm>>) target(%dma_start3A_38 : memref<104x128xf32, #tpu.memory_space<vmem>>) offsets(%dma_start3A_40 : memref<104xi32, #tpu.memory_space<vmem>>) semaphore(%arg11 : memref<!tpu.dma_semaphore, #tpu.memory_space<semaphore_mem>>)
    %dma_start3A_44 = arith.constant 0 : i32
    %dma_start3A_45 = arith.constant 0 : i32
    %dma_start3A_46 = tpu.memref_slice %arg9[%dma_start3A_44, %dma_start3A_45] : memref<200x128xf32, #tpu.memory_space<vmem>> -> memref<96x128xf32, #tpu.memory_space<vmem>>
    %dma_start3A_47 = arith.constant 200 : i32
    %dma_start3A_48 = tpu.memref_slice %arg6[%dma_start3A_47] : memref<25600xi32, #tpu.memory_space<vmem>> -> memref<96xi32, #tpu.memory_space<vmem>>
    %dma_start3A_49 = arith.constant 0 : i32
    %dma_start3A_50 = arith.constant 0 : i32
    %dma_start3A_51 = tpu.memref_slice %arg3[%dma_start3A_49, %dma_start3A_50] : memref<500000x128xf32, #tpu.memory_space<hbm>> -> memref<500000x128xf32, #tpu.memory_space<hbm>>
    tpu.enqueue_indirect_dma source(%dma_start3A_51 : memref<500000x128xf32, #tpu.memory_space<hbm>>) target(%dma_start3A_46 : memref<96x128xf32, #tpu.memory_space<vmem>>) offsets(%dma_start3A_48 : memref<96xi32, #tpu.memory_space<vmem>>) semaphore(%arg12 : memref<!tpu.dma_semaphore, #tpu.memory_space<semaphore_mem>>)
    %dma_start3A_52 = arith.constant 96 : i32
    %dma_start3A_53 = arith.constant 0 : i32
    %dma_start3A_54 = tpu.memref_slice %arg9[%dma_start3A_52, %dma_start3A_53] : memref<200x128xf32, #tpu.memory_space<vmem>> -> memref<104x128xf32, #tpu.memory_space<vmem>>
    %dma_start3A_55 = arith.constant 296 : i32
    %dma_start3A_56 = tpu.memref_slice %arg6[%dma_start3A_55] : memref<25600xi32, #tpu.memory_space<vmem>> -> memref<104xi32, #tpu.memory_space<vmem>>
    %dma_start3A_57 = arith.constant 0 : i32
    %dma_start3A_58 = arith.constant 0 : i32
    %dma_start3A_59 = tpu.memref_slice %arg3[%dma_start3A_57, %dma_start3A_58] : memref<500000x128xf32, #tpu.memory_space<hbm>> -> memref<500000x128xf32, #tpu.memory_space<hbm>>
    tpu.enqueue_indirect_dma source(%dma_start3A_59 : memref<500000x128xf32, #tpu.memory_space<hbm>>) target(%dma_start3A_54 : memref<104x128xf32, #tpu.memory_space<vmem>>) offsets(%dma_start3A_56 : memref<104xi32, #tpu.memory_space<vmem>>) semaphore(%arg12 : memref<!tpu.dma_semaphore, #tpu.memory_space<semaphore_mem>>)
    %scan3A_60 = arith.constant 0 : i32
    %scan3A_61 = arith.constant 0 : i32
    %scan3A_62 = arith.constant 64 : i32
    %scan3A_63 = arith.addi %scan3A_61, %scan3A_62 : i32
    %scan3A_64 = arith.constant 1 : i32
    %scan3A_65 = scf.for %scan3A_67 = %scan3A_61 to %scan3A_63 step %scan3A_64 iter_args(%scan3A_68 = %scan3A_60) -> (i32)  : i32 {
      %mul3A_69 = arith.constant 2 : i32
      %mul3A_70 = arith.muli %mul3A_69, %scan3A_67 : i32
      %add3A_71 = arith.constant 0 : i32
      %add3A_72 = arith.addi %mul3A_70, %add3A_71 : i32
      %mul3A_73 = arith.constant 200 : i32
      %mul3A_74 = arith.muli %add3A_72, %mul3A_73 : i32
      %add3A_75 = arith.constant 96 : i32
      %add3A_76 = arith.addi %mul3A_74, %add3A_75 : i32
      %dma_wait3A = arith.constant 0 : i32
      %dma_wait3A_77 = arith.constant 0 : i32
      %dma_wait3A_78 = tpu.memref_slice %arg8[%dma_wait3A, %dma_wait3A_77] : memref<200x128xf32, #tpu.memory_space<vmem>> -> memref<96x128xf32, #tpu.memory_space<vmem>>
      %dma_wait3A_79 = tpu.memref_slice %arg6[%mul3A_74] : memref<25600xi32, #tpu.memory_space<vmem>> -> memref<96xi32, #tpu.memory_space<vmem>>
      %dma_wait3A_80 = arith.constant 0 : i32
      %dma_wait3A_81 = arith.constant 0 : i32
      %dma_wait3A_82 = tpu.memref_slice %arg3[%dma_wait3A_80, %dma_wait3A_81] : memref<500000x128xf32, #tpu.memory_space<hbm>> -> memref<500000x128xf32, #tpu.memory_space<hbm>>
      tpu.wait_indirect_dma semaphore(%arg11 : memref<!tpu.dma_semaphore, #tpu.memory_space<semaphore_mem>>) src(%dma_wait3A_82 : memref<500000x128xf32, #tpu.memory_space<hbm>>) dst(%dma_wait3A_78 : memref<96x128xf32, #tpu.memory_space<vmem>>)
      %dma_wait3A_83 = arith.constant 96 : i32
      %dma_wait3A_84 = arith.constant 0 : i32
      %dma_wait3A_85 = tpu.memref_slice %arg8[%dma_wait3A_83, %dma_wait3A_84] : memref<200x128xf32, #tpu.memory_space<vmem>> -> memref<104x128xf32, #tpu.memory_space<vmem>>
      %dma_wait3A_86 = tpu.memref_slice %arg6[%add3A_76] : memref<25600xi32, #tpu.memory_space<vmem>> -> memref<104xi32, #tpu.memory_space<vmem>>
      %dma_wait3A_87 = arith.constant 0 : i32
      %dma_wait3A_88 = arith.constant 0 : i32
      %dma_wait3A_89 = tpu.memref_slice %arg3[%dma_wait3A_87, %dma_wait3A_88] : memref<500000x128xf32, #tpu.memory_space<hbm>> -> memref<500000x128xf32, #tpu.memory_space<hbm>>
      tpu.wait_indirect_dma semaphore(%arg11 : memref<!tpu.dma_semaphore, #tpu.memory_space<semaphore_mem>>) src(%dma_wait3A_89 : memref<500000x128xf32, #tpu.memory_space<hbm>>) dst(%dma_wait3A_85 : memref<104x128xf32, #tpu.memory_space<vmem>>)
      %broadcast_in_dim3A_90 = arith.constant 0.000000e+00 : f32
      %broadcast_in_dim3A_91 = vector.broadcast %broadcast_in_dim3A_90 : f32 to vector<16xf32>
      %broadcast_in_dim3A_92 = vector.broadcast %add3A_72 : i32 to vector<16xi32>
      %gather3A = tpu.vector_load_idx %arg7[%broadcast_in_dim3A_92] : memref<128xi32, #tpu.memory_space<vmem>>[vector<16xi32>], vector<16xi32>,
      %scan3A_93 = arith.constant 0 : i32
      %scan3A_94 = arith.constant 25 : i32
      %scan3A_95 = arith.addi %scan3A_93, %scan3A_94 : i32
      %scan3A_96 = arith.constant 1 : i32
      %scan3A_97:4 = scf.for %scan3A_167 = %scan3A_93 to %scan3A_95 step %scan3A_96 iter_args(%scan3A_168 = %broadcast_in_dim3A_91, %scan3A_169 = %broadcast_in_dim3A_91, %scan3A_170 = %broadcast_in_dim3A_91, %scan3A_171 = %broadcast_in_dim3A_91) -> (vector<16xf32>, vector<16xf32>, vector<16xf32>, vector<16xf32>)  : i32 {
        %mul3A_172 = arith.constant 8 : i32
        %mul3A_173 = arith.muli %scan3A_167, %mul3A_172 : i32
        %add3A_174 = arith.constant 0 : i32
        %add3A_175 = arith.addi %mul3A_173, %add3A_174 : i32
        %broadcast_in_dim3A_176 = vector.broadcast %add3A_175 : i32 to vector<16xi32>
        %lt3A_177 = arith.cmpi slt, %broadcast_in_dim3A_176, %gather3A : vector<16xi32>
        %get3A = arith.index_cast %add3A_175 : i32 to index
        %get3A_178 = arith.constant 0 : index
        %get3A_179 = tpu.vector_load %arg8[%get3A, %get3A_178] {strides = array<i32>} : memref<200x128xf32, #tpu.memory_space<vmem>>, vector<16xf32>,
        %get3A_180 = arith.index_cast %add3A_175 : i32 to index
        %get3A_181 = arith.constant 64 : index
        %get3A_182 = tpu.vector_load %arg8[%get3A_180, %get3A_181] {strides = array<i32>} : memref<200x128xf32, #tpu.memory_space<vmem>>, vector<16xf32>,
        %select_n3A = arith.select %lt3A_177, %get3A_179, %get3A_182 : vector<16xi1>, vector<16xf32>
        %get3A_183 = arith.index_cast %add3A_175 : i32 to index
        %get3A_184 = arith.constant 16 : index
        %get3A_185 = tpu.vector_load %arg8[%get3A_183, %get3A_184] {strides = array<i32>} : memref<200x128xf32, #tpu.memory_space<vmem>>, vector<16xf32>,
        %get3A_186 = arith.index_cast %add3A_175 : i32 to index
        %get3A_187 = arith.constant 80 : index
        %get3A_188 = tpu.vector_load %arg8[%get3A_186, %get3A_187] {strides = array<i32>} : memref<200x128xf32, #tpu.memory_space<vmem>>, vector<16xf32>,
        %select_n3A_189 = arith.select %lt3A_177, %get3A_185, %get3A_188 : vector<16xi1>, vector<16xf32>
        %get3A_190 = arith.index_cast %add3A_175 : i32 to index
        %get3A_191 = arith.constant 32 : index
        %get3A_192 = tpu.vector_load %arg8[%get3A_190, %get3A_191] {strides = array<i32>} : memref<200x128xf32, #tpu.memory_space<vmem>>, vector<16xf32>,
        %get3A_193 = arith.index_cast %add3A_175 : i32 to index
        %get3A_194 = arith.constant 96 : index
        %get3A_195 = tpu.vector_load %arg8[%get3A_193, %get3A_194] {strides = array<i32>} : memref<200x128xf32, #tpu.memory_space<vmem>>, vector<16xf32>,
        %select_n3A_196 = arith.select %lt3A_177, %get3A_192, %get3A_195 : vector<16xi1>, vector<16xf32>
        %get3A_197 = arith.index_cast %add3A_175 : i32 to index
        %get3A_198 = arith.constant 48 : index
        %get3A_199 = tpu.vector_load %arg8[%get3A_197, %get3A_198] {strides = array<i32>} : memref<200x128xf32, #tpu.memory_space<vmem>>, vector<16xf32>,
        %get3A_200 = arith.index_cast %add3A_175 : i32 to index
        %get3A_201 = arith.constant 112 : index
        %get3A_202 = tpu.vector_load %arg8[%get3A_200, %get3A_201] {strides = array<i32>} : memref<200x128xf32, #tpu.memory_space<vmem>>, vector<16xf32>,
        %select_n3A_203 = arith.select %lt3A_177, %get3A_199, %get3A_202 : vector<16xi1>, vector<16xf32>
        %add3A_204 = arith.addf %scan3A_168, %select_n3A : vector<16xf32>
        %add3A_205 = arith.addf %scan3A_169, %select_n3A_189 : vector<16xf32>
        %add3A_206 = arith.addf %scan3A_170, %select_n3A_196 : vector<16xf32>
        %add3A_207 = arith.addf %scan3A_171, %select_n3A_203 : vector<16xf32>
        %mul3A_208 = arith.constant 8 : i32
        %mul3A_209 = arith.muli %scan3A_167, %mul3A_208 : i32
        %add3A_210 = arith.constant 1 : i32
        %add3A_211 = arith.addi %mul3A_209, %add3A_210 : i32
        %broadcast_in_dim3A_212 = vector.broadcast %add3A_211 : i32 to vector<16xi32>
        %lt3A_213 = arith.cmpi slt, %broadcast_in_dim3A_212, %gather3A : vector<16xi32>
        %get3A_214 = arith.index_cast %add3A_211 : i32 to index
        %get3A_215 = arith.constant 0 : index
        %get3A_216 = tpu.vector_load %arg8[%get3A_214, %get3A_215] {strides = array<i32>} : memref<200x128xf32, #tpu.memory_space<vmem>>, vector<16xf32>,
        %get3A_217 = arith.index_cast %add3A_211 : i32 to index
        %get3A_218 = arith.constant 64 : index
        %get3A_219 = tpu.vector_load %arg8[%get3A_217, %get3A_218] {strides = array<i32>} : memref<200x128xf32, #tpu.memory_space<vmem>>, vector<16xf32>,
        %select_n3A_220 = arith.select %lt3A_213, %get3A_216, %get3A_219 : vector<16xi1>, vector<16xf32>
        %get3A_221 = arith.index_cast %add3A_211 : i32 to index
        %get3A_222 = arith.constant 16 : index
        %get3A_223 = tpu.vector_load %arg8[%get3A_221, %get3A_222] {strides = array<i32>} : memref<200x128xf32, #tpu.memory_space<vmem>>, vector<16xf32>,
        %get3A_224 = arith.index_cast %add3A_211 : i32 to index
        %get3A_225 = arith.constant 80 : index
        %get3A_226 = tpu.vector_load %arg8[%get3A_224, %get3A_225] {strides = array<i32>} : memref<200x128xf32, #tpu.memory_space<vmem>>, vector<16xf32>,
        %select_n3A_227 = arith.select %lt3A_213, %get3A_223, %get3A_226 : vector<16xi1>, vector<16xf32>
        %get3A_228 = arith.index_cast %add3A_211 : i32 to index
        %get3A_229 = arith.constant 32 : index
        %get3A_230 = tpu.vector_load %arg8[%get3A_228, %get3A_229] {strides = array<i32>} : memref<200x128xf32, #tpu.memory_space<vmem>>, vector<16xf32>,
        %get3A_231 = arith.index_cast %add3A_211 : i32 to index
        %get3A_232 = arith.constant 96 : index
        %get3A_233 = tpu.vector_load %arg8[%get3A_231, %get3A_232] {strides = array<i32>} : memref<200x128xf32, #tpu.memory_space<vmem>>, vector<16xf32>,
        %select_n3A_234 = arith.select %lt3A_213, %get3A_230, %get3A_233 : vector<16xi1>, vector<16xf32>
        %get3A_235 = arith.index_cast %add3A_211 : i32 to index
        %get3A_236 = arith.constant 48 : index
        %get3A_237 = tpu.vector_load %arg8[%get3A_235, %get3A_236] {strides = array<i32>} : memref<200x128xf32, #tpu.memory_space<vmem>>, vector<16xf32>,
        %get3A_238 = arith.index_cast %add3A_211 : i32 to index
        %get3A_239 = arith.constant 112 : index
        %get3A_240 = tpu.vector_load %arg8[%get3A_238, %get3A_239] {strides = array<i32>} : memref<200x128xf32, #tpu.memory_space<vmem>>, vector<16xf32>,
        %select_n3A_241 = arith.select %lt3A_213, %get3A_237, %get3A_240 : vector<16xi1>, vector<16xf32>
        %add3A_242 = arith.addf %add3A_204, %select_n3A_220 : vector<16xf32>
        %add3A_243 = arith.addf %add3A_205, %select_n3A_227 : vector<16xf32>
        %add3A_244 = arith.addf %add3A_206, %select_n3A_234 : vector<16xf32>
        %add3A_245 = arith.addf %add3A_207, %select_n3A_241 : vector<16xf32>
        %mul3A_246 = arith.constant 8 : i32
        %mul3A_247 = arith.muli %scan3A_167, %mul3A_246 : i32
        %add3A_248 = arith.constant 2 : i32
        %add3A_249 = arith.addi %mul3A_247, %add3A_248 : i32
        %broadcast_in_dim3A_250 = vector.broadcast %add3A_249 : i32 to vector<16xi32>
        %lt3A_251 = arith.cmpi slt, %broadcast_in_dim3A_250, %gather3A : vector<16xi32>
        %get3A_252 = arith.index_cast %add3A_249 : i32 to index
        %get3A_253 = arith.constant 0 : index
        %get3A_254 = tpu.vector_load %arg8[%get3A_252, %get3A_253] {strides = array<i32>} : memref<200x128xf32, #tpu.memory_space<vmem>>, vector<16xf32>,
        %get3A_255 = arith.index_cast %add3A_249 : i32 to index
        %get3A_256 = arith.constant 64 : index
        %get3A_257 = tpu.vector_load %arg8[%get3A_255, %get3A_256] {strides = array<i32>} : memref<200x128xf32, #tpu.memory_space<vmem>>, vector<16xf32>,
        %select_n3A_258 = arith.select %lt3A_251, %get3A_254, %get3A_257 : vector<16xi1>, vector<16xf32>
        %get3A_259 = arith.index_cast %add3A_249 : i32 to index
        %get3A_260 = arith.constant 16 : index
        %get3A_261 = tpu.vector_load %arg8[%get3A_259, %get3A_260] {strides = array<i32>} : memref<200x128xf32, #tpu.memory_space<vmem>>, vector<16xf32>,
        %get3A_262 = arith.index_cast %add3A_249 : i32 to index
        %get3A_263 = arith.constant 80 : index
        %get3A_264 = tpu.vector_load %arg8[%get3A_262, %get3A_263] {strides = array<i32>} : memref<200x128xf32, #tpu.memory_space<vmem>>, vector<16xf32>,
        %select_n3A_265 = arith.select %lt3A_251, %get3A_261, %get3A_264 : vector<16xi1>, vector<16xf32>
        %get3A_266 = arith.index_cast %add3A_249 : i32 to index
        %get3A_267 = arith.constant 32 : index
        %get3A_268 = tpu.vector_load %arg8[%get3A_266, %get3A_267] {strides = array<i32>} : memref<200x128xf32, #tpu.memory_space<vmem>>, vector<16xf32>,
        %get3A_269 = arith.index_cast %add3A_249 : i32 to index
        %get3A_270 = arith.constant 96 : index
        %get3A_271 = tpu.vector_load %arg8[%get3A_269, %get3A_270] {strides = array<i32>} : memref<200x128xf32, #tpu.memory_space<vmem>>, vector<16xf32>,
        %select_n3A_272 = arith.select %lt3A_251, %get3A_268, %get3A_271 : vector<16xi1>, vector<16xf32>
        %get3A_273 = arith.index_cast %add3A_249 : i32 to index
        %get3A_274 = arith.constant 48 : index
        %get3A_275 = tpu.vector_load %arg8[%get3A_273, %get3A_274] {strides = array<i32>} : memref<200x128xf32, #tpu.memory_space<vmem>>, vector<16xf32>,
        %get3A_276 = arith.index_cast %add3A_249 : i32 to index
        %get3A_277 = arith.constant 112 : index
        %get3A_278 = tpu.vector_load %arg8[%get3A_276, %get3A_277] {strides = array<i32>} : memref<200x128xf32, #tpu.memory_space<vmem>>, vector<16xf32>,
        %select_n3A_279 = arith.select %lt3A_251, %get3A_275, %get3A_278 : vector<16xi1>, vector<16xf32>
        %add3A_280 = arith.addf %add3A_242, %select_n3A_258 : vector<16xf32>
        %add3A_281 = arith.addf %add3A_243, %select_n3A_265 : vector<16xf32>
        %add3A_282 = arith.addf %add3A_244, %select_n3A_272 : vector<16xf32>
        %add3A_283 = arith.addf %add3A_245, %select_n3A_279 : vector<16xf32>
        %mul3A_284 = arith.constant 8 : i32
        %mul3A_285 = arith.muli %scan3A_167, %mul3A_284 : i32
        %add3A_286 = arith.constant 3 : i32
        %add3A_287 = arith.addi %mul3A_285, %add3A_286 : i32
        %broadcast_in_dim3A_288 = vector.broadcast %add3A_287 : i32 to vector<16xi32>
        %lt3A_289 = arith.cmpi slt, %broadcast_in_dim3A_288, %gather3A : vector<16xi32>
        %get3A_290 = arith.index_cast %add3A_287 : i32 to index
        %get3A_291 = arith.constant 0 : index
        %get3A_292 = tpu.vector_load %arg8[%get3A_290, %get3A_291] {strides = array<i32>} : memref<200x128xf32, #tpu.memory_space<vmem>>, vector<16xf32>,
        %get3A_293 = arith.index_cast %add3A_287 : i32 to index
        %get3A_294 = arith.constant 64 : index
        %get3A_295 = tpu.vector_load %arg8[%get3A_293, %get3A_294] {strides = array<i32>} : memref<200x128xf32, #tpu.memory_space<vmem>>, vector<16xf32>,
        %select_n3A_296 = arith.select %lt3A_289, %get3A_292, %get3A_295 : vector<16xi1>, vector<16xf32>
        %get3A_297 = arith.index_cast %add3A_287 : i32 to index
        %get3A_298 = arith.constant 16 : index
        %get3A_299 = tpu.vector_load %arg8[%get3A_297, %get3A_298] {strides = array<i32>} : memref<200x128xf32, #tpu.memory_space<vmem>>, vector<16xf32>,
        %get3A_300 = arith.index_cast %add3A_287 : i32 to index
        %get3A_301 = arith.constant 80 : index
        %get3A_302 = tpu.vector_load %arg8[%get3A_300, %get3A_301] {strides = array<i32>} : memref<200x128xf32, #tpu.memory_space<vmem>>, vector<16xf32>,
        %select_n3A_303 = arith.select %lt3A_289, %get3A_299, %get3A_302 : vector<16xi1>, vector<16xf32>
        %get3A_304 = arith.index_cast %add3A_287 : i32 to index
        %get3A_305 = arith.constant 32 : index
        %get3A_306 = tpu.vector_load %arg8[%get3A_304, %get3A_305] {strides = array<i32>} : memref<200x128xf32, #tpu.memory_space<vmem>>, vector<16xf32>,
        %get3A_307 = arith.index_cast %add3A_287 : i32 to index
        %get3A_308 = arith.constant 96 : index
        %get3A_309 = tpu.vector_load %arg8[%get3A_307, %get3A_308] {strides = array<i32>} : memref<200x128xf32, #tpu.memory_space<vmem>>, vector<16xf32>,
        %select_n3A_310 = arith.select %lt3A_289, %get3A_306, %get3A_309 : vector<16xi1>, vector<16xf32>
        %get3A_311 = arith.index_cast %add3A_287 : i32 to index
        %get3A_312 = arith.constant 48 : index
        %get3A_313 = tpu.vector_load %arg8[%get3A_311, %get3A_312] {strides = array<i32>} : memref<200x128xf32, #tpu.memory_space<vmem>>, vector<16xf32>,
        %get3A_314 = arith.index_cast %add3A_287 : i32 to index
        %get3A_315 = arith.constant 112 : index
        %get3A_316 = tpu.vector_load %arg8[%get3A_314, %get3A_315] {strides = array<i32>} : memref<200x128xf32, #tpu.memory_space<vmem>>, vector<16xf32>,
        %select_n3A_317 = arith.select %lt3A_289, %get3A_313, %get3A_316 : vector<16xi1>, vector<16xf32>
        %add3A_318 = arith.addf %add3A_280, %select_n3A_296 : vector<16xf32>
        %add3A_319 = arith.addf %add3A_281, %select_n3A_303 : vector<16xf32>
        %add3A_320 = arith.addf %add3A_282, %select_n3A_310 : vector<16xf32>
        %add3A_321 = arith.addf %add3A_283, %select_n3A_317 : vector<16xf32>
        %mul3A_322 = arith.constant 8 : i32
        %mul3A_323 = arith.muli %scan3A_167, %mul3A_322 : i32
        %add3A_324 = arith.constant 4 : i32
        %add3A_325 = arith.addi %mul3A_323, %add3A_324 : i32
        %broadcast_in_dim3A_326 = vector.broadcast %add3A_325 : i32 to vector<16xi32>
        %lt3A_327 = arith.cmpi slt, %broadcast_in_dim3A_326, %gather3A : vector<16xi32>
        %get3A_328 = arith.index_cast %add3A_325 : i32 to index
        %get3A_329 = arith.constant 0 : index
        %get3A_330 = tpu.vector_load %arg8[%get3A_328, %get3A_329] {strides = array<i32>} : memref<200x128xf32, #tpu.memory_space<vmem>>, vector<16xf32>,
        %get3A_331 = arith.index_cast %add3A_325 : i32 to index
        %get3A_332 = arith.constant 64 : index
        %get3A_333 = tpu.vector_load %arg8[%get3A_331, %get3A_332] {strides = array<i32>} : memref<200x128xf32, #tpu.memory_space<vmem>>, vector<16xf32>,
        %select_n3A_334 = arith.select %lt3A_327, %get3A_330, %get3A_333 : vector<16xi1>, vector<16xf32>
        %get3A_335 = arith.index_cast %add3A_325 : i32 to index
        %get3A_336 = arith.constant 16 : index
        %get3A_337 = tpu.vector_load %arg8[%get3A_335, %get3A_336] {strides = array<i32>} : memref<200x128xf32, #tpu.memory_space<vmem>>, vector<16xf32>,
        %get3A_338 = arith.index_cast %add3A_325 : i32 to index
        %get3A_339 = arith.constant 80 : index
        %get3A_340 = tpu.vector_load %arg8[%get3A_338, %get3A_339] {strides = array<i32>} : memref<200x128xf32, #tpu.memory_space<vmem>>, vector<16xf32>,
        %select_n3A_341 = arith.select %lt3A_327, %get3A_337, %get3A_340 : vector<16xi1>, vector<16xf32>
        %get3A_342 = arith.index_cast %add3A_325 : i32 to index
        %get3A_343 = arith.constant 32 : index
        %get3A_344 = tpu.vector_load %arg8[%get3A_342, %get3A_343] {strides = array<i32>} : memref<200x128xf32, #tpu.memory_space<vmem>>, vector<16xf32>,
        %get3A_345 = arith.index_cast %add3A_325 : i32 to index
        %get3A_346 = arith.constant 96 : index
        %get3A_347 = tpu.vector_load %arg8[%get3A_345, %get3A_346] {strides = array<i32>} : memref<200x128xf32, #tpu.memory_space<vmem>>, vector<16xf32>,
        %select_n3A_348 = arith.select %lt3A_327, %get3A_344, %get3A_347 : vector<16xi1>, vector<16xf32>
        %get3A_349 = arith.index_cast %add3A_325 : i32 to index
        %get3A_350 = arith.constant 48 : index
        %get3A_351 = tpu.vector_load %arg8[%get3A_349, %get3A_350] {strides = array<i32>} : memref<200x128xf32, #tpu.memory_space<vmem>>, vector<16xf32>,
        %get3A_352 = arith.index_cast %add3A_325 : i32 to index
        %get3A_353 = arith.constant 112 : index
        %get3A_354 = tpu.vector_load %arg8[%get3A_352, %get3A_353] {strides = array<i32>} : memref<200x128xf32, #tpu.memory_space<vmem>>, vector<16xf32>,
        %select_n3A_355 = arith.select %lt3A_327, %get3A_351, %get3A_354 : vector<16xi1>, vector<16xf32>
        %add3A_356 = arith.addf %add3A_318, %select_n3A_334 : vector<16xf32>
        %add3A_357 = arith.addf %add3A_319, %select_n3A_341 : vector<16xf32>
        %add3A_358 = arith.addf %add3A_320, %select_n3A_348 : vector<16xf32>
        %add3A_359 = arith.addf %add3A_321, %select_n3A_355 : vector<16xf32>
        %mul3A_360 = arith.constant 8 : i32
        %mul3A_361 = arith.muli %scan3A_167, %mul3A_360 : i32
        %add3A_362 = arith.constant 5 : i32
        %add3A_363 = arith.addi %mul3A_361, %add3A_362 : i32
        %broadcast_in_dim3A_364 = vector.broadcast %add3A_363 : i32 to vector<16xi32>
        %lt3A_365 = arith.cmpi slt, %broadcast_in_dim3A_364, %gather3A : vector<16xi32>
        %get3A_366 = arith.index_cast %add3A_363 : i32 to index
        %get3A_367 = arith.constant 0 : index
        %get3A_368 = tpu.vector_load %arg8[%get3A_366, %get3A_367] {strides = array<i32>} : memref<200x128xf32, #tpu.memory_space<vmem>>, vector<16xf32>,
        %get3A_369 = arith.index_cast %add3A_363 : i32 to index
        %get3A_370 = arith.constant 64 : index
        %get3A_371 = tpu.vector_load %arg8[%get3A_369, %get3A_370] {strides = array<i32>} : memref<200x128xf32, #tpu.memory_space<vmem>>, vector<16xf32>,
        %select_n3A_372 = arith.select %lt3A_365, %get3A_368, %get3A_371 : vector<16xi1>, vector<16xf32>
        %get3A_373 = arith.index_cast %add3A_363 : i32 to index
        %get3A_374 = arith.constant 16 : index
        %get3A_375 = tpu.vector_load %arg8[%get3A_373, %get3A_374] {strides = array<i32>} : memref<200x128xf32, #tpu.memory_space<vmem>>, vector<16xf32>,
        %get3A_376 = arith.index_cast %add3A_363 : i32 to index
        %get3A_377 = arith.constant 80 : index
        %get3A_378 = tpu.vector_load %arg8[%get3A_376, %get3A_377] {strides = array<i32>} : memref<200x128xf32, #tpu.memory_space<vmem>>, vector<16xf32>,
        %select_n3A_379 = arith.select %lt3A_365, %get3A_375, %get3A_378 : vector<16xi1>, vector<16xf32>
        %get3A_380 = arith.index_cast %add3A_363 : i32 to index
        %get3A_381 = arith.constant 32 : index
        %get3A_382 = tpu.vector_load %arg8[%get3A_380, %get3A_381] {strides = array<i32>} : memref<200x128xf32, #tpu.memory_space<vmem>>, vector<16xf32>,
        %get3A_383 = arith.index_cast %add3A_363 : i32 to index
        %get3A_384 = arith.constant 96 : index
        %get3A_385 = tpu.vector_load %arg8[%get3A_383, %get3A_384] {strides = array<i32>} : memref<200x128xf32, #tpu.memory_space<vmem>>, vector<16xf32>,
        %select_n3A_386 = arith.select %lt3A_365, %get3A_382, %get3A_385 : vector<16xi1>, vector<16xf32>
        %get3A_387 = arith.index_cast %add3A_363 : i32 to index
        %get3A_388 = arith.constant 48 : index
        %get3A_389 = tpu.vector_load %arg8[%get3A_387, %get3A_388] {strides = array<i32>} : memref<200x128xf32, #tpu.memory_space<vmem>>, vector<16xf32>,
        %get3A_390 = arith.index_cast %add3A_363 : i32 to index
        %get3A_391 = arith.constant 112 : index
        %get3A_392 = tpu.vector_load %arg8[%get3A_390, %get3A_391] {strides = array<i32>} : memref<200x128xf32, #tpu.memory_space<vmem>>, vector<16xf32>,
        %select_n3A_393 = arith.select %lt3A_365, %get3A_389, %get3A_392 : vector<16xi1>, vector<16xf32>
        %add3A_394 = arith.addf %add3A_356, %select_n3A_372 : vector<16xf32>
        %add3A_395 = arith.addf %add3A_357, %select_n3A_379 : vector<16xf32>
        %add3A_396 = arith.addf %add3A_358, %select_n3A_386 : vector<16xf32>
        %add3A_397 = arith.addf %add3A_359, %select_n3A_393 : vector<16xf32>
        %mul3A_398 = arith.constant 8 : i32
        %mul3A_399 = arith.muli %scan3A_167, %mul3A_398 : i32
        %add3A_400 = arith.constant 6 : i32
        %add3A_401 = arith.addi %mul3A_399, %add3A_400 : i32
        %broadcast_in_dim3A_402 = vector.broadcast %add3A_401 : i32 to vector<16xi32>
        %lt3A_403 = arith.cmpi slt, %broadcast_in_dim3A_402, %gather3A : vector<16xi32>
        %get3A_404 = arith.index_cast %add3A_401 : i32 to index
        %get3A_405 = arith.constant 0 : index
        %get3A_406 = tpu.vector_load %arg8[%get3A_404, %get3A_405] {strides = array<i32>} : memref<200x128xf32, #tpu.memory_space<vmem>>, vector<16xf32>,
        %get3A_407 = arith.index_cast %add3A_401 : i32 to index
        %get3A_408 = arith.constant 64 : index
        %get3A_409 = tpu.vector_load %arg8[%get3A_407, %get3A_408] {strides = array<i32>} : memref<200x128xf32, #tpu.memory_space<vmem>>, vector<16xf32>,
        %select_n3A_410 = arith.select %lt3A_403, %get3A_406, %get3A_409 : vector<16xi1>, vector<16xf32>
        %get3A_411 = arith.index_cast %add3A_401 : i32 to index
        %get3A_412 = arith.constant 16 : index
        %get3A_413 = tpu.vector_load %arg8[%get3A_411, %get3A_412] {strides = array<i32>} : memref<200x128xf32, #tpu.memory_space<vmem>>, vector<16xf32>,
        %get3A_414 = arith.index_cast %add3A_401 : i32 to index
        %get3A_415 = arith.constant 80 : index
        %get3A_416 = tpu.vector_load %arg8[%get3A_414, %get3A_415] {strides = array<i32>} : memref<200x128xf32, #tpu.memory_space<vmem>>, vector<16xf32>,
        %select_n3A_417 = arith.select %lt3A_403, %get3A_413, %get3A_416 : vector<16xi1>, vector<16xf32>
        %get3A_418 = arith.index_cast %add3A_401 : i32 to index
        %get3A_419 = arith.constant 32 : index
        %get3A_420 = tpu.vector_load %arg8[%get3A_418, %get3A_419] {strides = array<i32>} : memref<200x128xf32, #tpu.memory_space<vmem>>, vector<16xf32>,
        %get3A_421 = arith.index_cast %add3A_401 : i32 to index
        %get3A_422 = arith.constant 96 : index
        %get3A_423 = tpu.vector_load %arg8[%get3A_421, %get3A_422] {strides = array<i32>} : memref<200x128xf32, #tpu.memory_space<vmem>>, vector<16xf32>,
        %select_n3A_424 = arith.select %lt3A_403, %get3A_420, %get3A_423 : vector<16xi1>, vector<16xf32>
        %get3A_425 = arith.index_cast %add3A_401 : i32 to index
        %get3A_426 = arith.constant 48 : index
        %get3A_427 = tpu.vector_load %arg8[%get3A_425, %get3A_426] {strides = array<i32>} : memref<200x128xf32, #tpu.memory_space<vmem>>, vector<16xf32>,
        %get3A_428 = arith.index_cast %add3A_401 : i32 to index
        %get3A_429 = arith.constant 112 : index
        %get3A_430 = tpu.vector_load %arg8[%get3A_428, %get3A_429] {strides = array<i32>} : memref<200x128xf32, #tpu.memory_space<vmem>>, vector<16xf32>,
        %select_n3A_431 = arith.select %lt3A_403, %get3A_427, %get3A_430 : vector<16xi1>, vector<16xf32>
        %add3A_432 = arith.addf %add3A_394, %select_n3A_410 : vector<16xf32>
        %add3A_433 = arith.addf %add3A_395, %select_n3A_417 : vector<16xf32>
        %add3A_434 = arith.addf %add3A_396, %select_n3A_424 : vector<16xf32>
        %add3A_435 = arith.addf %add3A_397, %select_n3A_431 : vector<16xf32>
        %mul3A_436 = arith.constant 8 : i32
        %mul3A_437 = arith.muli %scan3A_167, %mul3A_436 : i32
        %add3A_438 = arith.constant 7 : i32
        %add3A_439 = arith.addi %mul3A_437, %add3A_438 : i32
        %broadcast_in_dim3A_440 = vector.broadcast %add3A_439 : i32 to vector<16xi32>
        %lt3A_441 = arith.cmpi slt, %broadcast_in_dim3A_440, %gather3A : vector<16xi32>
        %get3A_442 = arith.index_cast %add3A_439 : i32 to index
        %get3A_443 = arith.constant 0 : index
        %get3A_444 = tpu.vector_load %arg8[%get3A_442, %get3A_443] {strides = array<i32>} : memref<200x128xf32, #tpu.memory_space<vmem>>, vector<16xf32>,
        %get3A_445 = arith.index_cast %add3A_439 : i32 to index
        %get3A_446 = arith.constant 64 : index
        %get3A_447 = tpu.vector_load %arg8[%get3A_445, %get3A_446] {strides = array<i32>} : memref<200x128xf32, #tpu.memory_space<vmem>>, vector<16xf32>,
        %select_n3A_448 = arith.select %lt3A_441, %get3A_444, %get3A_447 : vector<16xi1>, vector<16xf32>
        %get3A_449 = arith.index_cast %add3A_439 : i32 to index
        %get3A_450 = arith.constant 16 : index
        %get3A_451 = tpu.vector_load %arg8[%get3A_449, %get3A_450] {strides = array<i32>} : memref<200x128xf32, #tpu.memory_space<vmem>>, vector<16xf32>,
        %get3A_452 = arith.index_cast %add3A_439 : i32 to index
        %get3A_453 = arith.constant 80 : index
        %get3A_454 = tpu.vector_load %arg8[%get3A_452, %get3A_453] {strides = array<i32>} : memref<200x128xf32, #tpu.memory_space<vmem>>, vector<16xf32>,
        %select_n3A_455 = arith.select %lt3A_441, %get3A_451, %get3A_454 : vector<16xi1>, vector<16xf32>
        %get3A_456 = arith.index_cast %add3A_439 : i32 to index
        %get3A_457 = arith.constant 32 : index
        %get3A_458 = tpu.vector_load %arg8[%get3A_456, %get3A_457] {strides = array<i32>} : memref<200x128xf32, #tpu.memory_space<vmem>>, vector<16xf32>,
        %get3A_459 = arith.index_cast %add3A_439 : i32 to index
        %get3A_460 = arith.constant 96 : index
        %get3A_461 = tpu.vector_load %arg8[%get3A_459, %get3A_460] {strides = array<i32>} : memref<200x128xf32, #tpu.memory_space<vmem>>, vector<16xf32>,
        %select_n3A_462 = arith.select %lt3A_441, %get3A_458, %get3A_461 : vector<16xi1>, vector<16xf32>
        %get3A_463 = arith.index_cast %add3A_439 : i32 to index
        %get3A_464 = arith.constant 48 : index
        %get3A_465 = tpu.vector_load %arg8[%get3A_463, %get3A_464] {strides = array<i32>} : memref<200x128xf32, #tpu.memory_space<vmem>>, vector<16xf32>,
        %get3A_466 = arith.index_cast %add3A_439 : i32 to index
        %get3A_467 = arith.constant 112 : index
        %get3A_468 = tpu.vector_load %arg8[%get3A_466, %get3A_467] {strides = array<i32>} : memref<200x128xf32, #tpu.memory_space<vmem>>, vector<16xf32>,
        %select_n3A_469 = arith.select %lt3A_441, %get3A_465, %get3A_468 : vector<16xi1>, vector<16xf32>
        %add3A_470 = arith.addf %add3A_432, %select_n3A_448 : vector<16xf32>
        %add3A_471 = arith.addf %add3A_433, %select_n3A_455 : vector<16xf32>
        %add3A_472 = arith.addf %add3A_434, %select_n3A_462 : vector<16xf32>
        %add3A_473 = arith.addf %add3A_435, %select_n3A_469 : vector<16xf32>
        scf.yield %add3A_470, %add3A_471, %add3A_472, %add3A_473 : vector<16xf32>, vector<16xf32>, vector<16xf32>, vector<16xf32>
      }
      %scan3A_98 = arith.constant 25 : i32
      %add3A_99 = arith.constant 2 : i32
      %add3A_100 = arith.addi %add3A_72, %add3A_99 : i32
      %lt3A = arith.constant 128 : i32
      %lt3A_101 = arith.cmpi slt, %add3A_100, %lt3A : i32
      %convert_element_type3A = arith.extui %lt3A_101 : i1 to i32
      %cond3A = arith.constant 0 : i32
      %cond3A_102 = arith.cmpi ne, %convert_element_type3A, %cond3A : i32
      scf.if %cond3A_102 {
        %mul3A_167 = arith.constant 200 : i32
        %mul3A_168 = arith.muli %add3A_100, %mul3A_167 : i32
        %add3A_169 = arith.constant 96 : i32
        %add3A_170 = arith.addi %mul3A_168, %add3A_169 : i32
        %dma_start3A_171 = arith.constant 0 : i32
        %dma_start3A_172 = arith.constant 0 : i32
        %dma_start3A_173 = tpu.memref_slice %arg8[%dma_start3A_171, %dma_start3A_172] : memref<200x128xf32, #tpu.memory_space<vmem>> -> memref<96x128xf32, #tpu.memory_space<vmem>>
        %dma_start3A_174 = tpu.memref_slice %arg6[%mul3A_168] : memref<25600xi32, #tpu.memory_space<vmem>> -> memref<96xi32, #tpu.memory_space<vmem>>
        %dma_start3A_175 = arith.constant 0 : i32
        %dma_start3A_176 = arith.constant 0 : i32
        %dma_start3A_177 = tpu.memref_slice %arg3[%dma_start3A_175, %dma_start3A_176] : memref<500000x128xf32, #tpu.memory_space<hbm>> -> memref<500000x128xf32, #tpu.memory_space<hbm>>
        tpu.enqueue_indirect_dma source(%dma_start3A_177 : memref<500000x128xf32, #tpu.memory_space<hbm>>) target(%dma_start3A_173 : memref<96x128xf32, #tpu.memory_space<vmem>>) offsets(%dma_start3A_174 : memref<96xi32, #tpu.memory_space<vmem>>) semaphore(%arg11 : memref<!tpu.dma_semaphore, #tpu.memory_space<semaphore_mem>>)
        %dma_start3A_178 = arith.constant 96 : i32
        %dma_start3A_179 = arith.constant 0 : i32
        %dma_start3A_180 = tpu.memref_slice %arg8[%dma_start3A_178, %dma_start3A_179] : memref<200x128xf32, #tpu.memory_space<vmem>> -> memref<104x128xf32, #tpu.memory_space<vmem>>
        %dma_start3A_181 = tpu.memref_slice %arg6[%add3A_170] : memref<25600xi32, #tpu.memory_space<vmem>> -> memref<104xi32, #tpu.memory_space<vmem>>
        %dma_start3A_182 = arith.constant 0 : i32
        %dma_start3A_183 = arith.constant 0 : i32
        %dma_start3A_184 = tpu.memref_slice %arg3[%dma_start3A_182, %dma_start3A_183] : memref<500000x128xf32, #tpu.memory_space<hbm>> -> memref<500000x128xf32, #tpu.memory_space<hbm>>
        tpu.enqueue_indirect_dma source(%dma_start3A_184 : memref<500000x128xf32, #tpu.memory_space<hbm>>) target(%dma_start3A_180 : memref<104x128xf32, #tpu.memory_space<vmem>>) offsets(%dma_start3A_181 : memref<104xi32, #tpu.memory_space<vmem>>) semaphore(%arg11 : memref<!tpu.dma_semaphore, #tpu.memory_space<semaphore_mem>>)
      } else {
      }
      %swap3A_103 = arith.index_cast %add3A_72 : i32 to index
      %swap3A_104 = arith.constant 0 : index
      %swap3A_105 = tpu.vector_load %arg10[%swap3A_103, %swap3A_104] {strides = array<i32>} : memref<128x64xf32, #tpu.memory_space<vmem>>, vector<16xf32>,
      tpu.vector_store %arg10[%swap3A_103, %swap3A_104], %scan3A_97#0 {strides = array<i32>} : memref<128x64xf32, #tpu.memory_space<vmem>>, vector<16xf32>,
      %swap3A_106 = arith.index_cast %add3A_72 : i32 to index
      %swap3A_107 = arith.constant 16 : index
      %swap3A_108 = tpu.vector_load %arg10[%swap3A_106, %swap3A_107] {strides = array<i32>} : memref<128x64xf32, #tpu.memory_space<vmem>>, vector<16xf32>,
      tpu.vector_store %arg10[%swap3A_106, %swap3A_107], %scan3A_97#1 {strides = array<i32>} : memref<128x64xf32, #tpu.memory_space<vmem>>, vector<16xf32>,
      %swap3A_109 = arith.index_cast %add3A_72 : i32 to index
      %swap3A_110 = arith.constant 32 : index
      %swap3A_111 = tpu.vector_load %arg10[%swap3A_109, %swap3A_110] {strides = array<i32>} : memref<128x64xf32, #tpu.memory_space<vmem>>, vector<16xf32>,
      tpu.vector_store %arg10[%swap3A_109, %swap3A_110], %scan3A_97#2 {strides = array<i32>} : memref<128x64xf32, #tpu.memory_space<vmem>>, vector<16xf32>,
      %swap3A_112 = arith.index_cast %add3A_72 : i32 to index
      %swap3A_113 = arith.constant 48 : index
      %swap3A_114 = tpu.vector_load %arg10[%swap3A_112, %swap3A_113] {strides = array<i32>} : memref<128x64xf32, #tpu.memory_space<vmem>>, vector<16xf32>,
      tpu.vector_store %arg10[%swap3A_112, %swap3A_113], %scan3A_97#3 {strides = array<i32>} : memref<128x64xf32, #tpu.memory_space<vmem>>, vector<16xf32>,
      %mul3A_115 = arith.constant 2 : i32
      %mul3A_116 = arith.muli %mul3A_115, %scan3A_67 : i32
      %add3A_117 = arith.constant 1 : i32
      %add3A_118 = arith.addi %mul3A_116, %add3A_117 : i32
      %mul3A_119 = arith.constant 200 : i32
      %mul3A_120 = arith.muli %add3A_118, %mul3A_119 : i32
      %add3A_121 = arith.constant 96 : i32
      %add3A_122 = arith.addi %mul3A_120, %add3A_121 : i32
      %dma_wait3A_123 = arith.constant 0 : i32
      %dma_wait3A_124 = arith.constant 0 : i32
      %dma_wait3A_125 = tpu.memref_slice %arg9[%dma_wait3A_123, %dma_wait3A_124] : memref<200x128xf32, #tpu.memory_space<vmem>> -> memref<96x128xf32, #tpu.memory_space<vmem>>
      %dma_wait3A_126 = tpu.memref_slice %arg6[%mul3A_120] : memref<25600xi32, #tpu.memory_space<vmem>> -> memref<96xi32, #tpu.memory_space<vmem>>
      %dma_wait3A_127 = arith.constant 0 : i32
      %dma_wait3A_128 = arith.constant 0 : i32
      %dma_wait3A_129 = tpu.memref_slice %arg3[%dma_wait3A_127, %dma_wait3A_128] : memref<500000x128xf32, #tpu.memory_space<hbm>> -> memref<500000x128xf32, #tpu.memory_space<hbm>>
      tpu.wait_indirect_dma semaphore(%arg12 : memref<!tpu.dma_semaphore, #tpu.memory_space<semaphore_mem>>) src(%dma_wait3A_129 : memref<500000x128xf32, #tpu.memory_space<hbm>>) dst(%dma_wait3A_125 : memref<96x128xf32, #tpu.memory_space<vmem>>)
      %dma_wait3A_130 = arith.constant 96 : i32
      %dma_wait3A_131 = arith.constant 0 : i32
      %dma_wait3A_132 = tpu.memref_slice %arg9[%dma_wait3A_130, %dma_wait3A_131] : memref<200x128xf32, #tpu.memory_space<vmem>> -> memref<104x128xf32, #tpu.memory_space<vmem>>
      %dma_wait3A_133 = tpu.memref_slice %arg6[%add3A_122] : memref<25600xi32, #tpu.memory_space<vmem>> -> memref<104xi32, #tpu.memory_space<vmem>>
      %dma_wait3A_134 = arith.constant 0 : i32
      %dma_wait3A_135 = arith.constant 0 : i32
      %dma_wait3A_136 = tpu.memref_slice %arg3[%dma_wait3A_134, %dma_wait3A_135] : memref<500000x128xf32, #tpu.memory_space<hbm>> -> memref<500000x128xf32, #tpu.memory_space<hbm>>
      tpu.wait_indirect_dma semaphore(%arg12 : memref<!tpu.dma_semaphore, #tpu.memory_space<semaphore_mem>>) src(%dma_wait3A_136 : memref<500000x128xf32, #tpu.memory_space<hbm>>) dst(%dma_wait3A_132 : memref<104x128xf32, #tpu.memory_space<vmem>>)
      %broadcast_in_dim3A_137 = arith.constant 0.000000e+00 : f32
      %broadcast_in_dim3A_138 = vector.broadcast %broadcast_in_dim3A_137 : f32 to vector<16xf32>
      %broadcast_in_dim3A_139 = vector.broadcast %add3A_118 : i32 to vector<16xi32>
      %gather3A_140 = tpu.vector_load_idx %arg7[%broadcast_in_dim3A_139] : memref<128xi32, #tpu.memory_space<vmem>>[vector<16xi32>], vector<16xi32>,
      %scan3A_141 = arith.constant 0 : i32
      %scan3A_142 = arith.constant 25 : i32
      %scan3A_143 = arith.addi %scan3A_141, %scan3A_142 : i32
      %scan3A_144 = arith.constant 1 : i32
      %scan3A_145:4 = scf.for %scan3A_167 = %scan3A_141 to %scan3A_143 step %scan3A_144 iter_args(%scan3A_168 = %broadcast_in_dim3A_138, %scan3A_169 = %broadcast_in_dim3A_138, %scan3A_170 = %broadcast_in_dim3A_138, %scan3A_171 = %broadcast_in_dim3A_138) -> (vector<16xf32>, vector<16xf32>, vector<16xf32>, vector<16xf32>)  : i32 {
        %mul3A_172 = arith.constant 8 : i32
        %mul3A_173 = arith.muli %scan3A_167, %mul3A_172 : i32
        %add3A_174 = arith.constant 0 : i32
        %add3A_175 = arith.addi %mul3A_173, %add3A_174 : i32
        %broadcast_in_dim3A_176 = vector.broadcast %add3A_175 : i32 to vector<16xi32>
        %lt3A_177 = arith.cmpi slt, %broadcast_in_dim3A_176, %gather3A_140 : vector<16xi32>
        %get3A = arith.index_cast %add3A_175 : i32 to index
        %get3A_178 = arith.constant 0 : index
        %get3A_179 = tpu.vector_load %arg9[%get3A, %get3A_178] {strides = array<i32>} : memref<200x128xf32, #tpu.memory_space<vmem>>, vector<16xf32>,
        %get3A_180 = arith.index_cast %add3A_175 : i32 to index
        %get3A_181 = arith.constant 64 : index
        %get3A_182 = tpu.vector_load %arg9[%get3A_180, %get3A_181] {strides = array<i32>} : memref<200x128xf32, #tpu.memory_space<vmem>>, vector<16xf32>,
        %select_n3A = arith.select %lt3A_177, %get3A_179, %get3A_182 : vector<16xi1>, vector<16xf32>
        %get3A_183 = arith.index_cast %add3A_175 : i32 to index
        %get3A_184 = arith.constant 16 : index
        %get3A_185 = tpu.vector_load %arg9[%get3A_183, %get3A_184] {strides = array<i32>} : memref<200x128xf32, #tpu.memory_space<vmem>>, vector<16xf32>,
        %get3A_186 = arith.index_cast %add3A_175 : i32 to index
        %get3A_187 = arith.constant 80 : index
        %get3A_188 = tpu.vector_load %arg9[%get3A_186, %get3A_187] {strides = array<i32>} : memref<200x128xf32, #tpu.memory_space<vmem>>, vector<16xf32>,
        %select_n3A_189 = arith.select %lt3A_177, %get3A_185, %get3A_188 : vector<16xi1>, vector<16xf32>
        %get3A_190 = arith.index_cast %add3A_175 : i32 to index
        %get3A_191 = arith.constant 32 : index
        %get3A_192 = tpu.vector_load %arg9[%get3A_190, %get3A_191] {strides = array<i32>} : memref<200x128xf32, #tpu.memory_space<vmem>>, vector<16xf32>,
        %get3A_193 = arith.index_cast %add3A_175 : i32 to index
        %get3A_194 = arith.constant 96 : index
        %get3A_195 = tpu.vector_load %arg9[%get3A_193, %get3A_194] {strides = array<i32>} : memref<200x128xf32, #tpu.memory_space<vmem>>, vector<16xf32>,
        %select_n3A_196 = arith.select %lt3A_177, %get3A_192, %get3A_195 : vector<16xi1>, vector<16xf32>
        %get3A_197 = arith.index_cast %add3A_175 : i32 to index
        %get3A_198 = arith.constant 48 : index
        %get3A_199 = tpu.vector_load %arg9[%get3A_197, %get3A_198] {strides = array<i32>} : memref<200x128xf32, #tpu.memory_space<vmem>>, vector<16xf32>,
        %get3A_200 = arith.index_cast %add3A_175 : i32 to index
        %get3A_201 = arith.constant 112 : index
        %get3A_202 = tpu.vector_load %arg9[%get3A_200, %get3A_201] {strides = array<i32>} : memref<200x128xf32, #tpu.memory_space<vmem>>, vector<16xf32>,
        %select_n3A_203 = arith.select %lt3A_177, %get3A_199, %get3A_202 : vector<16xi1>, vector<16xf32>
        %add3A_204 = arith.addf %scan3A_168, %select_n3A : vector<16xf32>
        %add3A_205 = arith.addf %scan3A_169, %select_n3A_189 : vector<16xf32>
        %add3A_206 = arith.addf %scan3A_170, %select_n3A_196 : vector<16xf32>
        %add3A_207 = arith.addf %scan3A_171, %select_n3A_203 : vector<16xf32>
        %mul3A_208 = arith.constant 8 : i32
        %mul3A_209 = arith.muli %scan3A_167, %mul3A_208 : i32
        %add3A_210 = arith.constant 1 : i32
        %add3A_211 = arith.addi %mul3A_209, %add3A_210 : i32
        %broadcast_in_dim3A_212 = vector.broadcast %add3A_211 : i32 to vector<16xi32>
        %lt3A_213 = arith.cmpi slt, %broadcast_in_dim3A_212, %gather3A_140 : vector<16xi32>
        %get3A_214 = arith.index_cast %add3A_211 : i32 to index
        %get3A_215 = arith.constant 0 : index
        %get3A_216 = tpu.vector_load %arg9[%get3A_214, %get3A_215] {strides = array<i32>} : memref<200x128xf32, #tpu.memory_space<vmem>>, vector<16xf32>,
        %get3A_217 = arith.index_cast %add3A_211 : i32 to index
        %get3A_218 = arith.constant 64 : index
        %get3A_219 = tpu.vector_load %arg9[%get3A_217, %get3A_218] {strides = array<i32>} : memref<200x128xf32, #tpu.memory_space<vmem>>, vector<16xf32>,
        %select_n3A_220 = arith.select %lt3A_213, %get3A_216, %get3A_219 : vector<16xi1>, vector<16xf32>
        %get3A_221 = arith.index_cast %add3A_211 : i32 to index
        %get3A_222 = arith.constant 16 : index
        %get3A_223 = tpu.vector_load %arg9[%get3A_221, %get3A_222] {strides = array<i32>} : memref<200x128xf32, #tpu.memory_space<vmem>>, vector<16xf32>,
        %get3A_224 = arith.index_cast %add3A_211 : i32 to index
        %get3A_225 = arith.constant 80 : index
        %get3A_226 = tpu.vector_load %arg9[%get3A_224, %get3A_225] {strides = array<i32>} : memref<200x128xf32, #tpu.memory_space<vmem>>, vector<16xf32>,
        %select_n3A_227 = arith.select %lt3A_213, %get3A_223, %get3A_226 : vector<16xi1>, vector<16xf32>
        %get3A_228 = arith.index_cast %add3A_211 : i32 to index
        %get3A_229 = arith.constant 32 : index
        %get3A_230 = tpu.vector_load %arg9[%get3A_228, %get3A_229] {strides = array<i32>} : memref<200x128xf32, #tpu.memory_space<vmem>>, vector<16xf32>,
        %get3A_231 = arith.index_cast %add3A_211 : i32 to index
        %get3A_232 = arith.constant 96 : index
        %get3A_233 = tpu.vector_load %arg9[%get3A_231, %get3A_232] {strides = array<i32>} : memref<200x128xf32, #tpu.memory_space<vmem>>, vector<16xf32>,
        %select_n3A_234 = arith.select %lt3A_213, %get3A_230, %get3A_233 : vector<16xi1>, vector<16xf32>
        %get3A_235 = arith.index_cast %add3A_211 : i32 to index
        %get3A_236 = arith.constant 48 : index
        %get3A_237 = tpu.vector_load %arg9[%get3A_235, %get3A_236] {strides = array<i32>} : memref<200x128xf32, #tpu.memory_space<vmem>>, vector<16xf32>,
        %get3A_238 = arith.index_cast %add3A_211 : i32 to index
        %get3A_239 = arith.constant 112 : index
        %get3A_240 = tpu.vector_load %arg9[%get3A_238, %get3A_239] {strides = array<i32>} : memref<200x128xf32, #tpu.memory_space<vmem>>, vector<16xf32>,
        %select_n3A_241 = arith.select %lt3A_213, %get3A_237, %get3A_240 : vector<16xi1>, vector<16xf32>
        %add3A_242 = arith.addf %add3A_204, %select_n3A_220 : vector<16xf32>
        %add3A_243 = arith.addf %add3A_205, %select_n3A_227 : vector<16xf32>
        %add3A_244 = arith.addf %add3A_206, %select_n3A_234 : vector<16xf32>
        %add3A_245 = arith.addf %add3A_207, %select_n3A_241 : vector<16xf32>
        %mul3A_246 = arith.constant 8 : i32
        %mul3A_247 = arith.muli %scan3A_167, %mul3A_246 : i32
        %add3A_248 = arith.constant 2 : i32
        %add3A_249 = arith.addi %mul3A_247, %add3A_248 : i32
        %broadcast_in_dim3A_250 = vector.broadcast %add3A_249 : i32 to vector<16xi32>
        %lt3A_251 = arith.cmpi slt, %broadcast_in_dim3A_250, %gather3A_140 : vector<16xi32>
        %get3A_252 = arith.index_cast %add3A_249 : i32 to index
        %get3A_253 = arith.constant 0 : index
        %get3A_254 = tpu.vector_load %arg9[%get3A_252, %get3A_253] {strides = array<i32>} : memref<200x128xf32, #tpu.memory_space<vmem>>, vector<16xf32>,
        %get3A_255 = arith.index_cast %add3A_249 : i32 to index
        %get3A_256 = arith.constant 64 : index
        %get3A_257 = tpu.vector_load %arg9[%get3A_255, %get3A_256] {strides = array<i32>} : memref<200x128xf32, #tpu.memory_space<vmem>>, vector<16xf32>,
        %select_n3A_258 = arith.select %lt3A_251, %get3A_254, %get3A_257 : vector<16xi1>, vector<16xf32>
        %get3A_259 = arith.index_cast %add3A_249 : i32 to index
        %get3A_260 = arith.constant 16 : index
        %get3A_261 = tpu.vector_load %arg9[%get3A_259, %get3A_260] {strides = array<i32>} : memref<200x128xf32, #tpu.memory_space<vmem>>, vector<16xf32>,
        %get3A_262 = arith.index_cast %add3A_249 : i32 to index
        %get3A_263 = arith.constant 80 : index
        %get3A_264 = tpu.vector_load %arg9[%get3A_262, %get3A_263] {strides = array<i32>} : memref<200x128xf32, #tpu.memory_space<vmem>>, vector<16xf32>,
        %select_n3A_265 = arith.select %lt3A_251, %get3A_261, %get3A_264 : vector<16xi1>, vector<16xf32>
        %get3A_266 = arith.index_cast %add3A_249 : i32 to index
        %get3A_267 = arith.constant 32 : index
        %get3A_268 = tpu.vector_load %arg9[%get3A_266, %get3A_267] {strides = array<i32>} : memref<200x128xf32, #tpu.memory_space<vmem>>, vector<16xf32>,
        %get3A_269 = arith.index_cast %add3A_249 : i32 to index
        %get3A_270 = arith.constant 96 : index
        %get3A_271 = tpu.vector_load %arg9[%get3A_269, %get3A_270] {strides = array<i32>} : memref<200x128xf32, #tpu.memory_space<vmem>>, vector<16xf32>,
        %select_n3A_272 = arith.select %lt3A_251, %get3A_268, %get3A_271 : vector<16xi1>, vector<16xf32>
        %get3A_273 = arith.index_cast %add3A_249 : i32 to index
        %get3A_274 = arith.constant 48 : index
        %get3A_275 = tpu.vector_load %arg9[%get3A_273, %get3A_274] {strides = array<i32>} : memref<200x128xf32, #tpu.memory_space<vmem>>, vector<16xf32>,
        %get3A_276 = arith.index_cast %add3A_249 : i32 to index
        %get3A_277 = arith.constant 112 : index
        %get3A_278 = tpu.vector_load %arg9[%get3A_276, %get3A_277] {strides = array<i32>} : memref<200x128xf32, #tpu.memory_space<vmem>>, vector<16xf32>,
        %select_n3A_279 = arith.select %lt3A_251, %get3A_275, %get3A_278 : vector<16xi1>, vector<16xf32>
        %add3A_280 = arith.addf %add3A_242, %select_n3A_258 : vector<16xf32>
        %add3A_281 = arith.addf %add3A_243, %select_n3A_265 : vector<16xf32>
        %add3A_282 = arith.addf %add3A_244, %select_n3A_272 : vector<16xf32>
        %add3A_283 = arith.addf %add3A_245, %select_n3A_279 : vector<16xf32>
        %mul3A_284 = arith.constant 8 : i32
        %mul3A_285 = arith.muli %scan3A_167, %mul3A_284 : i32
        %add3A_286 = arith.constant 3 : i32
        %add3A_287 = arith.addi %mul3A_285, %add3A_286 : i32
        %broadcast_in_dim3A_288 = vector.broadcast %add3A_287 : i32 to vector<16xi32>
        %lt3A_289 = arith.cmpi slt, %broadcast_in_dim3A_288, %gather3A_140 : vector<16xi32>
        %get3A_290 = arith.index_cast %add3A_287 : i32 to index
        %get3A_291 = arith.constant 0 : index
        %get3A_292 = tpu.vector_load %arg9[%get3A_290, %get3A_291] {strides = array<i32>} : memref<200x128xf32, #tpu.memory_space<vmem>>, vector<16xf32>,
        %get3A_293 = arith.index_cast %add3A_287 : i32 to index
        %get3A_294 = arith.constant 64 : index
        %get3A_295 = tpu.vector_load %arg9[%get3A_293, %get3A_294] {strides = array<i32>} : memref<200x128xf32, #tpu.memory_space<vmem>>, vector<16xf32>,
        %select_n3A_296 = arith.select %lt3A_289, %get3A_292, %get3A_295 : vector<16xi1>, vector<16xf32>
        %get3A_297 = arith.index_cast %add3A_287 : i32 to index
        %get3A_298 = arith.constant 16 : index
        %get3A_299 = tpu.vector_load %arg9[%get3A_297, %get3A_298] {strides = array<i32>} : memref<200x128xf32, #tpu.memory_space<vmem>>, vector<16xf32>,
        %get3A_300 = arith.index_cast %add3A_287 : i32 to index
        %get3A_301 = arith.constant 80 : index
        %get3A_302 = tpu.vector_load %arg9[%get3A_300, %get3A_301] {strides = array<i32>} : memref<200x128xf32, #tpu.memory_space<vmem>>, vector<16xf32>,
        %select_n3A_303 = arith.select %lt3A_289, %get3A_299, %get3A_302 : vector<16xi1>, vector<16xf32>
        %get3A_304 = arith.index_cast %add3A_287 : i32 to index
        %get3A_305 = arith.constant 32 : index
        %get3A_306 = tpu.vector_load %arg9[%get3A_304, %get3A_305] {strides = array<i32>} : memref<200x128xf32, #tpu.memory_space<vmem>>, vector<16xf32>,
        %get3A_307 = arith.index_cast %add3A_287 : i32 to index
        %get3A_308 = arith.constant 96 : index
        %get3A_309 = tpu.vector_load %arg9[%get3A_307, %get3A_308] {strides = array<i32>} : memref<200x128xf32, #tpu.memory_space<vmem>>, vector<16xf32>,
        %select_n3A_310 = arith.select %lt3A_289, %get3A_306, %get3A_309 : vector<16xi1>, vector<16xf32>
        %get3A_311 = arith.index_cast %add3A_287 : i32 to index
        %get3A_312 = arith.constant 48 : index
        %get3A_313 = tpu.vector_load %arg9[%get3A_311, %get3A_312] {strides = array<i32>} : memref<200x128xf32, #tpu.memory_space<vmem>>, vector<16xf32>,
        %get3A_314 = arith.index_cast %add3A_287 : i32 to index
        %get3A_315 = arith.constant 112 : index
        %get3A_316 = tpu.vector_load %arg9[%get3A_314, %get3A_315] {strides = array<i32>} : memref<200x128xf32, #tpu.memory_space<vmem>>, vector<16xf32>,
        %select_n3A_317 = arith.select %lt3A_289, %get3A_313, %get3A_316 : vector<16xi1>, vector<16xf32>
        %add3A_318 = arith.addf %add3A_280, %select_n3A_296 : vector<16xf32>
        %add3A_319 = arith.addf %add3A_281, %select_n3A_303 : vector<16xf32>
        %add3A_320 = arith.addf %add3A_282, %select_n3A_310 : vector<16xf32>
        %add3A_321 = arith.addf %add3A_283, %select_n3A_317 : vector<16xf32>
        %mul3A_322 = arith.constant 8 : i32
        %mul3A_323 = arith.muli %scan3A_167, %mul3A_322 : i32
        %add3A_324 = arith.constant 4 : i32
        %add3A_325 = arith.addi %mul3A_323, %add3A_324 : i32
        %broadcast_in_dim3A_326 = vector.broadcast %add3A_325 : i32 to vector<16xi32>
        %lt3A_327 = arith.cmpi slt, %broadcast_in_dim3A_326, %gather3A_140 : vector<16xi32>
        %get3A_328 = arith.index_cast %add3A_325 : i32 to index
        %get3A_329 = arith.constant 0 : index
        %get3A_330 = tpu.vector_load %arg9[%get3A_328, %get3A_329] {strides = array<i32>} : memref<200x128xf32, #tpu.memory_space<vmem>>, vector<16xf32>,
        %get3A_331 = arith.index_cast %add3A_325 : i32 to index
        %get3A_332 = arith.constant 64 : index
        %get3A_333 = tpu.vector_load %arg9[%get3A_331, %get3A_332] {strides = array<i32>} : memref<200x128xf32, #tpu.memory_space<vmem>>, vector<16xf32>,
        %select_n3A_334 = arith.select %lt3A_327, %get3A_330, %get3A_333 : vector<16xi1>, vector<16xf32>
        %get3A_335 = arith.index_cast %add3A_325 : i32 to index
        %get3A_336 = arith.constant 16 : index
        %get3A_337 = tpu.vector_load %arg9[%get3A_335, %get3A_336] {strides = array<i32>} : memref<200x128xf32, #tpu.memory_space<vmem>>, vector<16xf32>,
        %get3A_338 = arith.index_cast %add3A_325 : i32 to index
        %get3A_339 = arith.constant 80 : index
        %get3A_340 = tpu.vector_load %arg9[%get3A_338, %get3A_339] {strides = array<i32>} : memref<200x128xf32, #tpu.memory_space<vmem>>, vector<16xf32>,
        %select_n3A_341 = arith.select %lt3A_327, %get3A_337, %get3A_340 : vector<16xi1>, vector<16xf32>
        %get3A_342 = arith.index_cast %add3A_325 : i32 to index
        %get3A_343 = arith.constant 32 : index
        %get3A_344 = tpu.vector_load %arg9[%get3A_342, %get3A_343] {strides = array<i32>} : memref<200x128xf32, #tpu.memory_space<vmem>>, vector<16xf32>,
        %get3A_345 = arith.index_cast %add3A_325 : i32 to index
        %get3A_346 = arith.constant 96 : index
        %get3A_347 = tpu.vector_load %arg9[%get3A_345, %get3A_346] {strides = array<i32>} : memref<200x128xf32, #tpu.memory_space<vmem>>, vector<16xf32>,
        %select_n3A_348 = arith.select %lt3A_327, %get3A_344, %get3A_347 : vector<16xi1>, vector<16xf32>
        %get3A_349 = arith.index_cast %add3A_325 : i32 to index
        %get3A_350 = arith.constant 48 : index
        %get3A_351 = tpu.vector_load %arg9[%get3A_349, %get3A_350] {strides = array<i32>} : memref<200x128xf32, #tpu.memory_space<vmem>>, vector<16xf32>,
        %get3A_352 = arith.index_cast %add3A_325 : i32 to index
        %get3A_353 = arith.constant 112 : index
        %get3A_354 = tpu.vector_load %arg9[%get3A_352, %get3A_353] {strides = array<i32>} : memref<200x128xf32, #tpu.memory_space<vmem>>, vector<16xf32>,
        %select_n3A_355 = arith.select %lt3A_327, %get3A_351, %get3A_354 : vector<16xi1>, vector<16xf32>
        %add3A_356 = arith.addf %add3A_318, %select_n3A_334 : vector<16xf32>
        %add3A_357 = arith.addf %add3A_319, %select_n3A_341 : vector<16xf32>
        %add3A_358 = arith.addf %add3A_320, %select_n3A_348 : vector<16xf32>
        %add3A_359 = arith.addf %add3A_321, %select_n3A_355 : vector<16xf32>
        %mul3A_360 = arith.constant 8 : i32
        %mul3A_361 = arith.muli %scan3A_167, %mul3A_360 : i32
        %add3A_362 = arith.constant 5 : i32
        %add3A_363 = arith.addi %mul3A_361, %add3A_362 : i32
        %broadcast_in_dim3A_364 = vector.broadcast %add3A_363 : i32 to vector<16xi32>
        %lt3A_365 = arith.cmpi slt, %broadcast_in_dim3A_364, %gather3A_140 : vector<16xi32>
        %get3A_366 = arith.index_cast %add3A_363 : i32 to index
        %get3A_367 = arith.constant 0 : index
        %get3A_368 = tpu.vector_load %arg9[%get3A_366, %get3A_367] {strides = array<i32>} : memref<200x128xf32, #tpu.memory_space<vmem>>, vector<16xf32>,
        %get3A_369 = arith.index_cast %add3A_363 : i32 to index
        %get3A_370 = arith.constant 64 : index
        %get3A_371 = tpu.vector_load %arg9[%get3A_369, %get3A_370] {strides = array<i32>} : memref<200x128xf32, #tpu.memory_space<vmem>>, vector<16xf32>,
        %select_n3A_372 = arith.select %lt3A_365, %get3A_368, %get3A_371 : vector<16xi1>, vector<16xf32>
        %get3A_373 = arith.index_cast %add3A_363 : i32 to index
        %get3A_374 = arith.constant 16 : index
        %get3A_375 = tpu.vector_load %arg9[%get3A_373, %get3A_374] {strides = array<i32>} : memref<200x128xf32, #tpu.memory_space<vmem>>, vector<16xf32>,
        %get3A_376 = arith.index_cast %add3A_363 : i32 to index
        %get3A_377 = arith.constant 80 : index
        %get3A_378 = tpu.vector_load %arg9[%get3A_376, %get3A_377] {strides = array<i32>} : memref<200x128xf32, #tpu.memory_space<vmem>>, vector<16xf32>,
        %select_n3A_379 = arith.select %lt3A_365, %get3A_375, %get3A_378 : vector<16xi1>, vector<16xf32>
        %get3A_380 = arith.index_cast %add3A_363 : i32 to index
        %get3A_381 = arith.constant 32 : index
        %get3A_382 = tpu.vector_load %arg9[%get3A_380, %get3A_381] {strides = array<i32>} : memref<200x128xf32, #tpu.memory_space<vmem>>, vector<16xf32>,
        %get3A_383 = arith.index_cast %add3A_363 : i32 to index
        %get3A_384 = arith.constant 96 : index
        %get3A_385 = tpu.vector_load %arg9[%get3A_383, %get3A_384] {strides = array<i32>} : memref<200x128xf32, #tpu.memory_space<vmem>>, vector<16xf32>,
        %select_n3A_386 = arith.select %lt3A_365, %get3A_382, %get3A_385 : vector<16xi1>, vector<16xf32>
        %get3A_387 = arith.index_cast %add3A_363 : i32 to index
        %get3A_388 = arith.constant 48 : index
        %get3A_389 = tpu.vector_load %arg9[%get3A_387, %get3A_388] {strides = array<i32>} : memref<200x128xf32, #tpu.memory_space<vmem>>, vector<16xf32>,
        %get3A_390 = arith.index_cast %add3A_363 : i32 to index
        %get3A_391 = arith.constant 112 : index
        %get3A_392 = tpu.vector_load %arg9[%get3A_390, %get3A_391] {strides = array<i32>} : memref<200x128xf32, #tpu.memory_space<vmem>>, vector<16xf32>,
        %select_n3A_393 = arith.select %lt3A_365, %get3A_389, %get3A_392 : vector<16xi1>, vector<16xf32>
        %add3A_394 = arith.addf %add3A_356, %select_n3A_372 : vector<16xf32>
        %add3A_395 = arith.addf %add3A_357, %select_n3A_379 : vector<16xf32>
        %add3A_396 = arith.addf %add3A_358, %select_n3A_386 : vector<16xf32>
        %add3A_397 = arith.addf %add3A_359, %select_n3A_393 : vector<16xf32>
        %mul3A_398 = arith.constant 8 : i32
        %mul3A_399 = arith.muli %scan3A_167, %mul3A_398 : i32
        %add3A_400 = arith.constant 6 : i32
        %add3A_401 = arith.addi %mul3A_399, %add3A_400 : i32
        %broadcast_in_dim3A_402 = vector.broadcast %add3A_401 : i32 to vector<16xi32>
        %lt3A_403 = arith.cmpi slt, %broadcast_in_dim3A_402, %gather3A_140 : vector<16xi32>
        %get3A_404 = arith.index_cast %add3A_401 : i32 to index
        %get3A_405 = arith.constant 0 : index
        %get3A_406 = tpu.vector_load %arg9[%get3A_404, %get3A_405] {strides = array<i32>} : memref<200x128xf32, #tpu.memory_space<vmem>>, vector<16xf32>,
        %get3A_407 = arith.index_cast %add3A_401 : i32 to index
        %get3A_408 = arith.constant 64 : index
        %get3A_409 = tpu.vector_load %arg9[%get3A_407, %get3A_408] {strides = array<i32>} : memref<200x128xf32, #tpu.memory_space<vmem>>, vector<16xf32>,
        %select_n3A_410 = arith.select %lt3A_403, %get3A_406, %get3A_409 : vector<16xi1>, vector<16xf32>
        %get3A_411 = arith.index_cast %add3A_401 : i32 to index
        %get3A_412 = arith.constant 16 : index
        %get3A_413 = tpu.vector_load %arg9[%get3A_411, %get3A_412] {strides = array<i32>} : memref<200x128xf32, #tpu.memory_space<vmem>>, vector<16xf32>,
        %get3A_414 = arith.index_cast %add3A_401 : i32 to index
        %get3A_415 = arith.constant 80 : index
        %get3A_416 = tpu.vector_load %arg9[%get3A_414, %get3A_415] {strides = array<i32>} : memref<200x128xf32, #tpu.memory_space<vmem>>, vector<16xf32>,
        %select_n3A_417 = arith.select %lt3A_403, %get3A_413, %get3A_416 : vector<16xi1>, vector<16xf32>
        %get3A_418 = arith.index_cast %add3A_401 : i32 to index
        %get3A_419 = arith.constant 32 : index
        %get3A_420 = tpu.vector_load %arg9[%get3A_418, %get3A_419] {strides = array<i32>} : memref<200x128xf32, #tpu.memory_space<vmem>>, vector<16xf32>,
        %get3A_421 = arith.index_cast %add3A_401 : i32 to index
        %get3A_422 = arith.constant 96 : index
        %get3A_423 = tpu.vector_load %arg9[%get3A_421, %get3A_422] {strides = array<i32>} : memref<200x128xf32, #tpu.memory_space<vmem>>, vector<16xf32>,
        %select_n3A_424 = arith.select %lt3A_403, %get3A_420, %get3A_423 : vector<16xi1>, vector<16xf32>
        %get3A_425 = arith.index_cast %add3A_401 : i32 to index
        %get3A_426 = arith.constant 48 : index
        %get3A_427 = tpu.vector_load %arg9[%get3A_425, %get3A_426] {strides = array<i32>} : memref<200x128xf32, #tpu.memory_space<vmem>>, vector<16xf32>,
        %get3A_428 = arith.index_cast %add3A_401 : i32 to index
        %get3A_429 = arith.constant 112 : index
        %get3A_430 = tpu.vector_load %arg9[%get3A_428, %get3A_429] {strides = array<i32>} : memref<200x128xf32, #tpu.memory_space<vmem>>, vector<16xf32>,
        %select_n3A_431 = arith.select %lt3A_403, %get3A_427, %get3A_430 : vector<16xi1>, vector<16xf32>
        %add3A_432 = arith.addf %add3A_394, %select_n3A_410 : vector<16xf32>
        %add3A_433 = arith.addf %add3A_395, %select_n3A_417 : vector<16xf32>
        %add3A_434 = arith.addf %add3A_396, %select_n3A_424 : vector<16xf32>
        %add3A_435 = arith.addf %add3A_397, %select_n3A_431 : vector<16xf32>
        %mul3A_436 = arith.constant 8 : i32
        %mul3A_437 = arith.muli %scan3A_167, %mul3A_436 : i32
        %add3A_438 = arith.constant 7 : i32
        %add3A_439 = arith.addi %mul3A_437, %add3A_438 : i32
        %broadcast_in_dim3A_440 = vector.broadcast %add3A_439 : i32 to vector<16xi32>
        %lt3A_441 = arith.cmpi slt, %broadcast_in_dim3A_440, %gather3A_140 : vector<16xi32>
        %get3A_442 = arith.index_cast %add3A_439 : i32 to index
        %get3A_443 = arith.constant 0 : index
        %get3A_444 = tpu.vector_load %arg9[%get3A_442, %get3A_443] {strides = array<i32>} : memref<200x128xf32, #tpu.memory_space<vmem>>, vector<16xf32>,
        %get3A_445 = arith.index_cast %add3A_439 : i32 to index
        %get3A_446 = arith.constant 64 : index
        %get3A_447 = tpu.vector_load %arg9[%get3A_445, %get3A_446] {strides = array<i32>} : memref<200x128xf32, #tpu.memory_space<vmem>>, vector<16xf32>,
        %select_n3A_448 = arith.select %lt3A_441, %get3A_444, %get3A_447 : vector<16xi1>, vector<16xf32>
        %get3A_449 = arith.index_cast %add3A_439 : i32 to index
        %get3A_450 = arith.constant 16 : index
        %get3A_451 = tpu.vector_load %arg9[%get3A_449, %get3A_450] {strides = array<i32>} : memref<200x128xf32, #tpu.memory_space<vmem>>, vector<16xf32>,
        %get3A_452 = arith.index_cast %add3A_439 : i32 to index
        %get3A_453 = arith.constant 80 : index
        %get3A_454 = tpu.vector_load %arg9[%get3A_452, %get3A_453] {strides = array<i32>} : memref<200x128xf32, #tpu.memory_space<vmem>>, vector<16xf32>,
        %select_n3A_455 = arith.select %lt3A_441, %get3A_451, %get3A_454 : vector<16xi1>, vector<16xf32>
        %get3A_456 = arith.index_cast %add3A_439 : i32 to index
        %get3A_457 = arith.constant 32 : index
        %get3A_458 = tpu.vector_load %arg9[%get3A_456, %get3A_457] {strides = array<i32>} : memref<200x128xf32, #tpu.memory_space<vmem>>, vector<16xf32>,
        %get3A_459 = arith.index_cast %add3A_439 : i32 to index
        %get3A_460 = arith.constant 96 : index
        %get3A_461 = tpu.vector_load %arg9[%get3A_459, %get3A_460] {strides = array<i32>} : memref<200x128xf32, #tpu.memory_space<vmem>>, vector<16xf32>,
        %select_n3A_462 = arith.select %lt3A_441, %get3A_458, %get3A_461 : vector<16xi1>, vector<16xf32>
        %get3A_463 = arith.index_cast %add3A_439 : i32 to index
        %get3A_464 = arith.constant 48 : index
        %get3A_465 = tpu.vector_load %arg9[%get3A_463, %get3A_464] {strides = array<i32>} : memref<200x128xf32, #tpu.memory_space<vmem>>, vector<16xf32>,
        %get3A_466 = arith.index_cast %add3A_439 : i32 to index
        %get3A_467 = arith.constant 112 : index
        %get3A_468 = tpu.vector_load %arg9[%get3A_466, %get3A_467] {strides = array<i32>} : memref<200x128xf32, #tpu.memory_space<vmem>>, vector<16xf32>,
        %select_n3A_469 = arith.select %lt3A_441, %get3A_465, %get3A_468 : vector<16xi1>, vector<16xf32>
        %add3A_470 = arith.addf %add3A_432, %select_n3A_448 : vector<16xf32>
        %add3A_471 = arith.addf %add3A_433, %select_n3A_455 : vector<16xf32>
        %add3A_472 = arith.addf %add3A_434, %select_n3A_462 : vector<16xf32>
        %add3A_473 = arith.addf %add3A_435, %select_n3A_469 : vector<16xf32>
        scf.yield %add3A_470, %add3A_471, %add3A_472, %add3A_473 : vector<16xf32>, vector<16xf32>, vector<16xf32>, vector<16xf32>
      }
      %scan3A_146 = arith.constant 25 : i32
      %add3A_147 = arith.constant 2 : i32
      %add3A_148 = arith.addi %add3A_118, %add3A_147 : i32
      %lt3A_149 = arith.constant 128 : i32
      %lt3A_150 = arith.cmpi slt, %add3A_148, %lt3A_149 : i32
      %convert_element_type3A_151 = arith.extui %lt3A_150 : i1 to i32
      %cond3A_152 = arith.constant 0 : i32
      %cond3A_153 = arith.cmpi ne, %convert_element_type3A_151, %cond3A_152 : i32
      scf.if %cond3A_153 {
        %mul3A_167 = arith.constant 200 : i32
        %mul3A_168 = arith.muli %add3A_148, %mul3A_167 : i32
        %add3A_169 = arith.constant 96 : i32
        %add3A_170 = arith.addi %mul3A_168, %add3A_169 : i32
        %dma_start3A_171 = arith.constant 0 : i32
        %dma_start3A_172 = arith.constant 0 : i32
        %dma_start3A_173 = tpu.memref_slice %arg9[%dma_start3A_171, %dma_start3A_172] : memref<200x128xf32, #tpu.memory_space<vmem>> -> memref<96x128xf32, #tpu.memory_space<vmem>>
        %dma_start3A_174 = tpu.memref_slice %arg6[%mul3A_168] : memref<25600xi32, #tpu.memory_space<vmem>> -> memref<96xi32, #tpu.memory_space<vmem>>
        %dma_start3A_175 = arith.constant 0 : i32
        %dma_start3A_176 = arith.constant 0 : i32
        %dma_start3A_177 = tpu.memref_slice %arg3[%dma_start3A_175, %dma_start3A_176] : memref<500000x128xf32, #tpu.memory_space<hbm>> -> memref<500000x128xf32, #tpu.memory_space<hbm>>
        tpu.enqueue_indirect_dma source(%dma_start3A_177 : memref<500000x128xf32, #tpu.memory_space<hbm>>) target(%dma_start3A_173 : memref<96x128xf32, #tpu.memory_space<vmem>>) offsets(%dma_start3A_174 : memref<96xi32, #tpu.memory_space<vmem>>) semaphore(%arg12 : memref<!tpu.dma_semaphore, #tpu.memory_space<semaphore_mem>>)
        %dma_start3A_178 = arith.constant 96 : i32
        %dma_start3A_179 = arith.constant 0 : i32
        %dma_start3A_180 = tpu.memref_slice %arg9[%dma_start3A_178, %dma_start3A_179] : memref<200x128xf32, #tpu.memory_space<vmem>> -> memref<104x128xf32, #tpu.memory_space<vmem>>
        %dma_start3A_181 = tpu.memref_slice %arg6[%add3A_170] : memref<25600xi32, #tpu.memory_space<vmem>> -> memref<104xi32, #tpu.memory_space<vmem>>
        %dma_start3A_182 = arith.constant 0 : i32
        %dma_start3A_183 = arith.constant 0 : i32
        %dma_start3A_184 = tpu.memref_slice %arg3[%dma_start3A_182, %dma_start3A_183] : memref<500000x128xf32, #tpu.memory_space<hbm>> -> memref<500000x128xf32, #tpu.memory_space<hbm>>
        tpu.enqueue_indirect_dma source(%dma_start3A_184 : memref<500000x128xf32, #tpu.memory_space<hbm>>) target(%dma_start3A_180 : memref<104x128xf32, #tpu.memory_space<vmem>>) offsets(%dma_start3A_181 : memref<104xi32, #tpu.memory_space<vmem>>) semaphore(%arg12 : memref<!tpu.dma_semaphore, #tpu.memory_space<semaphore_mem>>)
      } else {
      }
      %swap3A_154 = arith.index_cast %add3A_118 : i32 to index
      %swap3A_155 = arith.constant 0 : index
      %swap3A_156 = tpu.vector_load %arg10[%swap3A_154, %swap3A_155] {strides = array<i32>} : memref<128x64xf32, #tpu.memory_space<vmem>>, vector<16xf32>,
      tpu.vector_store %arg10[%swap3A_154, %swap3A_155], %scan3A_145#0 {strides = array<i32>} : memref<128x64xf32, #tpu.memory_space<vmem>>, vector<16xf32>,
      %swap3A_157 = arith.index_cast %add3A_118 : i32 to index
      %swap3A_158 = arith.constant 16 : index
      %swap3A_159 = tpu.vector_load %arg10[%swap3A_157, %swap3A_158] {strides = array<i32>} : memref<128x64xf32, #tpu.memory_space<vmem>>, vector<16xf32>,
      tpu.vector_store %arg10[%swap3A_157, %swap3A_158], %scan3A_145#1 {strides = array<i32>} : memref<128x64xf32, #tpu.memory_space<vmem>>, vector<16xf32>,
      %swap3A_160 = arith.index_cast %add3A_118 : i32 to index
      %swap3A_161 = arith.constant 32 : index
      %swap3A_162 = tpu.vector_load %arg10[%swap3A_160, %swap3A_161] {strides = array<i32>} : memref<128x64xf32, #tpu.memory_space<vmem>>, vector<16xf32>,
      tpu.vector_store %arg10[%swap3A_160, %swap3A_161], %scan3A_145#2 {strides = array<i32>} : memref<128x64xf32, #tpu.memory_space<vmem>>, vector<16xf32>,
      %swap3A_163 = arith.index_cast %add3A_118 : i32 to index
      %swap3A_164 = arith.constant 48 : index
      %swap3A_165 = tpu.vector_load %arg10[%swap3A_163, %swap3A_164] {strides = array<i32>} : memref<128x64xf32, #tpu.memory_space<vmem>>, vector<16xf32>,
      tpu.vector_store %arg10[%swap3A_163, %swap3A_164], %scan3A_145#3 {strides = array<i32>} : memref<128x64xf32, #tpu.memory_space<vmem>>, vector<16xf32>,
      %scan3A_166 = arith.constant 0 : i32
      scf.yield %scan3A_166 : i32
    }
    %scan3A_66 = arith.constant 64 : i32
    "tpu.region"() ({
      %run_scoped3A = tpu.sem_alloc : memref<!tpu.dma_semaphore, #tpu.memory_space<semaphore_mem>>
      %dma_start3A_67 = arith.constant 0 : i32
      %dma_start3A_68 = tpu.memref_slice %arg4[%mul3A_2, %dma_start3A_67] : memref<4096x64xf32, #tpu.memory_space<hbm>> -> memref<128x64xf32, #tpu.memory_space<hbm>>
      %dma_start3A_69 = arith.constant 0 : i32
      %dma_start3A_70 = tpu.memref_slice %arg4[%mul3A_2, %dma_start3A_69] : memref<4096x64xf32, #tpu.memory_space<hbm>> -> memref<128x64xf32, #tpu.memory_space<hbm>>
      tpu.enqueue_dma source(%arg10 : memref<128x64xf32, #tpu.memory_space<vmem>>) target(%dma_start3A_70 : memref<128x64xf32, #tpu.memory_space<hbm>>) target_semaphore(%run_scoped3A : memref<!tpu.dma_semaphore, #tpu.memory_space<semaphore_mem>>)
      %dma_wait3A = arith.constant 0 : i32
      %dma_wait3A_71 = tpu.memref_slice %arg4[%mul3A_2, %dma_wait3A] : memref<4096x64xf32, #tpu.memory_space<hbm>> -> memref<128x64xf32, #tpu.memory_space<hbm>>
      %dma_wait3A_72 = arith.constant 0 : i32
      %dma_wait3A_73 = tpu.memref_slice %arg4[%mul3A_2, %dma_wait3A_72] : memref<4096x64xf32, #tpu.memory_space<hbm>> -> memref<128x64xf32, #tpu.memory_space<hbm>>
      tpu.wait_dma2 semaphore(%run_scoped3A : memref<!tpu.dma_semaphore, #tpu.memory_space<semaphore_mem>>) src(%arg10 : memref<128x64xf32, #tpu.memory_space<vmem>>) dst(%dma_wait3A_73 : memref<128x64xf32, #tpu.memory_space<hbm>>)
      tpu.yield
    }) : () -> ()
    return
  }
}

#map = affine_map<(d0, d1) -> (0, 0)>
module attributes {stable_mosaic.version = 14 : i64} {
  func.func @k(%arg0: i32, %arg1: i32, %arg2: memref<64x1000000xf32, #tpu.memory_space<hbm>>, %arg3: memref<64x64xf32, #tpu.memory_space<hbm>>, %arg4: memref<500000x128xf32, #tpu.memory_space<hbm>>, %arg5: memref<64x256xf32, #tpu.memory_space<vmem>>, %arg6: memref<64x256xf32, #tpu.memory_space<vmem>>, %arg7: memref<128x128xf32, #tpu.memory_space<vmem>>, %arg8: memref<128x128xf32, #tpu.memory_space<vmem>>, %arg9: memref<64x64xf32, #tpu.memory_space<vmem>>, %arg10: memref<!tpu.dma_semaphore, #tpu.memory_space<semaphore_mem>>, %arg11: memref<!tpu.dma_semaphore, #tpu.memory_space<semaphore_mem>>, %arg12: memref<!tpu.dma_semaphore, #tpu.memory_space<semaphore_mem>>, %arg13: memref<!tpu.dma_semaphore, #tpu.memory_space<semaphore_mem>>) attributes {dimension_semantics = [#tpu.dimension_semantics<core_parallel>, #tpu.dimension_semantics<subcore_parallel>], iteration_bounds = array<i64: 2, 16>, scalar_prefetch = 0 : i64, scratch_operands = 9 : i64, tpu.core_type = #tpu.core_type<sc_vector_subcore>, window_params = [{transform_indices = #map}, {transform_indices = #map}, {transform_indices = #map}]} {
    %mul3A = arith.constant 2 : i32
    %mul3A_0 = arith.muli %arg1, %mul3A : i32
    %add3A = arith.addi %mul3A_0, %arg0 : i32
    %iota3A = tpu.iota {dimensions = array<i32: 0>} : vector<16xi32>
    %add3A_1 = arith.constant 0 : i32
    %add3A_2 = vector.broadcast %add3A_1 : i32 to vector<16xi32>
    %add3A_3 = arith.addi %add3A_2, %iota3A : vector<16xi32>
    %add3A_4 = arith.constant 16 : i32
    %add3A_5 = vector.broadcast %add3A_4 : i32 to vector<16xi32>
    %add3A_6 = arith.addi %add3A_5, %iota3A : vector<16xi32>
    %add3A_7 = arith.constant 32 : i32
    %add3A_8 = vector.broadcast %add3A_7 : i32 to vector<16xi32>
    %add3A_9 = arith.addi %add3A_8, %iota3A : vector<16xi32>
    %add3A_10 = arith.constant 48 : i32
    %add3A_11 = vector.broadcast %add3A_10 : i32 to vector<16xi32>
    %add3A_12 = arith.addi %add3A_11, %iota3A : vector<16xi32>
    %add3A_13 = arith.constant 0 : i32
    %add3A_14 = arith.addi %add3A, %add3A_13 : i32
    %lt3A = arith.constant 3906 : i32
    %lt3A_15 = arith.cmpi slt, %add3A_14, %lt3A : i32
    %convert_element_type3A = arith.extui %lt3A_15 : i1 to i32
    %cond3A = arith.constant 0 : i32
    %cond3A_16 = arith.cmpi ne, %convert_element_type3A, %cond3A : i32
    scf.if %cond3A_16 {
      %add3A_68 = arith.constant 0 : i32
      %add3A_69 = arith.addi %add3A, %add3A_68 : i32
      %mul3A_70 = arith.constant 256 : i32
      %mul3A_71 = arith.muli %add3A_69, %mul3A_70 : i32
      %dma_start3A = arith.constant 0 : i32
      %dma_start3A_72 = tpu.memref_slice %arg2[%dma_start3A, %mul3A_71] : memref<64x1000000xf32, #tpu.memory_space<hbm>> -> memref<64x256xf32, #tpu.memory_space<hbm>>
      %dma_start3A_73 = arith.constant 0 : i32
      %dma_start3A_74 = tpu.memref_slice %arg2[%dma_start3A_73, %mul3A_71] : memref<64x1000000xf32, #tpu.memory_space<hbm>> -> memref<64x256xf32, #tpu.memory_space<hbm>>
      tpu.enqueue_dma source(%dma_start3A_74 : memref<64x256xf32, #tpu.memory_space<hbm>>) target(%arg5 : memref<64x256xf32, #tpu.memory_space<vmem>>) target_semaphore(%arg10 : memref<!tpu.dma_semaphore, #tpu.memory_space<semaphore_mem>>)
    } else {
    }
    %add3A_17 = arith.constant 32 : i32
    %add3A_18 = arith.addi %add3A, %add3A_17 : i32
    %lt3A_19 = arith.constant 3906 : i32
    %lt3A_20 = arith.cmpi slt, %add3A_18, %lt3A_19 : i32
    %convert_element_type3A_21 = arith.extui %lt3A_20 : i1 to i32
    %cond3A_22 = arith.constant 0 : i32
    %cond3A_23 = arith.cmpi ne, %convert_element_type3A_21, %cond3A_22 : i32
    scf.if %cond3A_23 {
      %add3A_68 = arith.constant 32 : i32
      %add3A_69 = arith.addi %add3A, %add3A_68 : i32
      %mul3A_70 = arith.constant 256 : i32
      %mul3A_71 = arith.muli %add3A_69, %mul3A_70 : i32
      %dma_start3A = arith.constant 0 : i32
      %dma_start3A_72 = tpu.memref_slice %arg2[%dma_start3A, %mul3A_71] : memref<64x1000000xf32, #tpu.memory_space<hbm>> -> memref<64x256xf32, #tpu.memory_space<hbm>>
      %dma_start3A_73 = arith.constant 0 : i32
      %dma_start3A_74 = tpu.memref_slice %arg2[%dma_start3A_73, %mul3A_71] : memref<64x1000000xf32, #tpu.memory_space<hbm>> -> memref<64x256xf32, #tpu.memory_space<hbm>>
      tpu.enqueue_dma source(%dma_start3A_74 : memref<64x256xf32, #tpu.memory_space<hbm>>) target(%arg6 : memref<64x256xf32, #tpu.memory_space<vmem>>) target_semaphore(%arg11 : memref<!tpu.dma_semaphore, #tpu.memory_space<semaphore_mem>>)
    } else {
    }
    %scan3A = arith.constant 0 : i32
    %scan3A_24 = arith.constant 0 : i32
    %scan3A_25 = arith.constant 62 : i32
    %scan3A_26 = arith.addi %scan3A_24, %scan3A_25 : i32
    %scan3A_27 = arith.constant 1 : i32
    %scan3A_28 = scf.for %scan3A_68 = %scan3A_24 to %scan3A_26 step %scan3A_27 iter_args(%scan3A_69 = %scan3A) -> (i32)  : i32 {
      %mul3A_70 = arith.constant 2 : i32
      %mul3A_71 = arith.muli %mul3A_70, %scan3A_68 : i32
      %add3A_72 = arith.constant 0 : i32
      %add3A_73 = arith.addi %mul3A_71, %add3A_72 : i32
      %mul3A_74 = arith.constant 32 : i32
      %mul3A_75 = arith.muli %mul3A_74, %add3A_73 : i32
      %add3A_76 = arith.addi %add3A, %mul3A_75 : i32
      %lt3A_77 = arith.constant 3906 : i32
      %lt3A_78 = arith.cmpi slt, %add3A_76, %lt3A_77 : i32
      %convert_element_type3A_79 = arith.extui %lt3A_78 : i1 to i32
      %cond3A_80 = arith.constant 0 : i32
      %cond3A_81 = arith.cmpi ne, %convert_element_type3A_79, %cond3A_80 : i32
      scf.if %cond3A_81 {
        %mul3A_95 = arith.constant 256 : i32
        %mul3A_96 = arith.muli %add3A_76, %mul3A_95 : i32
        %dma_wait3A = arith.constant 0 : i32
        %dma_wait3A_97 = tpu.memref_slice %arg2[%dma_wait3A, %mul3A_96] : memref<64x1000000xf32, #tpu.memory_space<hbm>> -> memref<64x256xf32, #tpu.memory_space<hbm>>
        %dma_wait3A_98 = arith.constant 0 : i32
        %dma_wait3A_99 = tpu.memref_slice %arg2[%dma_wait3A_98, %mul3A_96] : memref<64x1000000xf32, #tpu.memory_space<hbm>> -> memref<64x256xf32, #tpu.memory_space<hbm>>
        tpu.wait_dma2 semaphore(%arg10 : memref<!tpu.dma_semaphore, #tpu.memory_space<semaphore_mem>>) src(%dma_wait3A_99 : memref<64x256xf32, #tpu.memory_space<hbm>>) dst(%arg5 : memref<64x256xf32, #tpu.memory_space<vmem>>)
        %ge3A_100 = arith.constant 2 : i32
        %ge3A_101 = arith.cmpi sge, %add3A_73, %ge3A_100 : i32
        %convert_element_type3A_102 = arith.extui %ge3A_101 : i1 to i32
        %cond3A_103 = arith.constant 0 : i32
        %cond3A_104 = arith.cmpi ne, %convert_element_type3A_102, %cond3A_103 : i32
        scf.if %cond3A_104 {
          %sub3A = arith.constant 2 : i32
          %sub3A_127 = arith.subi %add3A_73, %sub3A : i32
          %mul3A_128 = arith.constant 32 : i32
          %mul3A_129 = arith.muli %mul3A_128, %sub3A_127 : i32
          %add3A_130 = arith.addi %add3A, %mul3A_129 : i32
          %mul3A_131 = arith.constant 128 : i32
          %mul3A_132 = arith.muli %add3A_130, %mul3A_131 : i32
          %dma_wait3A_133 = arith.constant 0 : i32
          %dma_wait3A_134 = tpu.memref_slice %arg4[%mul3A_132, %dma_wait3A_133] : memref<500000x128xf32, #tpu.memory_space<hbm>> -> memref<128x128xf32, #tpu.memory_space<hbm>>
          %dma_wait3A_135 = arith.constant 0 : i32
          %dma_wait3A_136 = tpu.memref_slice %arg4[%mul3A_132, %dma_wait3A_135] : memref<500000x128xf32, #tpu.memory_space<hbm>> -> memref<128x128xf32, #tpu.memory_space<hbm>>
          tpu.wait_dma2 semaphore(%arg12 : memref<!tpu.dma_semaphore, #tpu.memory_space<semaphore_mem>>) src(%arg7 : memref<128x128xf32, #tpu.memory_space<vmem>>) dst(%dma_wait3A_136 : memref<128x128xf32, #tpu.memory_space<hbm>>)
        } else {
        }
        %scan3A_105 = arith.constant 0 : i32
        %scan3A_106 = arith.constant 0 : i32
        %scan3A_107 = arith.constant 32 : i32
        %scan3A_108 = arith.addi %scan3A_106, %scan3A_107 : i32
        %scan3A_109 = arith.constant 1 : i32
        %scan3A_110 = scf.for %scan3A_127 = %scan3A_106 to %scan3A_108 step %scan3A_109 iter_args(%scan3A_128 = %scan3A_105) -> (i32)  : i32 {
          %mul3A_129 = arith.constant 8 : i32
          %mul3A_130 = arith.muli %mul3A_129, %scan3A_127 : i32
          %add3A_131 = arith.constant 0 : i32
          %add3A_132 = arith.addi %mul3A_130, %add3A_131 : i32
          %xor3A = vector.broadcast %add3A_132 : i32 to vector<16xi32>
          %xor3A_133 = arith.xori %xor3A, %iota3A : vector<16xi32>
          %shift_right_logical3A = arith.constant 1 : i32
          %shift_right_logical3A_134 = vector.broadcast %shift_right_logical3A : i32 to vector<16xi32>
          %shift_right_logical3A_135 = arith.shrui %xor3A_133, %shift_right_logical3A_134 : vector<16xi32>
          %and3A_136 = arith.constant 1 : i32
          %and3A_137 = vector.broadcast %and3A_136 : i32 to vector<16xi32>
          %and3A_138 = arith.andi %xor3A_133, %and3A_137 : vector<16xi32>
          %mul3A_139 = arith.constant 64 : i32
          %mul3A_140 = vector.broadcast %mul3A_139 : i32 to vector<16xi32>
          %mul3A_141 = arith.muli %and3A_138, %mul3A_140 : vector<16xi32>
          %gather3A = tpu.vector_load_idx %arg5[%add3A_3, %xor3A_133] : memref<64x256xf32, #tpu.memory_space<vmem>>[vector<16xi32>, vector<16xi32>], vector<16xf32>,
          %add3A_142 = arith.addi %mul3A_141, %add3A_3 : vector<16xi32>
          tpu.vector_store_idx %arg7[%shift_right_logical3A_135, %add3A_142], %gather3A : memref<128x128xf32, #tpu.memory_space<vmem>>[vector<16xi32>, vector<16xi32>], vector<16xf32>,
          %gather3A_143 = tpu.vector_load_idx %arg5[%add3A_6, %xor3A_133] : memref<64x256xf32, #tpu.memory_space<vmem>>[vector<16xi32>, vector<16xi32>], vector<16xf32>,
          %add3A_144 = arith.addi %mul3A_141, %add3A_6 : vector<16xi32>
          tpu.vector_store_idx %arg7[%shift_right_logical3A_135, %add3A_144], %gather3A_143 : memref<128x128xf32, #tpu.memory_space<vmem>>[vector<16xi32>, vector<16xi32>], vector<16xf32>,
          %gather3A_145 = tpu.vector_load_idx %arg5[%add3A_9, %xor3A_133] : memref<64x256xf32, #tpu.memory_space<vmem>>[vector<16xi32>, vector<16xi32>], vector<16xf32>,
          %add3A_146 = arith.addi %mul3A_141, %add3A_9 : vector<16xi32>
          tpu.vector_store_idx %arg7[%shift_right_logical3A_135, %add3A_146], %gather3A_145 : memref<128x128xf32, #tpu.memory_space<vmem>>[vector<16xi32>, vector<16xi32>], vector<16xf32>,
          %gather3A_147 = tpu.vector_load_idx %arg5[%add3A_12, %xor3A_133] : memref<64x256xf32, #tpu.memory_space<vmem>>[vector<16xi32>, vector<16xi32>], vector<16xf32>,
          %add3A_148 = arith.addi %mul3A_141, %add3A_12 : vector<16xi32>
          tpu.vector_store_idx %arg7[%shift_right_logical3A_135, %add3A_148], %gather3A_147 : memref<128x128xf32, #tpu.memory_space<vmem>>[vector<16xi32>, vector<16xi32>], vector<16xf32>,
          %mul3A_149 = arith.constant 8 : i32
          %mul3A_150 = arith.muli %mul3A_149, %scan3A_127 : i32
          %add3A_151 = arith.constant 1 : i32
          %add3A_152 = arith.addi %mul3A_150, %add3A_151 : i32
          %xor3A_153 = vector.broadcast %add3A_152 : i32 to vector<16xi32>
          %xor3A_154 = arith.xori %xor3A_153, %iota3A : vector<16xi32>
          %shift_right_logical3A_155 = arith.constant 1 : i32
          %shift_right_logical3A_156 = vector.broadcast %shift_right_logical3A_155 : i32 to vector<16xi32>
          %shift_right_logical3A_157 = arith.shrui %xor3A_154, %shift_right_logical3A_156 : vector<16xi32>
          %and3A_158 = arith.constant 1 : i32
          %and3A_159 = vector.broadcast %and3A_158 : i32 to vector<16xi32>
          %and3A_160 = arith.andi %xor3A_154, %and3A_159 : vector<16xi32>
          %mul3A_161 = arith.constant 64 : i32
          %mul3A_162 = vector.broadcast %mul3A_161 : i32 to vector<16xi32>
          %mul3A_163 = arith.muli %and3A_160, %mul3A_162 : vector<16xi32>
          %gather3A_164 = tpu.vector_load_idx %arg5[%add3A_3, %xor3A_154] : memref<64x256xf32, #tpu.memory_space<vmem>>[vector<16xi32>, vector<16xi32>], vector<16xf32>,
          %add3A_165 = arith.addi %mul3A_163, %add3A_3 : vector<16xi32>
          tpu.vector_store_idx %arg7[%shift_right_logical3A_157, %add3A_165], %gather3A_164 : memref<128x128xf32, #tpu.memory_space<vmem>>[vector<16xi32>, vector<16xi32>], vector<16xf32>,
          %gather3A_166 = tpu.vector_load_idx %arg5[%add3A_6, %xor3A_154] : memref<64x256xf32, #tpu.memory_space<vmem>>[vector<16xi32>, vector<16xi32>], vector<16xf32>,
          %add3A_167 = arith.addi %mul3A_163, %add3A_6 : vector<16xi32>
          tpu.vector_store_idx %arg7[%shift_right_logical3A_157, %add3A_167], %gather3A_166 : memref<128x128xf32, #tpu.memory_space<vmem>>[vector<16xi32>, vector<16xi32>], vector<16xf32>,
          %gather3A_168 = tpu.vector_load_idx %arg5[%add3A_9, %xor3A_154] : memref<64x256xf32, #tpu.memory_space<vmem>>[vector<16xi32>, vector<16xi32>], vector<16xf32>,
          %add3A_169 = arith.addi %mul3A_163, %add3A_9 : vector<16xi32>
          tpu.vector_store_idx %arg7[%shift_right_logical3A_157, %add3A_169], %gather3A_168 : memref<128x128xf32, #tpu.memory_space<vmem>>[vector<16xi32>, vector<16xi32>], vector<16xf32>,
          %gather3A_170 = tpu.vector_load_idx %arg5[%add3A_12, %xor3A_154] : memref<64x256xf32, #tpu.memory_space<vmem>>[vector<16xi32>, vector<16xi32>], vector<16xf32>,
          %add3A_171 = arith.addi %mul3A_163, %add3A_12 : vector<16xi32>
          tpu.vector_store_idx %arg7[%shift_right_logical3A_157, %add3A_171], %gather3A_170 : memref<128x128xf32, #tpu.memory_space<vmem>>[vector<16xi32>, vector<16xi32>], vector<16xf32>,
          %mul3A_172 = arith.constant 8 : i32
          %mul3A_173 = arith.muli %mul3A_172, %scan3A_127 : i32
          %add3A_174 = arith.constant 2 : i32
          %add3A_175 = arith.addi %mul3A_173, %add3A_174 : i32
          %xor3A_176 = vector.broadcast %add3A_175 : i32 to vector<16xi32>
          %xor3A_177 = arith.xori %xor3A_176, %iota3A : vector<16xi32>
          %shift_right_logical3A_178 = arith.constant 1 : i32
          %shift_right_logical3A_179 = vector.broadcast %shift_right_logical3A_178 : i32 to vector<16xi32>
          %shift_right_logical3A_180 = arith.shrui %xor3A_177, %shift_right_logical3A_179 : vector<16xi32>
          %and3A_181 = arith.constant 1 : i32
          %and3A_182 = vector.broadcast %and3A_181 : i32 to vector<16xi32>
          %and3A_183 = arith.andi %xor3A_177, %and3A_182 : vector<16xi32>
          %mul3A_184 = arith.constant 64 : i32
          %mul3A_185 = vector.broadcast %mul3A_184 : i32 to vector<16xi32>
          %mul3A_186 = arith.muli %and3A_183, %mul3A_185 : vector<16xi32>
          %gather3A_187 = tpu.vector_load_idx %arg5[%add3A_3, %xor3A_177] : memref<64x256xf32, #tpu.memory_space<vmem>>[vector<16xi32>, vector<16xi32>], vector<16xf32>,
          %add3A_188 = arith.addi %mul3A_186, %add3A_3 : vector<16xi32>
          tpu.vector_store_idx %arg7[%shift_right_logical3A_180, %add3A_188], %gather3A_187 : memref<128x128xf32, #tpu.memory_space<vmem>>[vector<16xi32>, vector<16xi32>], vector<16xf32>,
          %gather3A_189 = tpu.vector_load_idx %arg5[%add3A_6, %xor3A_177] : memref<64x256xf32, #tpu.memory_space<vmem>>[vector<16xi32>, vector<16xi32>], vector<16xf32>,
          %add3A_190 = arith.addi %mul3A_186, %add3A_6 : vector<16xi32>
          tpu.vector_store_idx %arg7[%shift_right_logical3A_180, %add3A_190], %gather3A_189 : memref<128x128xf32, #tpu.memory_space<vmem>>[vector<16xi32>, vector<16xi32>], vector<16xf32>,
          %gather3A_191 = tpu.vector_load_idx %arg5[%add3A_9, %xor3A_177] : memref<64x256xf32, #tpu.memory_space<vmem>>[vector<16xi32>, vector<16xi32>], vector<16xf32>,
          %add3A_192 = arith.addi %mul3A_186, %add3A_9 : vector<16xi32>
          tpu.vector_store_idx %arg7[%shift_right_logical3A_180, %add3A_192], %gather3A_191 : memref<128x128xf32, #tpu.memory_space<vmem>>[vector<16xi32>, vector<16xi32>], vector<16xf32>,
          %gather3A_193 = tpu.vector_load_idx %arg5[%add3A_12, %xor3A_177] : memref<64x256xf32, #tpu.memory_space<vmem>>[vector<16xi32>, vector<16xi32>], vector<16xf32>,
          %add3A_194 = arith.addi %mul3A_186, %add3A_12 : vector<16xi32>
          tpu.vector_store_idx %arg7[%shift_right_logical3A_180, %add3A_194], %gather3A_193 : memref<128x128xf32, #tpu.memory_space<vmem>>[vector<16xi32>, vector<16xi32>], vector<16xf32>,
          %mul3A_195 = arith.constant 8 : i32
          %mul3A_196 = arith.muli %mul3A_195, %scan3A_127 : i32
          %add3A_197 = arith.constant 3 : i32
          %add3A_198 = arith.addi %mul3A_196, %add3A_197 : i32
          %xor3A_199 = vector.broadcast %add3A_198 : i32 to vector<16xi32>
          %xor3A_200 = arith.xori %xor3A_199, %iota3A : vector<16xi32>
          %shift_right_logical3A_201 = arith.constant 1 : i32
          %shift_right_logical3A_202 = vector.broadcast %shift_right_logical3A_201 : i32 to vector<16xi32>
          %shift_right_logical3A_203 = arith.shrui %xor3A_200, %shift_right_logical3A_202 : vector<16xi32>
          %and3A_204 = arith.constant 1 : i32
          %and3A_205 = vector.broadcast %and3A_204 : i32 to vector<16xi32>
          %and3A_206 = arith.andi %xor3A_200, %and3A_205 : vector<16xi32>
          %mul3A_207 = arith.constant 64 : i32
          %mul3A_208 = vector.broadcast %mul3A_207 : i32 to vector<16xi32>
          %mul3A_209 = arith.muli %and3A_206, %mul3A_208 : vector<16xi32>
          %gather3A_210 = tpu.vector_load_idx %arg5[%add3A_3, %xor3A_200] : memref<64x256xf32, #tpu.memory_space<vmem>>[vector<16xi32>, vector<16xi32>], vector<16xf32>,
          %add3A_211 = arith.addi %mul3A_209, %add3A_3 : vector<16xi32>
          tpu.vector_store_idx %arg7[%shift_right_logical3A_203, %add3A_211], %gather3A_210 : memref<128x128xf32, #tpu.memory_space<vmem>>[vector<16xi32>, vector<16xi32>], vector<16xf32>,
          %gather3A_212 = tpu.vector_load_idx %arg5[%add3A_6, %xor3A_200] : memref<64x256xf32, #tpu.memory_space<vmem>>[vector<16xi32>, vector<16xi32>], vector<16xf32>,
          %add3A_213 = arith.addi %mul3A_209, %add3A_6 : vector<16xi32>
          tpu.vector_store_idx %arg7[%shift_right_logical3A_203, %add3A_213], %gather3A_212 : memref<128x128xf32, #tpu.memory_space<vmem>>[vector<16xi32>, vector<16xi32>], vector<16xf32>,
          %gather3A_214 = tpu.vector_load_idx %arg5[%add3A_9, %xor3A_200] : memref<64x256xf32, #tpu.memory_space<vmem>>[vector<16xi32>, vector<16xi32>], vector<16xf32>,
          %add3A_215 = arith.addi %mul3A_209, %add3A_9 : vector<16xi32>
          tpu.vector_store_idx %arg7[%shift_right_logical3A_203, %add3A_215], %gather3A_214 : memref<128x128xf32, #tpu.memory_space<vmem>>[vector<16xi32>, vector<16xi32>], vector<16xf32>,
          %gather3A_216 = tpu.vector_load_idx %arg5[%add3A_12, %xor3A_200] : memref<64x256xf32, #tpu.memory_space<vmem>>[vector<16xi32>, vector<16xi32>], vector<16xf32>,
          %add3A_217 = arith.addi %mul3A_209, %add3A_12 : vector<16xi32>
          tpu.vector_store_idx %arg7[%shift_right_logical3A_203, %add3A_217], %gather3A_216 : memref<128x128xf32, #tpu.memory_space<vmem>>[vector<16xi32>, vector<16xi32>], vector<16xf32>,
          %mul3A_218 = arith.constant 8 : i32
          %mul3A_219 = arith.muli %mul3A_218, %scan3A_127 : i32
          %add3A_220 = arith.constant 4 : i32
          %add3A_221 = arith.addi %mul3A_219, %add3A_220 : i32
          %xor3A_222 = vector.broadcast %add3A_221 : i32 to vector<16xi32>
          %xor3A_223 = arith.xori %xor3A_222, %iota3A : vector<16xi32>
          %shift_right_logical3A_224 = arith.constant 1 : i32
          %shift_right_logical3A_225 = vector.broadcast %shift_right_logical3A_224 : i32 to vector<16xi32>
          %shift_right_logical3A_226 = arith.shrui %xor3A_223, %shift_right_logical3A_225 : vector<16xi32>
          %and3A_227 = arith.constant 1 : i32
          %and3A_228 = vector.broadcast %and3A_227 : i32 to vector<16xi32>
          %and3A_229 = arith.andi %xor3A_223, %and3A_228 : vector<16xi32>
          %mul3A_230 = arith.constant 64 : i32
          %mul3A_231 = vector.broadcast %mul3A_230 : i32 to vector<16xi32>
          %mul3A_232 = arith.muli %and3A_229, %mul3A_231 : vector<16xi32>
          %gather3A_233 = tpu.vector_load_idx %arg5[%add3A_3, %xor3A_223] : memref<64x256xf32, #tpu.memory_space<vmem>>[vector<16xi32>, vector<16xi32>], vector<16xf32>,
          %add3A_234 = arith.addi %mul3A_232, %add3A_3 : vector<16xi32>
          tpu.vector_store_idx %arg7[%shift_right_logical3A_226, %add3A_234], %gather3A_233 : memref<128x128xf32, #tpu.memory_space<vmem>>[vector<16xi32>, vector<16xi32>], vector<16xf32>,
          %gather3A_235 = tpu.vector_load_idx %arg5[%add3A_6, %xor3A_223] : memref<64x256xf32, #tpu.memory_space<vmem>>[vector<16xi32>, vector<16xi32>], vector<16xf32>,
          %add3A_236 = arith.addi %mul3A_232, %add3A_6 : vector<16xi32>
          tpu.vector_store_idx %arg7[%shift_right_logical3A_226, %add3A_236], %gather3A_235 : memref<128x128xf32, #tpu.memory_space<vmem>>[vector<16xi32>, vector<16xi32>], vector<16xf32>,
          %gather3A_237 = tpu.vector_load_idx %arg5[%add3A_9, %xor3A_223] : memref<64x256xf32, #tpu.memory_space<vmem>>[vector<16xi32>, vector<16xi32>], vector<16xf32>,
          %add3A_238 = arith.addi %mul3A_232, %add3A_9 : vector<16xi32>
          tpu.vector_store_idx %arg7[%shift_right_logical3A_226, %add3A_238], %gather3A_237 : memref<128x128xf32, #tpu.memory_space<vmem>>[vector<16xi32>, vector<16xi32>], vector<16xf32>,
          %gather3A_239 = tpu.vector_load_idx %arg5[%add3A_12, %xor3A_223] : memref<64x256xf32, #tpu.memory_space<vmem>>[vector<16xi32>, vector<16xi32>], vector<16xf32>,
          %add3A_240 = arith.addi %mul3A_232, %add3A_12 : vector<16xi32>
          tpu.vector_store_idx %arg7[%shift_right_logical3A_226, %add3A_240], %gather3A_239 : memref<128x128xf32, #tpu.memory_space<vmem>>[vector<16xi32>, vector<16xi32>], vector<16xf32>,
          %mul3A_241 = arith.constant 8 : i32
          %mul3A_242 = arith.muli %mul3A_241, %scan3A_127 : i32
          %add3A_243 = arith.constant 5 : i32
          %add3A_244 = arith.addi %mul3A_242, %add3A_243 : i32
          %xor3A_245 = vector.broadcast %add3A_244 : i32 to vector<16xi32>
          %xor3A_246 = arith.xori %xor3A_245, %iota3A : vector<16xi32>
          %shift_right_logical3A_247 = arith.constant 1 : i32
          %shift_right_logical3A_248 = vector.broadcast %shift_right_logical3A_247 : i32 to vector<16xi32>
          %shift_right_logical3A_249 = arith.shrui %xor3A_246, %shift_right_logical3A_248 : vector<16xi32>
          %and3A_250 = arith.constant 1 : i32
          %and3A_251 = vector.broadcast %and3A_250 : i32 to vector<16xi32>
          %and3A_252 = arith.andi %xor3A_246, %and3A_251 : vector<16xi32>
          %mul3A_253 = arith.constant 64 : i32
          %mul3A_254 = vector.broadcast %mul3A_253 : i32 to vector<16xi32>
          %mul3A_255 = arith.muli %and3A_252, %mul3A_254 : vector<16xi32>
          %gather3A_256 = tpu.vector_load_idx %arg5[%add3A_3, %xor3A_246] : memref<64x256xf32, #tpu.memory_space<vmem>>[vector<16xi32>, vector<16xi32>], vector<16xf32>,
          %add3A_257 = arith.addi %mul3A_255, %add3A_3 : vector<16xi32>
          tpu.vector_store_idx %arg7[%shift_right_logical3A_249, %add3A_257], %gather3A_256 : memref<128x128xf32, #tpu.memory_space<vmem>>[vector<16xi32>, vector<16xi32>], vector<16xf32>,
          %gather3A_258 = tpu.vector_load_idx %arg5[%add3A_6, %xor3A_246] : memref<64x256xf32, #tpu.memory_space<vmem>>[vector<16xi32>, vector<16xi32>], vector<16xf32>,
          %add3A_259 = arith.addi %mul3A_255, %add3A_6 : vector<16xi32>
          tpu.vector_store_idx %arg7[%shift_right_logical3A_249, %add3A_259], %gather3A_258 : memref<128x128xf32, #tpu.memory_space<vmem>>[vector<16xi32>, vector<16xi32>], vector<16xf32>,
          %gather3A_260 = tpu.vector_load_idx %arg5[%add3A_9, %xor3A_246] : memref<64x256xf32, #tpu.memory_space<vmem>>[vector<16xi32>, vector<16xi32>], vector<16xf32>,
          %add3A_261 = arith.addi %mul3A_255, %add3A_9 : vector<16xi32>
          tpu.vector_store_idx %arg7[%shift_right_logical3A_249, %add3A_261], %gather3A_260 : memref<128x128xf32, #tpu.memory_space<vmem>>[vector<16xi32>, vector<16xi32>], vector<16xf32>,
          %gather3A_262 = tpu.vector_load_idx %arg5[%add3A_12, %xor3A_246] : memref<64x256xf32, #tpu.memory_space<vmem>>[vector<16xi32>, vector<16xi32>], vector<16xf32>,
          %add3A_263 = arith.addi %mul3A_255, %add3A_12 : vector<16xi32>
          tpu.vector_store_idx %arg7[%shift_right_logical3A_249, %add3A_263], %gather3A_262 : memref<128x128xf32, #tpu.memory_space<vmem>>[vector<16xi32>, vector<16xi32>], vector<16xf32>,
          %mul3A_264 = arith.constant 8 : i32
          %mul3A_265 = arith.muli %mul3A_264, %scan3A_127 : i32
          %add3A_266 = arith.constant 6 : i32
          %add3A_267 = arith.addi %mul3A_265, %add3A_266 : i32
          %xor3A_268 = vector.broadcast %add3A_267 : i32 to vector<16xi32>
          %xor3A_269 = arith.xori %xor3A_268, %iota3A : vector<16xi32>
          %shift_right_logical3A_270 = arith.constant 1 : i32
          %shift_right_logical3A_271 = vector.broadcast %shift_right_logical3A_270 : i32 to vector<16xi32>
          %shift_right_logical3A_272 = arith.shrui %xor3A_269, %shift_right_logical3A_271 : vector<16xi32>
          %and3A_273 = arith.constant 1 : i32
          %and3A_274 = vector.broadcast %and3A_273 : i32 to vector<16xi32>
          %and3A_275 = arith.andi %xor3A_269, %and3A_274 : vector<16xi32>
          %mul3A_276 = arith.constant 64 : i32
          %mul3A_277 = vector.broadcast %mul3A_276 : i32 to vector<16xi32>
          %mul3A_278 = arith.muli %and3A_275, %mul3A_277 : vector<16xi32>
          %gather3A_279 = tpu.vector_load_idx %arg5[%add3A_3, %xor3A_269] : memref<64x256xf32, #tpu.memory_space<vmem>>[vector<16xi32>, vector<16xi32>], vector<16xf32>,
          %add3A_280 = arith.addi %mul3A_278, %add3A_3 : vector<16xi32>
          tpu.vector_store_idx %arg7[%shift_right_logical3A_272, %add3A_280], %gather3A_279 : memref<128x128xf32, #tpu.memory_space<vmem>>[vector<16xi32>, vector<16xi32>], vector<16xf32>,
          %gather3A_281 = tpu.vector_load_idx %arg5[%add3A_6, %xor3A_269] : memref<64x256xf32, #tpu.memory_space<vmem>>[vector<16xi32>, vector<16xi32>], vector<16xf32>,
          %add3A_282 = arith.addi %mul3A_278, %add3A_6 : vector<16xi32>
          tpu.vector_store_idx %arg7[%shift_right_logical3A_272, %add3A_282], %gather3A_281 : memref<128x128xf32, #tpu.memory_space<vmem>>[vector<16xi32>, vector<16xi32>], vector<16xf32>,
          %gather3A_283 = tpu.vector_load_idx %arg5[%add3A_9, %xor3A_269] : memref<64x256xf32, #tpu.memory_space<vmem>>[vector<16xi32>, vector<16xi32>], vector<16xf32>,
          %add3A_284 = arith.addi %mul3A_278, %add3A_9 : vector<16xi32>
          tpu.vector_store_idx %arg7[%shift_right_logical3A_272, %add3A_284], %gather3A_283 : memref<128x128xf32, #tpu.memory_space<vmem>>[vector<16xi32>, vector<16xi32>], vector<16xf32>,
          %gather3A_285 = tpu.vector_load_idx %arg5[%add3A_12, %xor3A_269] : memref<64x256xf32, #tpu.memory_space<vmem>>[vector<16xi32>, vector<16xi32>], vector<16xf32>,
          %add3A_286 = arith.addi %mul3A_278, %add3A_12 : vector<16xi32>
          tpu.vector_store_idx %arg7[%shift_right_logical3A_272, %add3A_286], %gather3A_285 : memref<128x128xf32, #tpu.memory_space<vmem>>[vector<16xi32>, vector<16xi32>], vector<16xf32>,
          %mul3A_287 = arith.constant 8 : i32
          %mul3A_288 = arith.muli %mul3A_287, %scan3A_127 : i32
          %add3A_289 = arith.constant 7 : i32
          %add3A_290 = arith.addi %mul3A_288, %add3A_289 : i32
          %xor3A_291 = vector.broadcast %add3A_290 : i32 to vector<16xi32>
          %xor3A_292 = arith.xori %xor3A_291, %iota3A : vector<16xi32>
          %shift_right_logical3A_293 = arith.constant 1 : i32
          %shift_right_logical3A_294 = vector.broadcast %shift_right_logical3A_293 : i32 to vector<16xi32>
          %shift_right_logical3A_295 = arith.shrui %xor3A_292, %shift_right_logical3A_294 : vector<16xi32>
          %and3A_296 = arith.constant 1 : i32
          %and3A_297 = vector.broadcast %and3A_296 : i32 to vector<16xi32>
          %and3A_298 = arith.andi %xor3A_292, %and3A_297 : vector<16xi32>
          %mul3A_299 = arith.constant 64 : i32
          %mul3A_300 = vector.broadcast %mul3A_299 : i32 to vector<16xi32>
          %mul3A_301 = arith.muli %and3A_298, %mul3A_300 : vector<16xi32>
          %gather3A_302 = tpu.vector_load_idx %arg5[%add3A_3, %xor3A_292] : memref<64x256xf32, #tpu.memory_space<vmem>>[vector<16xi32>, vector<16xi32>], vector<16xf32>,
          %add3A_303 = arith.addi %mul3A_301, %add3A_3 : vector<16xi32>
          tpu.vector_store_idx %arg7[%shift_right_logical3A_295, %add3A_303], %gather3A_302 : memref<128x128xf32, #tpu.memory_space<vmem>>[vector<16xi32>, vector<16xi32>], vector<16xf32>,
          %gather3A_304 = tpu.vector_load_idx %arg5[%add3A_6, %xor3A_292] : memref<64x256xf32, #tpu.memory_space<vmem>>[vector<16xi32>, vector<16xi32>], vector<16xf32>,
          %add3A_305 = arith.addi %mul3A_301, %add3A_6 : vector<16xi32>
          tpu.vector_store_idx %arg7[%shift_right_logical3A_295, %add3A_305], %gather3A_304 : memref<128x128xf32, #tpu.memory_space<vmem>>[vector<16xi32>, vector<16xi32>], vector<16xf32>,
          %gather3A_306 = tpu.vector_load_idx %arg5[%add3A_9, %xor3A_292] : memref<64x256xf32, #tpu.memory_space<vmem>>[vector<16xi32>, vector<16xi32>], vector<16xf32>,
          %add3A_307 = arith.addi %mul3A_301, %add3A_9 : vector<16xi32>
          tpu.vector_store_idx %arg7[%shift_right_logical3A_295, %add3A_307], %gather3A_306 : memref<128x128xf32, #tpu.memory_space<vmem>>[vector<16xi32>, vector<16xi32>], vector<16xf32>,
          %gather3A_308 = tpu.vector_load_idx %arg5[%add3A_12, %xor3A_292] : memref<64x256xf32, #tpu.memory_space<vmem>>[vector<16xi32>, vector<16xi32>], vector<16xf32>,
          %add3A_309 = arith.addi %mul3A_301, %add3A_12 : vector<16xi32>
          tpu.vector_store_idx %arg7[%shift_right_logical3A_295, %add3A_309], %gather3A_308 : memref<128x128xf32, #tpu.memory_space<vmem>>[vector<16xi32>, vector<16xi32>], vector<16xf32>,
          %scan3A_310 = arith.constant 0 : i32
          scf.yield %scan3A_310 : i32
        }
        %scan3A_111 = arith.constant 32 : i32
        %mul3A_112 = arith.constant 128 : i32
        %mul3A_113 = arith.muli %add3A_76, %mul3A_112 : i32
        %dma_start3A = arith.constant 0 : i32
        %dma_start3A_114 = tpu.memref_slice %arg4[%mul3A_113, %dma_start3A] : memref<500000x128xf32, #tpu.memory_space<hbm>> -> memref<128x128xf32, #tpu.memory_space<hbm>>
        %dma_start3A_115 = arith.constant 0 : i32
        %dma_start3A_116 = tpu.memref_slice %arg4[%mul3A_113, %dma_start3A_115] : memref<500000x128xf32, #tpu.memory_space<hbm>> -> memref<128x128xf32, #tpu.memory_space<hbm>>
        tpu.enqueue_dma source(%arg7 : memref<128x128xf32, #tpu.memory_space<vmem>>) target(%dma_start3A_116 : memref<128x128xf32, #tpu.memory_space<hbm>>) target_semaphore(%arg12 : memref<!tpu.dma_semaphore, #tpu.memory_space<semaphore_mem>>)
        %add3A_117 = arith.constant 2 : i32
        %add3A_118 = arith.addi %add3A_73, %add3A_117 : i32
        %mul3A_119 = arith.constant 32 : i32
        %mul3A_120 = arith.muli %mul3A_119, %add3A_118 : i32
        %add3A_121 = arith.addi %add3A, %mul3A_120 : i32
        %lt3A_122 = arith.constant 3906 : i32
        %lt3A_123 = arith.cmpi slt, %add3A_121, %lt3A_122 : i32
        %convert_element_type3A_124 = arith.extui %lt3A_123 : i1 to i32
        %cond3A_125 = arith.constant 0 : i32
        %cond3A_126 = arith.cmpi ne, %convert_element_type3A_124, %cond3A_125 : i32
        scf.if %cond3A_126 {
          %mul3A_127 = arith.constant 256 : i32
          %mul3A_128 = arith.muli %add3A_121, %mul3A_127 : i32
          %dma_start3A_129 = arith.constant 0 : i32
          %dma_start3A_130 = tpu.memref_slice %arg2[%dma_start3A_129, %mul3A_128] : memref<64x1000000xf32, #tpu.memory_space<hbm>> -> memref<64x256xf32, #tpu.memory_space<hbm>>
          %dma_start3A_131 = arith.constant 0 : i32
          %dma_start3A_132 = tpu.memref_slice %arg2[%dma_start3A_131, %mul3A_128] : memref<64x1000000xf32, #tpu.memory_space<hbm>> -> memref<64x256xf32, #tpu.memory_space<hbm>>
          tpu.enqueue_dma source(%dma_start3A_132 : memref<64x256xf32, #tpu.memory_space<hbm>>) target(%arg5 : memref<64x256xf32, #tpu.memory_space<vmem>>) target_semaphore(%arg10 : memref<!tpu.dma_semaphore, #tpu.memory_space<semaphore_mem>>)
        } else {
        }
      } else {
      }
      %mul3A_82 = arith.constant 2 : i32
      %mul3A_83 = arith.muli %mul3A_82, %scan3A_68 : i32
      %add3A_84 = arith.constant 1 : i32
      %add3A_85 = arith.addi %mul3A_83, %add3A_84 : i32
      %mul3A_86 = arith.constant 32 : i32
      %mul3A_87 = arith.muli %mul3A_86, %add3A_85 : i32
      %add3A_88 = arith.addi %add3A, %mul3A_87 : i32
      %lt3A_89 = arith.constant 3906 : i32
      %lt3A_90 = arith.cmpi slt, %add3A_88, %lt3A_89 : i32
      %convert_element_type3A_91 = arith.extui %lt3A_90 : i1 to i32
      %cond3A_92 = arith.constant 0 : i32
      %cond3A_93 = arith.cmpi ne, %convert_element_type3A_91, %cond3A_92 : i32
      scf.if %cond3A_93 {
        %mul3A_95 = arith.constant 256 : i32
        %mul3A_96 = arith.muli %add3A_88, %mul3A_95 : i32
        %dma_wait3A = arith.constant 0 : i32
        %dma_wait3A_97 = tpu.memref_slice %arg2[%dma_wait3A, %mul3A_96] : memref<64x1000000xf32, #tpu.memory_space<hbm>> -> memref<64x256xf32, #tpu.memory_space<hbm>>
        %dma_wait3A_98 = arith.constant 0 : i32
        %dma_wait3A_99 = tpu.memref_slice %arg2[%dma_wait3A_98, %mul3A_96] : memref<64x1000000xf32, #tpu.memory_space<hbm>> -> memref<64x256xf32, #tpu.memory_space<hbm>>
        tpu.wait_dma2 semaphore(%arg11 : memref<!tpu.dma_semaphore, #tpu.memory_space<semaphore_mem>>) src(%dma_wait3A_99 : memref<64x256xf32, #tpu.memory_space<hbm>>) dst(%arg6 : memref<64x256xf32, #tpu.memory_space<vmem>>)
        %ge3A_100 = arith.constant 2 : i32
        %ge3A_101 = arith.cmpi sge, %add3A_85, %ge3A_100 : i32
        %convert_element_type3A_102 = arith.extui %ge3A_101 : i1 to i32
        %cond3A_103 = arith.constant 0 : i32
        %cond3A_104 = arith.cmpi ne, %convert_element_type3A_102, %cond3A_103 : i32
        scf.if %cond3A_104 {
          %sub3A = arith.constant 2 : i32
          %sub3A_127 = arith.subi %add3A_85, %sub3A : i32
          %mul3A_128 = arith.constant 32 : i32
          %mul3A_129 = arith.muli %mul3A_128, %sub3A_127 : i32
          %add3A_130 = arith.addi %add3A, %mul3A_129 : i32
          %mul3A_131 = arith.constant 128 : i32
          %mul3A_132 = arith.muli %add3A_130, %mul3A_131 : i32
          %dma_wait3A_133 = arith.constant 0 : i32
          %dma_wait3A_134 = tpu.memref_slice %arg4[%mul3A_132, %dma_wait3A_133] : memref<500000x128xf32, #tpu.memory_space<hbm>> -> memref<128x128xf32, #tpu.memory_space<hbm>>
          %dma_wait3A_135 = arith.constant 0 : i32
          %dma_wait3A_136 = tpu.memref_slice %arg4[%mul3A_132, %dma_wait3A_135] : memref<500000x128xf32, #tpu.memory_space<hbm>> -> memref<128x128xf32, #tpu.memory_space<hbm>>
          tpu.wait_dma2 semaphore(%arg13 : memref<!tpu.dma_semaphore, #tpu.memory_space<semaphore_mem>>) src(%arg8 : memref<128x128xf32, #tpu.memory_space<vmem>>) dst(%dma_wait3A_136 : memref<128x128xf32, #tpu.memory_space<hbm>>)
        } else {
        }
        %scan3A_105 = arith.constant 0 : i32
        %scan3A_106 = arith.constant 0 : i32
        %scan3A_107 = arith.constant 32 : i32
        %scan3A_108 = arith.addi %scan3A_106, %scan3A_107 : i32
        %scan3A_109 = arith.constant 1 : i32
        %scan3A_110 = scf.for %scan3A_127 = %scan3A_106 to %scan3A_108 step %scan3A_109 iter_args(%scan3A_128 = %scan3A_105) -> (i32)  : i32 {
          %mul3A_129 = arith.constant 8 : i32
          %mul3A_130 = arith.muli %mul3A_129, %scan3A_127 : i32
          %add3A_131 = arith.constant 0 : i32
          %add3A_132 = arith.addi %mul3A_130, %add3A_131 : i32
          %xor3A = vector.broadcast %add3A_132 : i32 to vector<16xi32>
          %xor3A_133 = arith.xori %xor3A, %iota3A : vector<16xi32>
          %shift_right_logical3A = arith.constant 1 : i32
          %shift_right_logical3A_134 = vector.broadcast %shift_right_logical3A : i32 to vector<16xi32>
          %shift_right_logical3A_135 = arith.shrui %xor3A_133, %shift_right_logical3A_134 : vector<16xi32>
          %and3A_136 = arith.constant 1 : i32
          %and3A_137 = vector.broadcast %and3A_136 : i32 to vector<16xi32>
          %and3A_138 = arith.andi %xor3A_133, %and3A_137 : vector<16xi32>
          %mul3A_139 = arith.constant 64 : i32
          %mul3A_140 = vector.broadcast %mul3A_139 : i32 to vector<16xi32>
          %mul3A_141 = arith.muli %and3A_138, %mul3A_140 : vector<16xi32>
          %gather3A = tpu.vector_load_idx %arg6[%add3A_3, %xor3A_133] : memref<64x256xf32, #tpu.memory_space<vmem>>[vector<16xi32>, vector<16xi32>], vector<16xf32>,
          %add3A_142 = arith.addi %mul3A_141, %add3A_3 : vector<16xi32>
          tpu.vector_store_idx %arg8[%shift_right_logical3A_135, %add3A_142], %gather3A : memref<128x128xf32, #tpu.memory_space<vmem>>[vector<16xi32>, vector<16xi32>], vector<16xf32>,
          %gather3A_143 = tpu.vector_load_idx %arg6[%add3A_6, %xor3A_133] : memref<64x256xf32, #tpu.memory_space<vmem>>[vector<16xi32>, vector<16xi32>], vector<16xf32>,
          %add3A_144 = arith.addi %mul3A_141, %add3A_6 : vector<16xi32>
          tpu.vector_store_idx %arg8[%shift_right_logical3A_135, %add3A_144], %gather3A_143 : memref<128x128xf32, #tpu.memory_space<vmem>>[vector<16xi32>, vector<16xi32>], vector<16xf32>,
          %gather3A_145 = tpu.vector_load_idx %arg6[%add3A_9, %xor3A_133] : memref<64x256xf32, #tpu.memory_space<vmem>>[vector<16xi32>, vector<16xi32>], vector<16xf32>,
          %add3A_146 = arith.addi %mul3A_141, %add3A_9 : vector<16xi32>
          tpu.vector_store_idx %arg8[%shift_right_logical3A_135, %add3A_146], %gather3A_145 : memref<128x128xf32, #tpu.memory_space<vmem>>[vector<16xi32>, vector<16xi32>], vector<16xf32>,
          %gather3A_147 = tpu.vector_load_idx %arg6[%add3A_12, %xor3A_133] : memref<64x256xf32, #tpu.memory_space<vmem>>[vector<16xi32>, vector<16xi32>], vector<16xf32>,
          %add3A_148 = arith.addi %mul3A_141, %add3A_12 : vector<16xi32>
          tpu.vector_store_idx %arg8[%shift_right_logical3A_135, %add3A_148], %gather3A_147 : memref<128x128xf32, #tpu.memory_space<vmem>>[vector<16xi32>, vector<16xi32>], vector<16xf32>,
          %mul3A_149 = arith.constant 8 : i32
          %mul3A_150 = arith.muli %mul3A_149, %scan3A_127 : i32
          %add3A_151 = arith.constant 1 : i32
          %add3A_152 = arith.addi %mul3A_150, %add3A_151 : i32
          %xor3A_153 = vector.broadcast %add3A_152 : i32 to vector<16xi32>
          %xor3A_154 = arith.xori %xor3A_153, %iota3A : vector<16xi32>
          %shift_right_logical3A_155 = arith.constant 1 : i32
          %shift_right_logical3A_156 = vector.broadcast %shift_right_logical3A_155 : i32 to vector<16xi32>
          %shift_right_logical3A_157 = arith.shrui %xor3A_154, %shift_right_logical3A_156 : vector<16xi32>
          %and3A_158 = arith.constant 1 : i32
          %and3A_159 = vector.broadcast %and3A_158 : i32 to vector<16xi32>
          %and3A_160 = arith.andi %xor3A_154, %and3A_159 : vector<16xi32>
          %mul3A_161 = arith.constant 64 : i32
          %mul3A_162 = vector.broadcast %mul3A_161 : i32 to vector<16xi32>
          %mul3A_163 = arith.muli %and3A_160, %mul3A_162 : vector<16xi32>
          %gather3A_164 = tpu.vector_load_idx %arg6[%add3A_3, %xor3A_154] : memref<64x256xf32, #tpu.memory_space<vmem>>[vector<16xi32>, vector<16xi32>], vector<16xf32>,
          %add3A_165 = arith.addi %mul3A_163, %add3A_3 : vector<16xi32>
          tpu.vector_store_idx %arg8[%shift_right_logical3A_157, %add3A_165], %gather3A_164 : memref<128x128xf32, #tpu.memory_space<vmem>>[vector<16xi32>, vector<16xi32>], vector<16xf32>,
          %gather3A_166 = tpu.vector_load_idx %arg6[%add3A_6, %xor3A_154] : memref<64x256xf32, #tpu.memory_space<vmem>>[vector<16xi32>, vector<16xi32>], vector<16xf32>,
          %add3A_167 = arith.addi %mul3A_163, %add3A_6 : vector<16xi32>
          tpu.vector_store_idx %arg8[%shift_right_logical3A_157, %add3A_167], %gather3A_166 : memref<128x128xf32, #tpu.memory_space<vmem>>[vector<16xi32>, vector<16xi32>], vector<16xf32>,
          %gather3A_168 = tpu.vector_load_idx %arg6[%add3A_9, %xor3A_154] : memref<64x256xf32, #tpu.memory_space<vmem>>[vector<16xi32>, vector<16xi32>], vector<16xf32>,
          %add3A_169 = arith.addi %mul3A_163, %add3A_9 : vector<16xi32>
          tpu.vector_store_idx %arg8[%shift_right_logical3A_157, %add3A_169], %gather3A_168 : memref<128x128xf32, #tpu.memory_space<vmem>>[vector<16xi32>, vector<16xi32>], vector<16xf32>,
          %gather3A_170 = tpu.vector_load_idx %arg6[%add3A_12, %xor3A_154] : memref<64x256xf32, #tpu.memory_space<vmem>>[vector<16xi32>, vector<16xi32>], vector<16xf32>,
          %add3A_171 = arith.addi %mul3A_163, %add3A_12 : vector<16xi32>
          tpu.vector_store_idx %arg8[%shift_right_logical3A_157, %add3A_171], %gather3A_170 : memref<128x128xf32, #tpu.memory_space<vmem>>[vector<16xi32>, vector<16xi32>], vector<16xf32>,
          %mul3A_172 = arith.constant 8 : i32
          %mul3A_173 = arith.muli %mul3A_172, %scan3A_127 : i32
          %add3A_174 = arith.constant 2 : i32
          %add3A_175 = arith.addi %mul3A_173, %add3A_174 : i32
          %xor3A_176 = vector.broadcast %add3A_175 : i32 to vector<16xi32>
          %xor3A_177 = arith.xori %xor3A_176, %iota3A : vector<16xi32>
          %shift_right_logical3A_178 = arith.constant 1 : i32
          %shift_right_logical3A_179 = vector.broadcast %shift_right_logical3A_178 : i32 to vector<16xi32>
          %shift_right_logical3A_180 = arith.shrui %xor3A_177, %shift_right_logical3A_179 : vector<16xi32>
          %and3A_181 = arith.constant 1 : i32
          %and3A_182 = vector.broadcast %and3A_181 : i32 to vector<16xi32>
          %and3A_183 = arith.andi %xor3A_177, %and3A_182 : vector<16xi32>
          %mul3A_184 = arith.constant 64 : i32
          %mul3A_185 = vector.broadcast %mul3A_184 : i32 to vector<16xi32>
          %mul3A_186 = arith.muli %and3A_183, %mul3A_185 : vector<16xi32>
          %gather3A_187 = tpu.vector_load_idx %arg6[%add3A_3, %xor3A_177] : memref<64x256xf32, #tpu.memory_space<vmem>>[vector<16xi32>, vector<16xi32>], vector<16xf32>,
          %add3A_188 = arith.addi %mul3A_186, %add3A_3 : vector<16xi32>
          tpu.vector_store_idx %arg8[%shift_right_logical3A_180, %add3A_188], %gather3A_187 : memref<128x128xf32, #tpu.memory_space<vmem>>[vector<16xi32>, vector<16xi32>], vector<16xf32>,
          %gather3A_189 = tpu.vector_load_idx %arg6[%add3A_6, %xor3A_177] : memref<64x256xf32, #tpu.memory_space<vmem>>[vector<16xi32>, vector<16xi32>], vector<16xf32>,
          %add3A_190 = arith.addi %mul3A_186, %add3A_6 : vector<16xi32>
          tpu.vector_store_idx %arg8[%shift_right_logical3A_180, %add3A_190], %gather3A_189 : memref<128x128xf32, #tpu.memory_space<vmem>>[vector<16xi32>, vector<16xi32>], vector<16xf32>,
          %gather3A_191 = tpu.vector_load_idx %arg6[%add3A_9, %xor3A_177] : memref<64x256xf32, #tpu.memory_space<vmem>>[vector<16xi32>, vector<16xi32>], vector<16xf32>,
          %add3A_192 = arith.addi %mul3A_186, %add3A_9 : vector<16xi32>
          tpu.vector_store_idx %arg8[%shift_right_logical3A_180, %add3A_192], %gather3A_191 : memref<128x128xf32, #tpu.memory_space<vmem>>[vector<16xi32>, vector<16xi32>], vector<16xf32>,
          %gather3A_193 = tpu.vector_load_idx %arg6[%add3A_12, %xor3A_177] : memref<64x256xf32, #tpu.memory_space<vmem>>[vector<16xi32>, vector<16xi32>], vector<16xf32>,
          %add3A_194 = arith.addi %mul3A_186, %add3A_12 : vector<16xi32>
          tpu.vector_store_idx %arg8[%shift_right_logical3A_180, %add3A_194], %gather3A_193 : memref<128x128xf32, #tpu.memory_space<vmem>>[vector<16xi32>, vector<16xi32>], vector<16xf32>,
          %mul3A_195 = arith.constant 8 : i32
          %mul3A_196 = arith.muli %mul3A_195, %scan3A_127 : i32
          %add3A_197 = arith.constant 3 : i32
          %add3A_198 = arith.addi %mul3A_196, %add3A_197 : i32
          %xor3A_199 = vector.broadcast %add3A_198 : i32 to vector<16xi32>
          %xor3A_200 = arith.xori %xor3A_199, %iota3A : vector<16xi32>
          %shift_right_logical3A_201 = arith.constant 1 : i32
          %shift_right_logical3A_202 = vector.broadcast %shift_right_logical3A_201 : i32 to vector<16xi32>
          %shift_right_logical3A_203 = arith.shrui %xor3A_200, %shift_right_logical3A_202 : vector<16xi32>
          %and3A_204 = arith.constant 1 : i32
          %and3A_205 = vector.broadcast %and3A_204 : i32 to vector<16xi32>
          %and3A_206 = arith.andi %xor3A_200, %and3A_205 : vector<16xi32>
          %mul3A_207 = arith.constant 64 : i32
          %mul3A_208 = vector.broadcast %mul3A_207 : i32 to vector<16xi32>
          %mul3A_209 = arith.muli %and3A_206, %mul3A_208 : vector<16xi32>
          %gather3A_210 = tpu.vector_load_idx %arg6[%add3A_3, %xor3A_200] : memref<64x256xf32, #tpu.memory_space<vmem>>[vector<16xi32>, vector<16xi32>], vector<16xf32>,
          %add3A_211 = arith.addi %mul3A_209, %add3A_3 : vector<16xi32>
          tpu.vector_store_idx %arg8[%shift_right_logical3A_203, %add3A_211], %gather3A_210 : memref<128x128xf32, #tpu.memory_space<vmem>>[vector<16xi32>, vector<16xi32>], vector<16xf32>,
          %gather3A_212 = tpu.vector_load_idx %arg6[%add3A_6, %xor3A_200] : memref<64x256xf32, #tpu.memory_space<vmem>>[vector<16xi32>, vector<16xi32>], vector<16xf32>,
          %add3A_213 = arith.addi %mul3A_209, %add3A_6 : vector<16xi32>
          tpu.vector_store_idx %arg8[%shift_right_logical3A_203, %add3A_213], %gather3A_212 : memref<128x128xf32, #tpu.memory_space<vmem>>[vector<16xi32>, vector<16xi32>], vector<16xf32>,
          %gather3A_214 = tpu.vector_load_idx %arg6[%add3A_9, %xor3A_200] : memref<64x256xf32, #tpu.memory_space<vmem>>[vector<16xi32>, vector<16xi32>], vector<16xf32>,
          %add3A_215 = arith.addi %mul3A_209, %add3A_9 : vector<16xi32>
          tpu.vector_store_idx %arg8[%shift_right_logical3A_203, %add3A_215], %gather3A_214 : memref<128x128xf32, #tpu.memory_space<vmem>>[vector<16xi32>, vector<16xi32>], vector<16xf32>,
          %gather3A_216 = tpu.vector_load_idx %arg6[%add3A_12, %xor3A_200] : memref<64x256xf32, #tpu.memory_space<vmem>>[vector<16xi32>, vector<16xi32>], vector<16xf32>,
          %add3A_217 = arith.addi %mul3A_209, %add3A_12 : vector<16xi32>
          tpu.vector_store_idx %arg8[%shift_right_logical3A_203, %add3A_217], %gather3A_216 : memref<128x128xf32, #tpu.memory_space<vmem>>[vector<16xi32>, vector<16xi32>], vector<16xf32>,
          %mul3A_218 = arith.constant 8 : i32
          %mul3A_219 = arith.muli %mul3A_218, %scan3A_127 : i32
          %add3A_220 = arith.constant 4 : i32
          %add3A_221 = arith.addi %mul3A_219, %add3A_220 : i32
          %xor3A_222 = vector.broadcast %add3A_221 : i32 to vector<16xi32>
          %xor3A_223 = arith.xori %xor3A_222, %iota3A : vector<16xi32>
          %shift_right_logical3A_224 = arith.constant 1 : i32
          %shift_right_logical3A_225 = vector.broadcast %shift_right_logical3A_224 : i32 to vector<16xi32>
          %shift_right_logical3A_226 = arith.shrui %xor3A_223, %shift_right_logical3A_225 : vector<16xi32>
          %and3A_227 = arith.constant 1 : i32
          %and3A_228 = vector.broadcast %and3A_227 : i32 to vector<16xi32>
          %and3A_229 = arith.andi %xor3A_223, %and3A_228 : vector<16xi32>
          %mul3A_230 = arith.constant 64 : i32
          %mul3A_231 = vector.broadcast %mul3A_230 : i32 to vector<16xi32>
          %mul3A_232 = arith.muli %and3A_229, %mul3A_231 : vector<16xi32>
          %gather3A_233 = tpu.vector_load_idx %arg6[%add3A_3, %xor3A_223] : memref<64x256xf32, #tpu.memory_space<vmem>>[vector<16xi32>, vector<16xi32>], vector<16xf32>,
          %add3A_234 = arith.addi %mul3A_232, %add3A_3 : vector<16xi32>
          tpu.vector_store_idx %arg8[%shift_right_logical3A_226, %add3A_234], %gather3A_233 : memref<128x128xf32, #tpu.memory_space<vmem>>[vector<16xi32>, vector<16xi32>], vector<16xf32>,
          %gather3A_235 = tpu.vector_load_idx %arg6[%add3A_6, %xor3A_223] : memref<64x256xf32, #tpu.memory_space<vmem>>[vector<16xi32>, vector<16xi32>], vector<16xf32>,
          %add3A_236 = arith.addi %mul3A_232, %add3A_6 : vector<16xi32>
          tpu.vector_store_idx %arg8[%shift_right_logical3A_226, %add3A_236], %gather3A_235 : memref<128x128xf32, #tpu.memory_space<vmem>>[vector<16xi32>, vector<16xi32>], vector<16xf32>,
          %gather3A_237 = tpu.vector_load_idx %arg6[%add3A_9, %xor3A_223] : memref<64x256xf32, #tpu.memory_space<vmem>>[vector<16xi32>, vector<16xi32>], vector<16xf32>,
          %add3A_238 = arith.addi %mul3A_232, %add3A_9 : vector<16xi32>
          tpu.vector_store_idx %arg8[%shift_right_logical3A_226, %add3A_238], %gather3A_237 : memref<128x128xf32, #tpu.memory_space<vmem>>[vector<16xi32>, vector<16xi32>], vector<16xf32>,
          %gather3A_239 = tpu.vector_load_idx %arg6[%add3A_12, %xor3A_223] : memref<64x256xf32, #tpu.memory_space<vmem>>[vector<16xi32>, vector<16xi32>], vector<16xf32>,
          %add3A_240 = arith.addi %mul3A_232, %add3A_12 : vector<16xi32>
          tpu.vector_store_idx %arg8[%shift_right_logical3A_226, %add3A_240], %gather3A_239 : memref<128x128xf32, #tpu.memory_space<vmem>>[vector<16xi32>, vector<16xi32>], vector<16xf32>,
          %mul3A_241 = arith.constant 8 : i32
          %mul3A_242 = arith.muli %mul3A_241, %scan3A_127 : i32
          %add3A_243 = arith.constant 5 : i32
          %add3A_244 = arith.addi %mul3A_242, %add3A_243 : i32
          %xor3A_245 = vector.broadcast %add3A_244 : i32 to vector<16xi32>
          %xor3A_246 = arith.xori %xor3A_245, %iota3A : vector<16xi32>
          %shift_right_logical3A_247 = arith.constant 1 : i32
          %shift_right_logical3A_248 = vector.broadcast %shift_right_logical3A_247 : i32 to vector<16xi32>
          %shift_right_logical3A_249 = arith.shrui %xor3A_246, %shift_right_logical3A_248 : vector<16xi32>
          %and3A_250 = arith.constant 1 : i32
          %and3A_251 = vector.broadcast %and3A_250 : i32 to vector<16xi32>
          %and3A_252 = arith.andi %xor3A_246, %and3A_251 : vector<16xi32>
          %mul3A_253 = arith.constant 64 : i32
          %mul3A_254 = vector.broadcast %mul3A_253 : i32 to vector<16xi32>
          %mul3A_255 = arith.muli %and3A_252, %mul3A_254 : vector<16xi32>
          %gather3A_256 = tpu.vector_load_idx %arg6[%add3A_3, %xor3A_246] : memref<64x256xf32, #tpu.memory_space<vmem>>[vector<16xi32>, vector<16xi32>], vector<16xf32>,
          %add3A_257 = arith.addi %mul3A_255, %add3A_3 : vector<16xi32>
          tpu.vector_store_idx %arg8[%shift_right_logical3A_249, %add3A_257], %gather3A_256 : memref<128x128xf32, #tpu.memory_space<vmem>>[vector<16xi32>, vector<16xi32>], vector<16xf32>,
          %gather3A_258 = tpu.vector_load_idx %arg6[%add3A_6, %xor3A_246] : memref<64x256xf32, #tpu.memory_space<vmem>>[vector<16xi32>, vector<16xi32>], vector<16xf32>,
          %add3A_259 = arith.addi %mul3A_255, %add3A_6 : vector<16xi32>
          tpu.vector_store_idx %arg8[%shift_right_logical3A_249, %add3A_259], %gather3A_258 : memref<128x128xf32, #tpu.memory_space<vmem>>[vector<16xi32>, vector<16xi32>], vector<16xf32>,
          %gather3A_260 = tpu.vector_load_idx %arg6[%add3A_9, %xor3A_246] : memref<64x256xf32, #tpu.memory_space<vmem>>[vector<16xi32>, vector<16xi32>], vector<16xf32>,
          %add3A_261 = arith.addi %mul3A_255, %add3A_9 : vector<16xi32>
          tpu.vector_store_idx %arg8[%shift_right_logical3A_249, %add3A_261], %gather3A_260 : memref<128x128xf32, #tpu.memory_space<vmem>>[vector<16xi32>, vector<16xi32>], vector<16xf32>,
          %gather3A_262 = tpu.vector_load_idx %arg6[%add3A_12, %xor3A_246] : memref<64x256xf32, #tpu.memory_space<vmem>>[vector<16xi32>, vector<16xi32>], vector<16xf32>,
          %add3A_263 = arith.addi %mul3A_255, %add3A_12 : vector<16xi32>
          tpu.vector_store_idx %arg8[%shift_right_logical3A_249, %add3A_263], %gather3A_262 : memref<128x128xf32, #tpu.memory_space<vmem>>[vector<16xi32>, vector<16xi32>], vector<16xf32>,
          %mul3A_264 = arith.constant 8 : i32
          %mul3A_265 = arith.muli %mul3A_264, %scan3A_127 : i32
          %add3A_266 = arith.constant 6 : i32
          %add3A_267 = arith.addi %mul3A_265, %add3A_266 : i32
          %xor3A_268 = vector.broadcast %add3A_267 : i32 to vector<16xi32>
          %xor3A_269 = arith.xori %xor3A_268, %iota3A : vector<16xi32>
          %shift_right_logical3A_270 = arith.constant 1 : i32
          %shift_right_logical3A_271 = vector.broadcast %shift_right_logical3A_270 : i32 to vector<16xi32>
          %shift_right_logical3A_272 = arith.shrui %xor3A_269, %shift_right_logical3A_271 : vector<16xi32>
          %and3A_273 = arith.constant 1 : i32
          %and3A_274 = vector.broadcast %and3A_273 : i32 to vector<16xi32>
          %and3A_275 = arith.andi %xor3A_269, %and3A_274 : vector<16xi32>
          %mul3A_276 = arith.constant 64 : i32
          %mul3A_277 = vector.broadcast %mul3A_276 : i32 to vector<16xi32>
          %mul3A_278 = arith.muli %and3A_275, %mul3A_277 : vector<16xi32>
          %gather3A_279 = tpu.vector_load_idx %arg6[%add3A_3, %xor3A_269] : memref<64x256xf32, #tpu.memory_space<vmem>>[vector<16xi32>, vector<16xi32>], vector<16xf32>,
          %add3A_280 = arith.addi %mul3A_278, %add3A_3 : vector<16xi32>
          tpu.vector_store_idx %arg8[%shift_right_logical3A_272, %add3A_280], %gather3A_279 : memref<128x128xf32, #tpu.memory_space<vmem>>[vector<16xi32>, vector<16xi32>], vector<16xf32>,
          %gather3A_281 = tpu.vector_load_idx %arg6[%add3A_6, %xor3A_269] : memref<64x256xf32, #tpu.memory_space<vmem>>[vector<16xi32>, vector<16xi32>], vector<16xf32>,
          %add3A_282 = arith.addi %mul3A_278, %add3A_6 : vector<16xi32>
          tpu.vector_store_idx %arg8[%shift_right_logical3A_272, %add3A_282], %gather3A_281 : memref<128x128xf32, #tpu.memory_space<vmem>>[vector<16xi32>, vector<16xi32>], vector<16xf32>,
          %gather3A_283 = tpu.vector_load_idx %arg6[%add3A_9, %xor3A_269] : memref<64x256xf32, #tpu.memory_space<vmem>>[vector<16xi32>, vector<16xi32>], vector<16xf32>,
          %add3A_284 = arith.addi %mul3A_278, %add3A_9 : vector<16xi32>
          tpu.vector_store_idx %arg8[%shift_right_logical3A_272, %add3A_284], %gather3A_283 : memref<128x128xf32, #tpu.memory_space<vmem>>[vector<16xi32>, vector<16xi32>], vector<16xf32>,
          %gather3A_285 = tpu.vector_load_idx %arg6[%add3A_12, %xor3A_269] : memref<64x256xf32, #tpu.memory_space<vmem>>[vector<16xi32>, vector<16xi32>], vector<16xf32>,
          %add3A_286 = arith.addi %mul3A_278, %add3A_12 : vector<16xi32>
          tpu.vector_store_idx %arg8[%shift_right_logical3A_272, %add3A_286], %gather3A_285 : memref<128x128xf32, #tpu.memory_space<vmem>>[vector<16xi32>, vector<16xi32>], vector<16xf32>,
          %mul3A_287 = arith.constant 8 : i32
          %mul3A_288 = arith.muli %mul3A_287, %scan3A_127 : i32
          %add3A_289 = arith.constant 7 : i32
          %add3A_290 = arith.addi %mul3A_288, %add3A_289 : i32
          %xor3A_291 = vector.broadcast %add3A_290 : i32 to vector<16xi32>
          %xor3A_292 = arith.xori %xor3A_291, %iota3A : vector<16xi32>
          %shift_right_logical3A_293 = arith.constant 1 : i32
          %shift_right_logical3A_294 = vector.broadcast %shift_right_logical3A_293 : i32 to vector<16xi32>
          %shift_right_logical3A_295 = arith.shrui %xor3A_292, %shift_right_logical3A_294 : vector<16xi32>
          %and3A_296 = arith.constant 1 : i32
          %and3A_297 = vector.broadcast %and3A_296 : i32 to vector<16xi32>
          %and3A_298 = arith.andi %xor3A_292, %and3A_297 : vector<16xi32>
          %mul3A_299 = arith.constant 64 : i32
          %mul3A_300 = vector.broadcast %mul3A_299 : i32 to vector<16xi32>
          %mul3A_301 = arith.muli %and3A_298, %mul3A_300 : vector<16xi32>
          %gather3A_302 = tpu.vector_load_idx %arg6[%add3A_3, %xor3A_292] : memref<64x256xf32, #tpu.memory_space<vmem>>[vector<16xi32>, vector<16xi32>], vector<16xf32>,
          %add3A_303 = arith.addi %mul3A_301, %add3A_3 : vector<16xi32>
          tpu.vector_store_idx %arg8[%shift_right_logical3A_295, %add3A_303], %gather3A_302 : memref<128x128xf32, #tpu.memory_space<vmem>>[vector<16xi32>, vector<16xi32>], vector<16xf32>,
          %gather3A_304 = tpu.vector_load_idx %arg6[%add3A_6, %xor3A_292] : memref<64x256xf32, #tpu.memory_space<vmem>>[vector<16xi32>, vector<16xi32>], vector<16xf32>,
          %add3A_305 = arith.addi %mul3A_301, %add3A_6 : vector<16xi32>
          tpu.vector_store_idx %arg8[%shift_right_logical3A_295, %add3A_305], %gather3A_304 : memref<128x128xf32, #tpu.memory_space<vmem>>[vector<16xi32>, vector<16xi32>], vector<16xf32>,
          %gather3A_306 = tpu.vector_load_idx %arg6[%add3A_9, %xor3A_292] : memref<64x256xf32, #tpu.memory_space<vmem>>[vector<16xi32>, vector<16xi32>], vector<16xf32>,
          %add3A_307 = arith.addi %mul3A_301, %add3A_9 : vector<16xi32>
          tpu.vector_store_idx %arg8[%shift_right_logical3A_295, %add3A_307], %gather3A_306 : memref<128x128xf32, #tpu.memory_space<vmem>>[vector<16xi32>, vector<16xi32>], vector<16xf32>,
          %gather3A_308 = tpu.vector_load_idx %arg6[%add3A_12, %xor3A_292] : memref<64x256xf32, #tpu.memory_space<vmem>>[vector<16xi32>, vector<16xi32>], vector<16xf32>,
          %add3A_309 = arith.addi %mul3A_301, %add3A_12 : vector<16xi32>
          tpu.vector_store_idx %arg8[%shift_right_logical3A_295, %add3A_309], %gather3A_308 : memref<128x128xf32, #tpu.memory_space<vmem>>[vector<16xi32>, vector<16xi32>], vector<16xf32>,
          %scan3A_310 = arith.constant 0 : i32
          scf.yield %scan3A_310 : i32
        }
        %scan3A_111 = arith.constant 32 : i32
        %mul3A_112 = arith.constant 128 : i32
        %mul3A_113 = arith.muli %add3A_88, %mul3A_112 : i32
        %dma_start3A = arith.constant 0 : i32
        %dma_start3A_114 = tpu.memref_slice %arg4[%mul3A_113, %dma_start3A] : memref<500000x128xf32, #tpu.memory_space<hbm>> -> memref<128x128xf32, #tpu.memory_space<hbm>>
        %dma_start3A_115 = arith.constant 0 : i32
        %dma_start3A_116 = tpu.memref_slice %arg4[%mul3A_113, %dma_start3A_115] : memref<500000x128xf32, #tpu.memory_space<hbm>> -> memref<128x128xf32, #tpu.memory_space<hbm>>
        tpu.enqueue_dma source(%arg8 : memref<128x128xf32, #tpu.memory_space<vmem>>) target(%dma_start3A_116 : memref<128x128xf32, #tpu.memory_space<hbm>>) target_semaphore(%arg13 : memref<!tpu.dma_semaphore, #tpu.memory_space<semaphore_mem>>)
        %add3A_117 = arith.constant 2 : i32
        %add3A_118 = arith.addi %add3A_85, %add3A_117 : i32
        %mul3A_119 = arith.constant 32 : i32
        %mul3A_120 = arith.muli %mul3A_119, %add3A_118 : i32
        %add3A_121 = arith.addi %add3A, %mul3A_120 : i32
        %lt3A_122 = arith.constant 3906 : i32
        %lt3A_123 = arith.cmpi slt, %add3A_121, %lt3A_122 : i32
        %convert_element_type3A_124 = arith.extui %lt3A_123 : i1 to i32
        %cond3A_125 = arith.constant 0 : i32
        %cond3A_126 = arith.cmpi ne, %convert_element_type3A_124, %cond3A_125 : i32
        scf.if %cond3A_126 {
          %mul3A_127 = arith.constant 256 : i32
          %mul3A_128 = arith.muli %add3A_121, %mul3A_127 : i32
          %dma_start3A_129 = arith.constant 0 : i32
          %dma_start3A_130 = tpu.memref_slice %arg2[%dma_start3A_129, %mul3A_128] : memref<64x1000000xf32, #tpu.memory_space<hbm>> -> memref<64x256xf32, #tpu.memory_space<hbm>>
          %dma_start3A_131 = arith.constant 0 : i32
          %dma_start3A_132 = tpu.memref_slice %arg2[%dma_start3A_131, %mul3A_128] : memref<64x1000000xf32, #tpu.memory_space<hbm>> -> memref<64x256xf32, #tpu.memory_space<hbm>>
          tpu.enqueue_dma source(%dma_start3A_132 : memref<64x256xf32, #tpu.memory_space<hbm>>) target(%arg6 : memref<64x256xf32, #tpu.memory_space<vmem>>) target_semaphore(%arg11 : memref<!tpu.dma_semaphore, #tpu.memory_space<semaphore_mem>>)
        } else {
        }
      } else {
      }
      %scan3A_94 = arith.constant 0 : i32
      scf.yield %scan3A_94 : i32
    }
    %scan3A_29 = arith.constant 62 : i32
    %add3A_30 = arith.constant 3840 : i32
    %add3A_31 = arith.addi %add3A, %add3A_30 : i32
    %lt3A_32 = arith.constant 3906 : i32
    %lt3A_33 = arith.cmpi slt, %add3A_31, %lt3A_32 : i32
    %add3A_34 = arith.constant 3904 : i32
    %add3A_35 = arith.addi %add3A, %add3A_34 : i32
    %ge3A = arith.constant 3906 : i32
    %ge3A_36 = arith.cmpi sge, %add3A_35, %ge3A : i32
    %and3A = arith.andi %lt3A_33, %ge3A_36 : i1
    %convert_element_type3A_37 = arith.extui %and3A : i1 to i32
    %cond3A_38 = arith.constant 0 : i32
    %cond3A_39 = arith.cmpi ne, %convert_element_type3A_37, %cond3A_38 : i32
    scf.if %cond3A_39 {
      %add3A_68 = arith.constant 3840 : i32
      %add3A_69 = arith.addi %add3A, %add3A_68 : i32
      %mul3A_70 = arith.constant 128 : i32
      %mul3A_71 = arith.muli %add3A_69, %mul3A_70 : i32
      %dma_wait3A = arith.constant 0 : i32
      %dma_wait3A_72 = tpu.memref_slice %arg4[%mul3A_71, %dma_wait3A] : memref<500000x128xf32, #tpu.memory_space<hbm>> -> memref<128x128xf32, #tpu.memory_space<hbm>>
      %dma_wait3A_73 = arith.constant 0 : i32
      %dma_wait3A_74 = tpu.memref_slice %arg4[%mul3A_71, %dma_wait3A_73] : memref<500000x128xf32, #tpu.memory_space<hbm>> -> memref<128x128xf32, #tpu.memory_space<hbm>>
      tpu.wait_dma2 semaphore(%arg12 : memref<!tpu.dma_semaphore, #tpu.memory_space<semaphore_mem>>) src(%arg7 : memref<128x128xf32, #tpu.memory_space<vmem>>) dst(%dma_wait3A_74 : memref<128x128xf32, #tpu.memory_space<hbm>>)
    } else {
    }
    %add3A_40 = arith.constant 3872 : i32
    %add3A_41 = arith.addi %add3A, %add3A_40 : i32
    %lt3A_42 = arith.constant 3906 : i32
    %lt3A_43 = arith.cmpi slt, %add3A_41, %lt3A_42 : i32
    %add3A_44 = arith.constant 3936 : i32
    %add3A_45 = arith.addi %add3A, %add3A_44 : i32
    %ge3A_46 = arith.constant 3906 : i32
    %ge3A_47 = arith.cmpi sge, %add3A_45, %ge3A_46 : i32
    %and3A_48 = arith.andi %lt3A_43, %ge3A_47 : i1
    %convert_element_type3A_49 = arith.extui %and3A_48 : i1 to i32
    %cond3A_50 = arith.constant 0 : i32
    %cond3A_51 = arith.cmpi ne, %convert_element_type3A_49, %cond3A_50 : i32
    scf.if %cond3A_51 {
      %add3A_68 = arith.constant 3872 : i32
      %add3A_69 = arith.addi %add3A, %add3A_68 : i32
      %mul3A_70 = arith.constant 128 : i32
      %mul3A_71 = arith.muli %add3A_69, %mul3A_70 : i32
      %dma_wait3A = arith.constant 0 : i32
      %dma_wait3A_72 = tpu.memref_slice %arg4[%mul3A_71, %dma_wait3A] : memref<500000x128xf32, #tpu.memory_space<hbm>> -> memref<128x128xf32, #tpu.memory_space<hbm>>
      %dma_wait3A_73 = arith.constant 0 : i32
      %dma_wait3A_74 = tpu.memref_slice %arg4[%mul3A_71, %dma_wait3A_73] : memref<500000x128xf32, #tpu.memory_space<hbm>> -> memref<128x128xf32, #tpu.memory_space<hbm>>
      tpu.wait_dma2 semaphore(%arg13 : memref<!tpu.dma_semaphore, #tpu.memory_space<semaphore_mem>>) src(%arg8 : memref<128x128xf32, #tpu.memory_space<vmem>>) dst(%dma_wait3A_74 : memref<128x128xf32, #tpu.memory_space<hbm>>)
    } else {
    }
    %add3A_52 = arith.constant 3904 : i32
    %add3A_53 = arith.addi %add3A, %add3A_52 : i32
    %lt3A_54 = arith.constant 3906 : i32
    %lt3A_55 = arith.cmpi slt, %add3A_53, %lt3A_54 : i32
    %add3A_56 = arith.constant 3968 : i32
    %add3A_57 = arith.addi %add3A, %add3A_56 : i32
    %ge3A_58 = arith.constant 3906 : i32
    %ge3A_59 = arith.cmpi sge, %add3A_57, %ge3A_58 : i32
    %and3A_60 = arith.andi %lt3A_55, %ge3A_59 : i1
    %convert_element_type3A_61 = arith.extui %and3A_60 : i1 to i32
    %cond3A_62 = arith.constant 0 : i32
    %cond3A_63 = arith.cmpi ne, %convert_element_type3A_61, %cond3A_62 : i32
    scf.if %cond3A_63 {
      %add3A_68 = arith.constant 3904 : i32
      %add3A_69 = arith.addi %add3A, %add3A_68 : i32
      %mul3A_70 = arith.constant 128 : i32
      %mul3A_71 = arith.muli %add3A_69, %mul3A_70 : i32
      %dma_wait3A = arith.constant 0 : i32
      %dma_wait3A_72 = tpu.memref_slice %arg4[%mul3A_71, %dma_wait3A] : memref<500000x128xf32, #tpu.memory_space<hbm>> -> memref<128x128xf32, #tpu.memory_space<hbm>>
      %dma_wait3A_73 = arith.constant 0 : i32
      %dma_wait3A_74 = tpu.memref_slice %arg4[%mul3A_71, %dma_wait3A_73] : memref<500000x128xf32, #tpu.memory_space<hbm>> -> memref<128x128xf32, #tpu.memory_space<hbm>>
      tpu.wait_dma2 semaphore(%arg12 : memref<!tpu.dma_semaphore, #tpu.memory_space<semaphore_mem>>) src(%arg7 : memref<128x128xf32, #tpu.memory_space<vmem>>) dst(%dma_wait3A_74 : memref<128x128xf32, #tpu.memory_space<hbm>>)
    } else {
    }
    %eq3A = arith.constant 31 : i32
    %eq3A_64 = arith.cmpi eq, %add3A, %eq3A : i32
    %convert_element_type3A_65 = arith.extui %eq3A_64 : i1 to i32
    %cond3A_66 = arith.constant 0 : i32
    %cond3A_67 = arith.cmpi ne, %convert_element_type3A_65, %cond3A_66 : i32
    scf.if %cond3A_67 {
      "tpu.region"() ({
        %run_scoped3A = tpu.sem_alloc : memref<!tpu.dma_semaphore, #tpu.memory_space<semaphore_mem>>
        tpu.enqueue_dma source(%arg3 : memref<64x64xf32, #tpu.memory_space<hbm>>) target(%arg9 : memref<64x64xf32, #tpu.memory_space<vmem>>) target_semaphore(%run_scoped3A : memref<!tpu.dma_semaphore, #tpu.memory_space<semaphore_mem>>)
        tpu.wait_dma2 semaphore(%run_scoped3A : memref<!tpu.dma_semaphore, #tpu.memory_space<semaphore_mem>>) src(%arg3 : memref<64x64xf32, #tpu.memory_space<hbm>>) dst(%arg9 : memref<64x64xf32, #tpu.memory_space<vmem>>)
        tpu.yield
      }) : () -> ()
      %scan3A_68 = arith.constant 0 : i32
      %scan3A_69 = arith.constant 0 : i32
      %scan3A_70 = arith.constant 32 : i32
      %scan3A_71 = arith.addi %scan3A_69, %scan3A_70 : i32
      %scan3A_72 = arith.constant 1 : i32
      %scan3A_73 = scf.for %scan3A_75 = %scan3A_69 to %scan3A_71 step %scan3A_72 iter_args(%scan3A_76 = %scan3A_68) -> (i32)  : i32 {
        %mul3A_77 = arith.constant 2 : i32
        %mul3A_78 = arith.muli %mul3A_77, %scan3A_75 : i32
        %add3A_79 = arith.constant 0 : i32
        %add3A_80 = arith.addi %mul3A_78, %add3A_79 : i32
        %get3A = arith.index_cast %add3A_80 : i32 to index
        %get3A_81 = arith.constant 0 : index
        %get3A_82 = tpu.vector_load %arg9[%get3A, %get3A_81] {strides = array<i32>} : memref<64x64xf32, #tpu.memory_space<vmem>>, vector<16xf32>,
        %swap3A = arith.index_cast %scan3A_75 : i32 to index
        %swap3A_83 = arith.constant 0 : index
        %swap3A_84 = tpu.vector_load %arg7[%swap3A, %swap3A_83] {strides = array<i32>} : memref<128x128xf32, #tpu.memory_space<vmem>>, vector<16xf32>,
        tpu.vector_store %arg7[%swap3A, %swap3A_83], %get3A_82 {strides = array<i32>} : memref<128x128xf32, #tpu.memory_space<vmem>>, vector<16xf32>,
        %mul3A_85 = arith.constant 2 : i32
        %mul3A_86 = arith.muli %mul3A_85, %scan3A_75 : i32
        %add3A_87 = arith.constant 0 : i32
        %add3A_88 = arith.addi %mul3A_86, %add3A_87 : i32
        %get3A_89 = arith.index_cast %add3A_88 : i32 to index
        %get3A_90 = arith.constant 16 : index
        %get3A_91 = tpu.vector_load %arg9[%get3A_89, %get3A_90] {strides = array<i32>} : memref<64x64xf32, #tpu.memory_space<vmem>>, vector<16xf32>,
        %swap3A_92 = arith.index_cast %scan3A_75 : i32 to index
        %swap3A_93 = arith.constant 16 : index
        %swap3A_94 = tpu.vector_load %arg7[%swap3A_92, %swap3A_93] {strides = array<i32>} : memref<128x128xf32, #tpu.memory_space<vmem>>, vector<16xf32>,
        tpu.vector_store %arg7[%swap3A_92, %swap3A_93], %get3A_91 {strides = array<i32>} : memref<128x128xf32, #tpu.memory_space<vmem>>, vector<16xf32>,
        %mul3A_95 = arith.constant 2 : i32
        %mul3A_96 = arith.muli %mul3A_95, %scan3A_75 : i32
        %add3A_97 = arith.constant 0 : i32
        %add3A_98 = arith.addi %mul3A_96, %add3A_97 : i32
        %get3A_99 = arith.index_cast %add3A_98 : i32 to index
        %get3A_100 = arith.constant 32 : index
        %get3A_101 = tpu.vector_load %arg9[%get3A_99, %get3A_100] {strides = array<i32>} : memref<64x64xf32, #tpu.memory_space<vmem>>, vector<16xf32>,
        %swap3A_102 = arith.index_cast %scan3A_75 : i32 to index
        %swap3A_103 = arith.constant 32 : index
        %swap3A_104 = tpu.vector_load %arg7[%swap3A_102, %swap3A_103] {strides = array<i32>} : memref<128x128xf32, #tpu.memory_space<vmem>>, vector<16xf32>,
        tpu.vector_store %arg7[%swap3A_102, %swap3A_103], %get3A_101 {strides = array<i32>} : memref<128x128xf32, #tpu.memory_space<vmem>>, vector<16xf32>,
        %mul3A_105 = arith.constant 2 : i32
        %mul3A_106 = arith.muli %mul3A_105, %scan3A_75 : i32
        %add3A_107 = arith.constant 0 : i32
        %add3A_108 = arith.addi %mul3A_106, %add3A_107 : i32
        %get3A_109 = arith.index_cast %add3A_108 : i32 to index
        %get3A_110 = arith.constant 48 : index
        %get3A_111 = tpu.vector_load %arg9[%get3A_109, %get3A_110] {strides = array<i32>} : memref<64x64xf32, #tpu.memory_space<vmem>>, vector<16xf32>,
        %swap3A_112 = arith.index_cast %scan3A_75 : i32 to index
        %swap3A_113 = arith.constant 48 : index
        %swap3A_114 = tpu.vector_load %arg7[%swap3A_112, %swap3A_113] {strides = array<i32>} : memref<128x128xf32, #tpu.memory_space<vmem>>, vector<16xf32>,
        tpu.vector_store %arg7[%swap3A_112, %swap3A_113], %get3A_111 {strides = array<i32>} : memref<128x128xf32, #tpu.memory_space<vmem>>, vector<16xf32>,
        %mul3A_115 = arith.constant 2 : i32
        %mul3A_116 = arith.muli %mul3A_115, %scan3A_75 : i32
        %add3A_117 = arith.constant 1 : i32
        %add3A_118 = arith.addi %mul3A_116, %add3A_117 : i32
        %get3A_119 = arith.index_cast %add3A_118 : i32 to index
        %get3A_120 = arith.constant 0 : index
        %get3A_121 = tpu.vector_load %arg9[%get3A_119, %get3A_120] {strides = array<i32>} : memref<64x64xf32, #tpu.memory_space<vmem>>, vector<16xf32>,
        %swap3A_122 = arith.index_cast %scan3A_75 : i32 to index
        %swap3A_123 = arith.constant 64 : index
        %swap3A_124 = tpu.vector_load %arg7[%swap3A_122, %swap3A_123] {strides = array<i32>} : memref<128x128xf32, #tpu.memory_space<vmem>>, vector<16xf32>,
        tpu.vector_store %arg7[%swap3A_122, %swap3A_123], %get3A_121 {strides = array<i32>} : memref<128x128xf32, #tpu.memory_space<vmem>>, vector<16xf32>,
        %mul3A_125 = arith.constant 2 : i32
        %mul3A_126 = arith.muli %mul3A_125, %scan3A_75 : i32
        %add3A_127 = arith.constant 1 : i32
        %add3A_128 = arith.addi %mul3A_126, %add3A_127 : i32
        %get3A_129 = arith.index_cast %add3A_128 : i32 to index
        %get3A_130 = arith.constant 16 : index
        %get3A_131 = tpu.vector_load %arg9[%get3A_129, %get3A_130] {strides = array<i32>} : memref<64x64xf32, #tpu.memory_space<vmem>>, vector<16xf32>,
        %swap3A_132 = arith.index_cast %scan3A_75 : i32 to index
        %swap3A_133 = arith.constant 80 : index
        %swap3A_134 = tpu.vector_load %arg7[%swap3A_132, %swap3A_133] {strides = array<i32>} : memref<128x128xf32, #tpu.memory_space<vmem>>, vector<16xf32>,
        tpu.vector_store %arg7[%swap3A_132, %swap3A_133], %get3A_131 {strides = array<i32>} : memref<128x128xf32, #tpu.memory_space<vmem>>, vector<16xf32>,
        %mul3A_135 = arith.constant 2 : i32
        %mul3A_136 = arith.muli %mul3A_135, %scan3A_75 : i32
        %add3A_137 = arith.constant 1 : i32
        %add3A_138 = arith.addi %mul3A_136, %add3A_137 : i32
        %get3A_139 = arith.index_cast %add3A_138 : i32 to index
        %get3A_140 = arith.constant 32 : index
        %get3A_141 = tpu.vector_load %arg9[%get3A_139, %get3A_140] {strides = array<i32>} : memref<64x64xf32, #tpu.memory_space<vmem>>, vector<16xf32>,
        %swap3A_142 = arith.index_cast %scan3A_75 : i32 to index
        %swap3A_143 = arith.constant 96 : index
        %swap3A_144 = tpu.vector_load %arg7[%swap3A_142, %swap3A_143] {strides = array<i32>} : memref<128x128xf32, #tpu.memory_space<vmem>>, vector<16xf32>,
        tpu.vector_store %arg7[%swap3A_142, %swap3A_143], %get3A_141 {strides = array<i32>} : memref<128x128xf32, #tpu.memory_space<vmem>>, vector<16xf32>,
        %mul3A_145 = arith.constant 2 : i32
        %mul3A_146 = arith.muli %mul3A_145, %scan3A_75 : i32
        %add3A_147 = arith.constant 1 : i32
        %add3A_148 = arith.addi %mul3A_146, %add3A_147 : i32
        %get3A_149 = arith.index_cast %add3A_148 : i32 to index
        %get3A_150 = arith.constant 48 : index
        %get3A_151 = tpu.vector_load %arg9[%get3A_149, %get3A_150] {strides = array<i32>} : memref<64x64xf32, #tpu.memory_space<vmem>>, vector<16xf32>,
        %swap3A_152 = arith.index_cast %scan3A_75 : i32 to index
        %swap3A_153 = arith.constant 112 : index
        %swap3A_154 = tpu.vector_load %arg7[%swap3A_152, %swap3A_153] {strides = array<i32>} : memref<128x128xf32, #tpu.memory_space<vmem>>, vector<16xf32>,
        tpu.vector_store %arg7[%swap3A_152, %swap3A_153], %get3A_151 {strides = array<i32>} : memref<128x128xf32, #tpu.memory_space<vmem>>, vector<16xf32>,
        %scan3A_155 = arith.constant 0 : i32
        scf.yield %scan3A_155 : i32
      }
      %scan3A_74 = arith.constant 32 : i32
      "tpu.region"() ({
        %run_scoped3A = tpu.sem_alloc : memref<!tpu.dma_semaphore, #tpu.memory_space<semaphore_mem>>
        %dma_start3A = arith.constant 0 : i32
        %dma_start3A_75 = arith.constant 0 : i32
        %dma_start3A_76 = tpu.memref_slice %arg7[%dma_start3A, %dma_start3A_75] : memref<128x128xf32, #tpu.memory_space<vmem>> -> memref<32x128xf32, #tpu.memory_space<vmem>>
        %dma_start3A_77 = arith.constant 499968 : i32
        %dma_start3A_78 = arith.constant 0 : i32
        %dma_start3A_79 = tpu.memref_slice %arg4[%dma_start3A_77, %dma_start3A_78] : memref<500000x128xf32, #tpu.memory_space<hbm>> -> memref<32x128xf32, #tpu.memory_space<hbm>>
        %dma_start3A_80 = arith.constant 499968 : i32
        %dma_start3A_81 = arith.constant 0 : i32
        %dma_start3A_82 = tpu.memref_slice %arg4[%dma_start3A_80, %dma_start3A_81] : memref<500000x128xf32, #tpu.memory_space<hbm>> -> memref<32x128xf32, #tpu.memory_space<hbm>>
        %dma_start3A_83 = arith.constant 0 : i32
        %dma_start3A_84 = arith.constant 0 : i32
        %dma_start3A_85 = tpu.memref_slice %arg7[%dma_start3A_83, %dma_start3A_84] : memref<128x128xf32, #tpu.memory_space<vmem>> -> memref<32x128xf32, #tpu.memory_space<vmem>>
        tpu.enqueue_dma source(%dma_start3A_85 : memref<32x128xf32, #tpu.memory_space<vmem>>) target(%dma_start3A_82 : memref<32x128xf32, #tpu.memory_space<hbm>>) target_semaphore(%run_scoped3A : memref<!tpu.dma_semaphore, #tpu.memory_space<semaphore_mem>>)
        %dma_wait3A = arith.constant 0 : i32
        %dma_wait3A_86 = arith.constant 0 : i32
        %dma_wait3A_87 = tpu.memref_slice %arg7[%dma_wait3A, %dma_wait3A_86] : memref<128x128xf32, #tpu.memory_space<vmem>> -> memref<32x128xf32, #tpu.memory_space<vmem>>
        %dma_wait3A_88 = arith.constant 499968 : i32
        %dma_wait3A_89 = arith.constant 0 : i32
        %dma_wait3A_90 = tpu.memref_slice %arg4[%dma_wait3A_88, %dma_wait3A_89] : memref<500000x128xf32, #tpu.memory_space<hbm>> -> memref<32x128xf32, #tpu.memory_space<hbm>>
        %dma_wait3A_91 = arith.constant 499968 : i32
        %dma_wait3A_92 = arith.constant 0 : i32
        %dma_wait3A_93 = tpu.memref_slice %arg4[%dma_wait3A_91, %dma_wait3A_92] : memref<500000x128xf32, #tpu.memory_space<hbm>> -> memref<32x128xf32, #tpu.memory_space<hbm>>
        %dma_wait3A_94 = arith.constant 0 : i32
        %dma_wait3A_95 = arith.constant 0 : i32
        %dma_wait3A_96 = tpu.memref_slice %arg7[%dma_wait3A_94, %dma_wait3A_95] : memref<128x128xf32, #tpu.memory_space<vmem>> -> memref<32x128xf32, #tpu.memory_space<vmem>>
        tpu.wait_dma2 semaphore(%run_scoped3A : memref<!tpu.dma_semaphore, #tpu.memory_space<semaphore_mem>>) src(%dma_wait3A_96 : memref<32x128xf32, #tpu.memory_space<vmem>>) dst(%dma_wait3A_93 : memref<32x128xf32, #tpu.memory_space<hbm>>)
        tpu.yield
      }) : () -> ()
    } else {
    }
    return
  }
}

module attributes {stable_mosaic.version = 14 : i64} {
  func.func @body(%arg0: memref<4096x64xf32, #tpu.memory_space<vmem>>, %arg1: memref<64x64xf32, #tpu.memory_space<vmem>>, %arg2: memref<1x64xf32, #tpu.memory_space<vmem>>, %arg3: memref<4096x64xf32, #tpu.memory_space<vmem>>) attributes {dimension_semantics = [], scalar_prefetch = 0 : i64, scratch_operands = 0 : i64, tpu.core_type = #tpu.core_type<tc>} {
    %get3A = arith.constant 0 : index
    %get3A_0 = arith.constant 0 : index
    %get3A_1 = vector.load %arg0[%get3A, %get3A_0] : memref<4096x64xf32, #tpu.memory_space<vmem>>, vector<4096x64xf32>
    %max3A = arith.constant 0.000000e+00 : f32
    %max3A_2 = vector.broadcast %max3A : f32 to vector<4096x64xf32>
    %max3A_3 = arith.maximumf %get3A_1, %max3A_2 : vector<4096x64xf32>
    %get3A_4 = arith.constant 0 : index
    %get3A_5 = arith.constant 0 : index
    %get3A_6 = vector.load %arg1[%get3A_4, %get3A_5] : memref<64x64xf32, #tpu.memory_space<vmem>>, vector<64x64xf32>
    %dot_general3A = arith.constant dense<0.000000e+00> : vector<4096x64xf32>
    %dot_general3A_7 = tpu.matmul %max3A_3, %get3A_6, %dot_general3A {dimension_numbers = #tpu.dot_dimension_numbers<[1], [1], [0], [0], [0, 0, 1, 0], [], []>, transpose_lhs_hint = false} : vector<4096x64xf32>, vector<64x64xf32>, vector<4096x64xf32> -> vector<4096x64xf32>
    %get3A_8 = arith.constant 0 : index
    %get3A_9 = arith.constant 0 : index
    %get3A_10 = vector.load %arg2[%get3A_8, %get3A_9] : memref<1x64xf32, #tpu.memory_space<vmem>>, vector<1x64xf32>
    %add3A = vector.broadcast %get3A_10 : vector<1x64xf32> to vector<4096x64xf32>
    %add3A_11 = arith.addf %dot_general3A_7, %add3A : vector<4096x64xf32>
    %swap3A = arith.constant 0 : index
    %swap3A_12 = arith.constant 0 : index
    %swap3A_13 = vector.load %arg3[%swap3A, %swap3A_12] : memref<4096x64xf32, #tpu.memory_space<vmem>>, vector<4096x64xf32>
    tpu.vector_store %arg3[%swap3A, %swap3A_12], %add3A_11 {strides = array<i32>} : memref<4096x64xf32, #tpu.memory_space<vmem>>, vector<4096x64xf32>,
    return
  }
}

</mosaic_0001>

<sc_bundles>
// kernel: kernel.5.cloned.1.call-start
scs
__scs_entry_jumppad:
0x0: {  	(pc) =	sbr.rel $0x88, $3  }
0x1: {  	(tag) =	ssettag $0x0;
	lr =	simm.s32 $0x1  }
0x2: {  	[smem:$0x3F9D] =	sst lr;
	_ =	strace $0xD0000000  }
0x3: {  	_ = 	snop  }
0x4: {  	_ = 	snop  }
0x5: {  	_ = 	snop  }
0x6: {  	_ = 	snop  }
0x7: {  	_ = 	snop  }
__scs_overlays_trampoline_lowered:
0x8: {  	[smem:$0x3FAC] =	sst s0  }
0x9: {  	[smem:$0x3FAD] =	sst s1  }
0xa: {  	[smem:$0x3FAE] =	sst s2  }
0xb: {  	[smem:$0x3FAF] =	sst s3  }
0xc: {  	[smem:$0x3FB0] =	sst s4  }
0xd: {  	[smem:$0x3FB1] =	sst s5  }
0xe: {  	[smem:$0x3FB2] =	sst s6  }
0xf: {  	[smem:$0x3FB3] =	sst s7  }
0x10: {  	[smem:$0x3FB4] =	sst s8  }
0x11: {  	[smem:$0x3FB5] =	sst s9;
	s0 =	simm.s32 @!p0 $0x0  }
0x12: {  	s1 =	sld [smem:$0x3F9B];
	s0 =	simm.s32 @p0 $0x1  }
0x13: {  	[smem:$0x3FB6] =	sst s0;
	s0 =	simm.s32 @!p1 $0x0  }
0x14: {  	s2 =	sld [smem:$0x3F9A];
	s0 =	simm.s32 @p1 $0x1  }
0x15: {  	[smem:$0x3FB7] =	sst s0;
	s0 =	simm.s32 @!p2 $0x0  }
0x16: {  	s3 =	sld [smem:$0x3FDB];
	s0 =	simm.s32 @p2 $0x1  }
0x17: {  	s4 =	simm.s32 $0x1BF5;
	[smem:$0x3FB9] =	sst s0  }
0x18: {  	s0 =	sld [smem:$0x3F9C];
	_ =	swait.ge [sflag:s4], $0x0  }
0x19: {  	s7 =	sld [smem:$0x3F9D]  }
0x1a: {  	s8 =	sadd.s32 $0xFFFFE003, lr  }
0x1b: {  	s9 =	sadd.s32 $0xFFFFFEF7, lr;
	s5 =	simm.s32 $0xFFFFFFFF;
	p2 =	slt.u32 s8, $0xFFFFF086  }
0x1c: {  	p1 =	slt.u32 s9, $0xF7A;
	s5 =	simm.s32 @!p2 $0x0  }
0x1d: {  	s5 =	simm.s32 @p1 $0x1;
	p0 =	seq.s32 s7, s2  }
0x1e: {  	s7 =	smul.u32 @!p0 $0xF7A, s2;
	p2 =	seq.s32 @!p0 s5, $0x0  }
0x1f: {  	s9 =	smul.u32 $0xF7A, s1;
	s8 =	simm.s32 @!p0 $0x1BF5;
	p2 =	por !p2, p0  }
0x20: {  	[sflag:s8] =	ssyncset.s32 @!p0 $0xFFFFF086;
	s6 =	sadd.s32 @!p0 s3, s7;
	s7 =	simm.s32 @!p0 $0x108  }
0x21: {  	s3 =	sadd.s32 s3, s9;
	s6 =	sadd.s32 @!p0 $0x88, s6;
	s7 =	simm.s32 @p2 $0x1082  }
0x22: {  	[simem:s7], [sflag:s8] =	dma.local @!p0 [hbm:s6], $0xF7A  }
0x23: {  	s9 =	sor.u32 $0xD0000000, s2;
	s6 =	simm.s32 $0x108;
	_ =	swait.ge @!p0 [sflag:s8], $0x0  }
0x24: {  	s3 =	sadd.s32 $0x88, s3;
	s6 =	simm.s32 @!p1 $0x1082;
	[sflag:s4] =	ssyncset.s32 $0xFFFFF086  }
0x25: {  	[simem:s6], [sflag:s4] =	dma.local [hbm:s3], $0xF7A  }
0x26: {  	[smem:$0x3F9D] =	sst s1;
	(tag) =	ssettag s2;
	_ =	strace s9  }
0x27: {  	s1 =	sld [smem:$0x3FAD]  }
0x28: {  	s2 =	sld [smem:$0x3FAE]  }
0x29: {  	s4 =	sld [smem:$0x3FB0]  }
0x2a: {  	p0 =	seq.s32 s5, $0x0;
	s5 =	sld [smem:$0x3FB1]  }
0x2b: {  	s6 =	sld [smem:$0x3FB2]  }
0x2c: {  	s7 =	sld [smem:$0x3FB3]  }
0x2d: {  	s3 =	simm.s32 $0x108;
	s8 =	sld [smem:$0x3FB4]  }
0x2e: {  	s3 =	simm.s32 @!p0 $0x1082;
	s9 =	sld [smem:$0x3FB5]  }
0x2f: {  	lr =	sadd.s32 s0, s3;
	s0 =	sld [smem:$0x3FAC]  }
0x30: {  	s3 =	sld [smem:$0x3FAF]  }
0x31: {  	[smem:$0x3FB8] =	sst s10  }
0x32: {  	s10 =	sld [smem:$0x3FB6];
	_ =	sdelay $0x3  }
0x33: {  	p0 =	seq.s32 s10, $0x1;
	s10 =	sld [smem:$0x3FB8];
	_ =	sdelay $0x3  }
0x34: {  	[smem:$0x3FB8] =	sst s10  }
0x35: {  	s10 =	sld [smem:$0x3FB7];
	_ =	sdelay $0x3  }
0x36: {  	p1 =	seq.s32 s10, $0x1;
	s10 =	sld [smem:$0x3FB8];
	_ =	sdelay $0x3  }
0x37: {  	[smem:$0x3FB8] =	sst s10  }
0x38: {  	s10 =	sld [smem:$0x3FB9]  }
0x39: {  	_ = 	snop;
	(pc) =	sbr.ind lr, $3  }
0x3a: {  	_ = 	snop  }
0x3b: {  	_ = 	snop  }
0x3c: {  	p2 =	seq.s32 s10, $0x1;
	s10 =	sld [smem:$0x3FB8]  }
0x3d: {  	_ =	shalt  }
0x3e: {  	_ =	shalt  }
0x3f: {  	_ =	shalt  }
0x40: {  	_ =	shalt  }
0x41: {  	_ =	shalt  }
0x42: {  	_ =	shalt  }
0x43: {  	_ =	shalt  }
0x44: {  	_ =	shalt  }
0x45: {  	_ =	shalt  }
0x46: {  	_ =	shalt  }
0x47: {  	_ =	shalt  }
0x48: {  	_ =	shalt  }
0x49: {  	_ =	shalt  }
0x4a: {  	_ =	shalt  }
0x4b: {  	_ =	shalt  }
0x4c: {  	_ =	shalt  }
0x4d: {  	_ =	shalt  }
0x4e: {  	_ =	shalt  }
0x4f: {  	_ =	shalt  }
0x50: {  	_ =	shalt  }
0x51: {  	_ =	shalt  }
0x52: {  	_ =	shalt  }
0x53: {  	_ =	shalt  }
0x54: {  	_ =	shalt  }
0x55: {  	_ =	shalt  }
0x56: {  	_ =	shalt  }
0x57: {  	_ =	shalt  }
0x58: {  	_ =	shalt  }
0x59: {  	_ =	shalt  }
0x5a: {  	_ =	shalt  }
0x5b: {  	_ =	shalt  }
0x5c: {  	_ =	shalt  }
0x5d: {  	_ =	shalt  }
0x5e: {  	_ =	shalt  }
0x5f: {  	_ =	shalt  }
0x60: {  	_ =	shalt  }
0x61: {  	_ =	shalt  }
0x62: {  	_ =	shalt  }
0x63: {  	_ =	shalt  }
0x64: {  	_ =	shalt  }
0x65: {  	_ =	shalt  }
0x66: {  	_ =	shalt  }
0x67: {  	_ =	shalt  }
0x68: {  	_ =	shalt  }
0x69: {  	_ =	shalt  }
0x6a: {  	_ =	shalt  }
0x6b: {  	_ =	shalt  }
0x6c: {  	_ =	shalt  }
0x6d: {  	_ =	shalt  }
0x6e: {  	_ =	shalt  }
0x6f: {  	_ =	shalt  }
0x70: {  	_ =	shalt  }
0x71: {  	_ =	shalt  }
0x72: {  	_ =	shalt  }
0x73: {  	_ =	shalt  }
0x74: {  	_ =	shalt  }
0x75: {  	_ =	shalt  }
0x76: {  	_ =	shalt  }
0x77: {  	_ =	shalt  }
0x78: {  	_ =	shalt  }
0x79: {  	_ =	shalt  }
0x7a: {  	_ =	shalt  }
0x7b: {  	_ =	shalt  }
0x7c: {  	_ =	shalt  }
0x7d: {  	_ =	shalt  }
0x7e: {  	_ =	shalt  }
0x7f: {  	_ =	shalt  }
0x80: {  	_ =	shalt  }
0x81: {  	_ =	shalt  }
0x82: {  	_ =	shalt  }
0x83: {  	_ =	shalt  }
0x84: {  	_ =	shalt  }
0x85: {  	_ =	shalt  }
0x86: {  	_ =	shalt  }
0x87: {  	_ =	shalt  }
.Lfunc_end0:
.L_simem_size_0:
called_computation_lowered:
.L_overlay_start_0:
0x88: {  	s2 =	sld [smem:$0x3FD9]  }
0x89: {  	s3 =	sld [smem:$0x3FFE];
	_ =	sdelay $0x1  }
0x8a: {  	s1 =	srdreg.scid  }
0x8b: {  	s0 =	sand.u32 $0x1, s1  }
0x8c: {  	s17 =	sshll.u32 s0, $0xA;
	s2 =	sadd.s32 s3, s2  }
0x8d: {  	s2 =	sadd.s32 s2, s17  }
0x8e: {  	[smem:$0x3FC4] =	sst s2  }
0x8f: {  	_ = 	snop  }
0x90: {  	s2 =	sld [smem:$0x3FC8]  }
0x91: {  	s18 =	sld [smem:$0x3FD0];
	(tm) =	ssettm $0x1  }
0x92: {  	s4 =	sld [smem:$0x3FFB];
	_ =	sdelay $0x3  }
0x93: {  	_ =	strace s4  }
0x94: {  	s4 =	sld [smem:$0x3FFC];
	_ =	sdelay $0x3  }
0x95: {  	_ =	strace s4  }
0x96: {  	s4 =	sld [smem:$0x3FFD];
	_ =	sdelay $0x3  }
0x97: {  	_ =	strace s4  }
0x98: {  	_ =	strace $0x8FFFFFFF  }
0x99: {  	s19 =	sld [smem:$0x3FDB];
	_ =	sdelay $0x1  }
0x9a: {  	s5 =	simm.s32 $_scs_section_size  }
0x9b: {  	s6 =	simm.s32 $_size__tile_overlayer_lowered;
	s7 =	simm.s32 $_tile_overlayer_lowered  }
0x9c: {  	s22 =	simm.s32 $0x1BFF;
	s21 =	sshll.u32 s7, $0x1;
	s4 =	sadd.s32 s5, s19  }
0x9d: {  	s8 =	simm.s32 $0x0;
	s20 =	sshll.u32 s6, $0x1;
	s6 =	sadd.s32 s21, s4  }
0x9e: {  	[timem:s8], [sflag:s22] =	dma.local [hbm:s6], s20  }
0x9f: {  	_ =	swait.ge [sflag:s22], s20  }
0xa0: {  	s5 =	ssub.s32 $0x0, s20;
	[sflag:s22] =	ssyncset.done $0x0  }
0xa1: {  	[sflag:s22] =	ssyncadd.s32 s5;
	_ =	sdelay $0x1  }
0xa2: {  	s23 =	simm.s32 $0x1B8B  }
0xa3: {  	_ =	swait.ge [sflag:s23], $0x1  }
0xa4: {  	[sflag:s23] =	ssyncset.done $0x0  }
0xa5: {  	s25 =	simm.s32 $0x1B8E;
	s24 =	sld [smem:$0x3FFE];
	[sflag:s23] =	ssyncadd.s32 $0xFFFFFFFF  }
0xa6: {  	s26 =	simm.s32 $execute0_lowered;
	[smem:$0x3FD2] =	sst s25  }
0xa7: {  	s6 =	sshll.u32 s26, $0x1;
	_ =	strace $0x80000046;
	[dreg:$0x1] =	wrdreg $0xFFFFFFFF  }
0xa8: {  	s28 =	simm.s32 $_size_execute0_lowered;
	s4 =	sadd.s32 s4, s6;
	[dreg:$0x0] =	wrdreg $0x0  }
0xa9: {  	s6 =	sshll.u32 s28, $0x1;
	[dreg:$0x2] =	wrdreg s4  }
0xaa: {  	[dreg:$0x3] =	wrdreg s6  }
0xab: {  	[dreg:$0x4] =	wrdreg $0xC0  }
0xac: {  	_ =	task [dreg:s8], $0x5FFFF  }
0xad: {  	[dreg:$0x1] =	wrdreg $0xFFFFFFFF  }
0xae: {  	[dreg:$0x0] =	wrdreg $0x60  }
0xaf: {  	[dreg:$0x2] =	wrdreg s2  }
0xb0: {  	[dreg:$0x3] =	wrdreg s18  }
0xb1: {  	[dreg:$0x4] =	wrdreg s24  }
0xb2: {  	[dreg:$0x5] =	wrdreg $0x9  }
0xb3: {  	_ =	task.clear_ibuf [dreg:s8], $0x6FFFF;
	_ =	strace $0x90000046  }
0xb4: {  	s29 =	simm.s32 $0x9;
	_ =	strace $0x80000048  }
0xb5: {  	_ =	swait.ge [sflag:s29], $0x1  }
0xb6: {  	[sflag:s29] =	ssyncadd.s32 $0xFFFFFFFF  }
0xb7: {  	_ =	strace $0x90000048  }
0xb8: {  	_ =	sfence  }
0xb9: {  	s30 =	sld [smem:$0x0];
	_ =	sdelay $0x2  }
0xba: {  	s31 =	sshll.u32 s1, $0xD;
	s1 =	sshrl.u32 s1, $0x2  }
0xbb: {  	s3 =	sand.u32 $0x4000, s31;
	s1 =	sadd.s32 s1, s30  }
0xbc: {  	s0 =	sor.u32 s3, s0;
	s1 =	sshll.u32 s1, $0x11  }
0xbd: {  	s0 =	sor.u32 s1, s0  }
0xbe: {  	s0 =	sadd.s32 $0x8F2B, s0  }
0xbf: {  	[sflag:s0] =	ssyncadd.remote.s32 $0x1  }
0xc0: {  	_ =	sfence.sel $0xFFFF  }
0xc1: {  	[dreg:$0x0] =	wrdreg $0xFFFFFFFF;
	(pc) =	sbr.abs _section_cstart, $3  }
0xc2: {  	[dreg:$0x1] =	wrdreg $0xFFFFFFFF  }
0xc3: {  	_ =	task.clear_ibuf [dreg:s8], $0x2FFFF;
	_ =	strace $0x9FFFFFFF  }
0xc4: {  	(tm) =	ssettm $0x7FFFFFFF  }
0xc5: {  	_ =	shalt  }
tec
execute0_lowered:
.L_overlay_start_1:
0x0: {  	(tag) =	ssettag $0x1  }
0x1: {  	v0 =	vimm.s32 $0xB80;
	vm15 =	vcmask $0x300  }
0x2: {  	vm14 =	vcmask $0x704;
	v0 =	vsel vm15, $0x0, v0  }
0x3: {  	vm13 =	vcmask $0xB08;
	v0 =	vsel vm14, $0x80, v0  }
0x4: {  	vm12 =	vcmask $0xF0C;
	v0 =	vsel vm13, $0x100, v0  }
0x5: {  	vm11 =	vcmask $0x1310;
	v0 =	vsel vm12, $0x180, v0  }
0x6: {  	vm10 =	vcmask $0x1714;
	v0 =	vsel vm11, $0x200, v0  }
0x7: {  	vm9 =	vcmask $0x1B18;
	v0 =	vsel vm10, $0x280, v0  }
0x8: {  	vm8 =	vcmask $0x1F1C;
	v0 =	vsel vm9, $0x300, v0  }
0x9: {  	vm7 =	vcmask $0x2320;
	v0 =	vsel vm8, $0x380, v0  }
0xa: {  	vm6 =	vcmask $0x2724;
	v0 =	vsel vm7, $0x800, v0  }
0xb: {  	vm5 =	vcmask $0x2B28;
	v1 =	vimm.s32 $0x1B80;
	v0 =	vsel vm6, $0x880, v0  }
0xc: {  	vm3 =	vcmask $0x2F2C;
	v1 =	vsel vm15, $0x1000, v1;
	v0 =	vsel vm5, $0x900, v0  }
0xd: {  	vm2 =	vcmask $0x3330;
	v1 =	vsel vm14, $0x1080, v1;
	v0 =	vsel vm3, $0x980, v0  }
0xe: {  	vm0 =	vcmask $0x3734;
	v1 =	vsel vm13, $0x1100, v1;
	v0 =	vsel vm2, $0xA00, v0  }
0xf: {  	vm1 =	vcmask $0x3B38;
	v3 =	vsel vm12, $0x1180, v1;
	v2 =	vsel vm0, $0xA80, v0  }
0x10: {  	v4 =	vimm.s32 $0x4F0E4D0C;
	v1 =	vsel vm1, $0xB00, v2;
	v2 =	vsel vm11, $0x1200, v3  }
0x11: {  	vm4 =	vcmask $0x1F10;
	v5 =	vimm.s32 $0x43024100;
	v2 =	vsel vm10, $0x1280, v2  }
0x12: {  	v6 =	vimm.s32 $0x47064504;
	v7 =	vimm.s32 $0x2B80;
	v2 =	vsel vm9, $0x1300, v2  }
0x13: {  	v11 =	vimm.s32 $0x7F3E7D3C;
	v3 =	vimm.s32 $0x4B0A4908;
	v2 =	vsel vm8, $0x1380, v2  }
0x14: {  	v4 =	vunpack.c.0.s8.s32 v4;
	v3 =	vunpack.c.0.s8.s32 v3;
	v2 =	vsel vm7, $0x1800, v2  }
0x15: {  	v5 =	vunpack.c.0.s8.s32 v5;
	v6 =	vunpack.c.0.s8.s32 v6;
	v2 =	vsel vm6, $0x1880, v2  }
0x16: {  	v3 =	vsel vm4, v4, v3;
	v4 =	vsel vm15, $0x2000, v7;
	v2 =	vsel vm5, $0x1900, v2  }
0x17: {  	v5 =	vsel vm4, v6, v5;
	v6 =	vsel vm3, $0x1980, v2;
	v2 =	vsel vm14, $0x2080, v4  }
0x18: {  	v7 =	vimm.s32 $0x5F1E5D1C;
	v4 =	vimm.s32 $0x5B1A5918;
	v2 =	vsel vm13, $0x2100, v2  }
0x19: {  	v7 =	vunpack.c.0.s8.s32 v7;
	v4 =	vunpack.c.0.s8.s32 v4;
	v8 =	vsel vm12, $0x2180, v2  }
0x1a: {  	v2 =	vcombine.low v5, v3;
	v3 =	vsel vm2, $0x1A00, v6;
	v6 =	vimm.s32 $0x53125110  }
0x1b: {  	v5 =	vsel vm11, $0x2200, v8;
	v4 =	vsel vm4, v7, v4;
	v7 =	vimm.s32 $0x57165514  }
0x1c: {  	v6 =	vunpack.c.0.s8.s32 v6;
	v5 =	vsel vm10, $0x2280, v5;
	v7 =	vunpack.c.0.s8.s32 v7  }
0x1d: {  	v11 =	vunpack.c.0.s8.s32 v11;
	v8 =	vimm.s32 $0x3B80;
	v5 =	vsel vm9, $0x2300, v5  }
0x1e: {  	v9 =	vsel vm0, $0x1A80, v3;
	v5 =	vsel vm8, $0x2380, v5;
	v6 =	vsel vm4, v7, v6  }
0x1f: {  	v3 =	vsel vm7, $0x2800, v5;
	v5 =	vsel vm15, $0x3000, v8;
	v8 =	vimm.s32 $0x6F2E6D2C  }
0x20: {  	s0 =	rddreg [dreg:$0x0];
	v7 =	vsel vm6, $0x2880, v3;
	v3 =	vsel vm14, $0x3080, v5;
	v5 =	vimm.s32 $0x6B2A6928  }
0x21: {  	s1 =	rddreg [dreg:$0x1];
	v8 =	vunpack.c.0.s8.s32 v8;
	v3 =	vsel vm13, $0x3100, v3;
	v5 =	vunpack.c.0.s8.s32 v5  }
0x22: {  	s11 =	rddreg [dreg:$0x2];
	v10 =	vsel vm12, $0x3180, v3;
	v3 =	vcombine.low v6, v4;
	v4 =	vsel vm5, $0x2900, v7  }
0x23: {  	s2 =	simm.s32 $0x0;
	s5 =	srdreg.scid;
	s16 =	simm.s32 $0x7A1400;
	v6 =	vsel vm11, $0x3200, v10;
	v4 =	vsel vm3, $0x2980, v4;
	v7 =	vsel vm4, v8, v5  }
0x24: {  	s3 =	stileid.u32;
	s12 =	simm.s32 $0x4;
	s14 =	simm.s32 $0x3;
	v8 =	vimm.s32 $0x67266524;
	v10 =	vimm.s32 $0x7B3A7938;
	v5 =	vsel vm10, $0x3280, v6  }
0x25: {  	s15 =	simm.s32 $0x800;
	s17 =	simm.s32 $0x4000;
	s18 =	simm.s32 $0x1;
	v6 =	vimm.s32 $0x63226120;
	v8 =	vunpack.c.0.s8.s32 v8;
	v5 =	vsel vm9, $0x3300, v5  }
0x26: {  	s19 =	simm.s32 $0x8000;
	s20 =	simm.s32 $0x2;
	s21 =	simm.s32 $0xC000;
	v10 =	vunpack.c.0.s8.s32 v10;
	v6 =	vunpack.c.0.s8.s32 v6;
	v5 =	vsel vm8, $0x3380, v5  }
0x27: {  	s22 =	simm.s32 $0x10000;
	s23 =	simm.s32 $0x5;
	[smem:$0x7FF] =	sst s2;
	v0 =	vlaneseq.u32;
	v12 =	vsel vm2, $0x2A00, v4;
	v5 =	vsel vm7, $0x3800, v5  }
0x28: {  	s24 =	simm.s32 $0x0;
	s5 =	sand.u32 $0x1, s5;
	_ =	strace $0x80000047;
	v6 =	vsel vm4, v8, v6;
	v8 =	vsel vm4, v11, v10;
	v5 =	vsel vm6, $0x3880, v5  }
0x29: {  	s6 =	sshll.u32 s3, $0x1;
	p0 =	seq.s32 s3, $0x0;
	s7 =	ssub.s32 $0x2, s5;
	v10 =	vimm.s32 $0x77367534;
	v4 =	vsel vm5, $0x3900, v5;
	v5 =	vimm.s32 $0x73327130  }
.Ltmp0:
0x2a: {  	s5 =	sor.u32 s5, s6;
	s6 =	sadd.s32 $0xE00, s11;
	v10 =	vunpack.c.0.s8.s32 v10;
	v11 =	vsel vm3, $0x3980, v4;
	v13 =	vunpack.c.0.s8.s32 v5;
	(pc) =	sbr.rel .LBB2_1-.Ltmp0, $4  }
0x2b: {  	s11 =	sadd.s32 $0x7A1E00, s11;
	s12 =	simm.s32 @!p0 $0x3;
	s14 =	simm.s32 @!p0 $0x4;
	v4 =	vsel vm1, $0x1B00, v9;
	v5 =	vsel vm0, $0x2A80, v12;
	v9 =	vsel vm2, $0x3A00, v11  }
0x2c: {  	s8 =	sshrl.u32 s7, $0x1;
	s9 =	sshll.u32 s5, $0x8;
	s10 =	sor.u32 $0x60, s5;
	v6 =	vcombine.low v6, v7;
	v5 =	vsel vm1, $0x2B00, v5;
	v9 =	vsel vm0, $0x3A80, v9  }
0x2d: {  	p0 =	sne.s32 s5, $0x1F;
	s13 =	ssub.s32 s7, s8;
	s7 =	sadd.s32 s0, s9;
	v11 =	vor.u32 $0x30, v0;
	v10 =	vsel vm4, v10, v13;
	v7 =	vsel vm1, $0x3B00, v9  }
0x2e: {  	s9 =	sor.u32 $0x40, s5;
	s8 =	sadd.s32 $0x2000, s7;
	s13 =	smax.u32 s13, $0x1;
	v8 =	vcombine.low v10, v8;
	v9 =	vor.u32 $0x10, v0;
	v10 =	vor.u32 $0x20, v0  }
.LBB2_15:
0x2f: {  	s24 =	sadd.s32 $0x1, s24  }
0x30: {  	p1 =	sne.s32 s24, s13  }
.Ltmp1:
0x31: {  	_ = 	snop;
	(pc) =	sbr.rel @!p1 .LBB2_16-.Ltmp1, $1  }
0x32: {  	_ =	sdelay $0x3  }
.LBB2_1:
.Ltmp2:
0x33: {  	(pc) =	sbr.rel .LBB2_2-.Ltmp2, $4  }
0x34: {  	_ = 	snop  }
0x35: {  	[tilespmem:s2], [sflag:$0x1] =	stream.strided.gather [hbm4b:s7+s15], $0x4000, s16, s15, $0x38;
	[tilespmem:$0x12000] =	vst v63  }
0x36: {  	s25 =	simm.s32 $0x0  }
0x37: {  	[tilespmem:s17], [sflag:$0x2] =	stream.strided.gather [hbm4b:s8+s15], $0x4000, s16, s15, $0x38;
	[tilespmem:$0x12000] =	vst v63  }
.LBB2_10:
0x38: {  	s25 =	sadd.s32 $0x1, s25  }
0x39: {  	p1 =	sne.s32 s25, $0x3E  }
.Ltmp3:
0x3a: {  	_ = 	snop;
	(pc) =	sbr.rel @!p1 .LBB2_11-.Ltmp3, $1  }
0x3b: {  	_ =	sdelay $0x3  }
.LBB2_2:
0x3c: {  	s26 =	sshll.u32 s25, $0x6  }
0x3d: {  	s28 =	sor.u32 s5, s26  }
0x3e: {  	p2 =	sgt.u32 s28, $0xF41  }
.Ltmp4:
0x3f: {  	_ = 	snop;
	(pc) =	sbr.rel @p2 .LBB2_6-.Ltmp4, $2  }
0x40: {  	_ =	sdelay $0x2  }
0x41: {  	p1 =	seq.s32 s25, $0x0  }
0x42: {  	s29 =	simm.s32 $0x0  }
0x43: {  	v12 =	vmov s29  }
0x44: {  	v13 =	vxor.u32 s29, v0;
	v12 =	vshll.u32 v12, $0x3  }
0x45: {  	v14 =	vand.u32 $0x7F, v13;
	v12 =	vand.u32 $0x400, v12  }
0x46: {  	_ =	swait.ge [sflag:s18], $0x4000;
	v12 =	vor.u32 v12, v14  }
0x47: {  	[sflag:s18] =	ssyncset.done $0x0;
	v14 =	vor.u32 v1, v12  }
0x48: {  	s29 =	simm.s32 @!p1 $0x3;
	[sflag:s18] =	ssyncadd.s32 $0xFFFFC000  }
0x49: {  	_ =	swait.ge @!p1 [sflag:s29], $0x4000  }
0x4a: {  	v13 =	vshll.u32 v13, $0x6;
	[sflag:s29] =	ssyncset.done @!p1 $0x0  }
0x4b: {  	v13 =	vand.u32 $0x3F80, v13;
	[sflag:s29] =	ssyncadd.s32 @!p1 $0xFFFFC000  }
0x4c: {  	v15 =	vor.u32 v2, v13;
	v14 =	vld.idx.msk [tilespmem:v14+s2+$0x0], $0xffff  }
0x4d: {  	v16 =	vor.u32 v4, v12;
	_ =	sdelay $0x3  }
0x4e: {  	[tilespmem:v15+s19+$0x0] =	vst.idx.msk $0xffff, v14  }
0x4f: {  	v15 =	vor.u32 v3, v13;
	v14 =	vld.idx.msk [tilespmem:v16+s2+$0x0], $0xffff  }
0x50: {  	v16 =	vor.u32 v5, v12;
	_ =	sdelay $0x3  }
0x51: {  	[tilespmem:v15+s19+$0x0] =	vst.idx.msk $0xffff, v14  }
0x52: {  	v15 =	vor.u32 v6, v13;
	v14 =	vld.idx.msk [tilespmem:v16+s2+$0x0], $0xffff  }
0x53: {  	v12 =	vor.u32 v7, v12  }
0x54: {  	s29 =	simm.s32 $0x1  }
0x55: {  	v16 =	vmov s29  }
0x56: {  	v17 =	vxor.u32 s29, v0;
	v16 =	vshll.u32 v16, $0x3  }
0x57: {  	[tilespmem:v15+s19+$0x0] =	vst.idx.msk $0xffff, v14;
	v14 =	vand.u32 $0x7F, v17;
	v15 =	vand.u32 $0x400, v16  }
0x58: {  	v13 =	vor.u32 v8, v13;
	v12 =	vld.idx.msk [tilespmem:v12+s2+$0x0], $0xffff;
	v14 =	vor.u32 v15, v14  }
0x59: {  	v15 =	vor.u32 v1, v14;
	_ =	sdelay $0x3  }
0x5a: {  	[tilespmem:v13+s19+$0x0] =	vst.idx.msk $0xffff, v12;
	v12 =	vshll.u32 v17, $0x6  }
0x5b: {  	v13 =	vld.idx.msk [tilespmem:v15+s2+$0x0], $0xffff;
	v15 =	vor.u32 v0, v12  }
0x5c: {  	v16 =	vor.u32 v4, v14;
	_ =	sdelay $0x3  }
0x5d: {  	[tilespmem:v15+s19+$0x0] =	vst.idx.msk $0xffff, v13  }
0x5e: {  	v15 =	vor.u32 v9, v12;
	v13 =	vld.idx.msk [tilespmem:v16+s2+$0x0], $0xffff  }
0x5f: {  	v16 =	vor.u32 v5, v14;
	_ =	sdelay $0x3  }
0x60: {  	[tilespmem:v15+s19+$0x0] =	vst.idx.msk $0xffff, v13  }
0x61: {  	v15 =	vor.u32 v10, v12;
	v13 =	vld.idx.msk [tilespmem:v16+s2+$0x0], $0xffff  }
0x62: {  	v14 =	vor.u32 v7, v14  }
0x63: {  	s29 =	simm.s32 $0x2  }
0x64: {  	v16 =	vmov s29  }
0x65: {  	v17 =	vxor.u32 s29, v0;
	v16 =	vshll.u32 v16, $0x3  }
0x66: {  	[tilespmem:v15+s19+$0x0] =	vst.idx.msk $0xffff, v13;
	v13 =	vand.u32 $0x7F, v17;
	v15 =	vand.u32 $0x400, v16  }
0x67: {  	v12 =	vor.u32 v11, v12;
	v14 =	vld.idx.msk [tilespmem:v14+s2+$0x0], $0xffff;
	v13 =	vor.u32 v15, v13  }
0x68: {  	v15 =	vor.u32 v1, v13;
	_ =	sdelay $0x2  }
0x69: {  	v16 =	vshll.u32 v17, $0x6  }
0x6a: {  	[tilespmem:v12+s19+$0x0] =	vst.idx.msk $0xffff, v14;
	v12 =	vand.u32 $0x7FFFFF80, v16  }
0x6b: {  	v14 =	vld.idx.msk [tilespmem:v15+s2+$0x0], $0xffff;
	v15 =	vor.u32 v2, v12  }
0x6c: {  	v16 =	vor.u32 v4, v13;
	_ =	sdelay $0x3  }
0x6d: {  	[tilespmem:v15+s19+$0x0] =	vst.idx.msk $0xffff, v14  }
0x6e: {  	v15 =	vor.u32 v3, v12;
	v14 =	vld.idx.msk [tilespmem:v16+s2+$0x0], $0xffff  }
0x6f: {  	v16 =	vor.u32 v5, v13;
	_ =	sdelay $0x3  }
0x70: {  	[tilespmem:v15+s19+$0x0] =	vst.idx.msk $0xffff, v14  }
0x71: {  	v15 =	vor.u32 v6, v12;
	v14 =	vld.idx.msk [tilespmem:v16+s2+$0x0], $0xffff  }
0x72: {  	v13 =	vor.u32 v7, v13  }
0x73: {  	s29 =	simm.s32 $0x3  }
0x74: {  	v16 =	vmov s29  }
0x75: {  	v17 =	vxor.u32 s29, v0;
	v16 =	vshll.u32 v16, $0x3  }
0x76: {  	[tilespmem:v15+s19+$0x0] =	vst.idx.msk $0xffff, v14;
	v14 =	vand.u32 $0x7F, v17;
	v15 =	vand.u32 $0x400, v16  }
0x77: {  	v12 =	vor.u32 v8, v12;
	v13 =	vld.idx.msk [tilespmem:v13+s2+$0x0], $0xffff;
	v14 =	vor.u32 v15, v14  }
0x78: {  	v15 =	vor.u32 v1, v14;
	_ =	sdelay $0x3  }
0x79: {  	[tilespmem:v12+s19+$0x0] =	vst.idx.msk $0xffff, v13;
	v12 =	vshll.u32 v17, $0x6  }
0x7a: {  	v13 =	vld.idx.msk [tilespmem:v15+s2+$0x0], $0xffff;
	v15 =	vor.u32 v0, v12  }
0x7b: {  	v16 =	vor.u32 v4, v14;
	_ =	sdelay $0x3  }
0x7c: {  	[tilespmem:v15+s19+$0x0] =	vst.idx.msk $0xffff, v13  }
0x7d: {  	v15 =	vor.u32 v9, v12;
	v13 =	vld.idx.msk [tilespmem:v16+s2+$0x0], $0xffff  }
0x7e: {  	v16 =	vor.u32 v5, v14;
	_ =	sdelay $0x3  }
0x7f: {  	[tilespmem:v15+s19+$0x0] =	vst.idx.msk $0xffff, v13  }
0x80: {  	v15 =	vor.u32 v10, v12;
	v13 =	vld.idx.msk [tilespmem:v16+s2+$0x0], $0xffff  }
0x81: {  	v14 =	vor.u32 v7, v14  }
0x82: {  	s29 =	simm.s32 $0x4  }
0x83: {  	v16 =	vmov s29  }
0x84: {  	v17 =	vxor.u32 s29, v0;
	v16 =	vshll.u32 v16, $0x3  }
0x85: {  	[tilespmem:v15+s19+$0x0] =	vst.idx.msk $0xffff, v13;
	v13 =	vand.u32 $0x7F, v17;
	v15 =	vand.u32 $0x400, v16  }
0x86: {  	v12 =	vor.u32 v11, v12;
	v14 =	vld.idx.msk [tilespmem:v14+s2+$0x0], $0xffff;
	v13 =	vor.u32 v15, v13  }
0x87: {  	v15 =	vor.u32 v1, v13;
	_ =	sdelay $0x2  }
0x88: {  	v16 =	vshll.u32 v17, $0x6  }
0x89: {  	[tilespmem:v12+s19+$0x0] =	vst.idx.msk $0xffff, v14;
	v12 =	vand.u32 $0x7FFFFF80, v16  }
0x8a: {  	v14 =	vld.idx.msk [tilespmem:v15+s2+$0x0], $0xffff;
	v15 =	vor.u32 v2, v12  }
0x8b: {  	v16 =	vor.u32 v4, v13;
	_ =	sdelay $0x3  }
0x8c: {  	[tilespmem:v15+s19+$0x0] =	vst.idx.msk $0xffff, v14  }
0x8d: {  	v15 =	vor.u32 v3, v12;
	v14 =	vld.idx.msk [tilespmem:v16+s2+$0x0], $0xffff  }
0x8e: {  	v16 =	vor.u32 v5, v13;
	_ =	sdelay $0x3  }
0x8f: {  	[tilespmem:v15+s19+$0x0] =	vst.idx.msk $0xffff, v14  }
0x90: {  	v15 =	vor.u32 v6, v12;
	v14 =	vld.idx.msk [tilespmem:v16+s2+$0x0], $0xffff  }
0x91: {  	v13 =	vor.u32 v7, v13  }
0x92: {  	s29 =	simm.s32 $0x5  }
0x93: {  	v16 =	vmov s29  }
0x94: {  	v17 =	vxor.u32 s29, v0;
	v16 =	vshll.u32 v16, $0x3  }
0x95: {  	[tilespmem:v15+s19+$0x0] =	vst.idx.msk $0xffff, v14;
	v14 =	vand.u32 $0x7F, v17;
	v15 =	vand.u32 $0x400, v16  }
0x96: {  	v12 =	vor.u32 v8, v12;
	v13 =	vld.idx.msk [tilespmem:v13+s2+$0x0], $0xffff;
	v14 =	vor.u32 v15, v14  }
0x97: {  	v15 =	vor.u32 v1, v14;
	_ =	sdelay $0x3  }
0x98: {  	[tilespmem:v12+s19+$0x0] =	vst.idx.msk $0xffff, v13;
	v12 =	vshll.u32 v17, $0x6  }
0x99: {  	v13 =	vld.idx.msk [tilespmem:v15+s2+$0x0], $0xffff;
	v15 =	vor.u32 v0, v12  }
0x9a: {  	v16 =	vor.u32 v4, v14;
	_ =	sdelay $0x3  }
0x9b: {  	[tilespmem:v15+s19+$0x0] =	vst.idx.msk $0xffff, v13  }
0x9c: {  	v15 =	vor.u32 v9, v12;
	v13 =	vld.idx.msk [tilespmem:v16+s2+$0x0], $0xffff  }
0x9d: {  	v16 =	vor.u32 v5, v14;
	_ =	sdelay $0x3  }
0x9e: {  	[tilespmem:v15+s19+$0x0] =	vst.idx.msk $0xffff, v13  }
0x9f: {  	v15 =	vor.u32 v10, v12;
	v13 =	vld.idx.msk [tilespmem:v16+s2+$0x0], $0xffff  }
0xa0: {  	v14 =	vor.u32 v7, v14  }
0xa1: {  	s29 =	simm.s32 $0x6  }
0xa2: {  	v16 =	vmov s29  }
0xa3: {  	v17 =	vxor.u32 s29, v0;
	v16 =	vshll.u32 v16, $0x3  }
0xa4: {  	[tilespmem:v15+s19+$0x0] =	vst.idx.msk $0xffff, v13;
	v13 =	vand.u32 $0x7F, v17;
	v15 =	vand.u32 $0x400, v16  }
0xa5: {  	v12 =	vor.u32 v11, v12;
	v14 =	vld.idx.msk [tilespmem:v14+s2+$0x0], $0xffff;
	v13 =	vor.u32 v15, v13  }
0xa6: {  	v15 =	vor.u32 v1, v13;
	_ =	sdelay $0x2  }
0xa7: {  	v16 =	vshll.u32 v17, $0x6  }
0xa8: {  	[tilespmem:v12+s19+$0x0] =	vst.idx.msk $0xffff, v14;
	v12 =	vand.u32 $0x7FFFFF80, v16  }
0xa9: {  	v14 =	vld.idx.msk [tilespmem:v15+s2+$0x0], $0xffff;
	v15 =	vor.u32 v2, v12  }
0xaa: {  	v16 =	vor.u32 v4, v13;
	_ =	sdelay $0x3  }
0xab: {  	[tilespmem:v15+s19+$0x0] =	vst.idx.msk $0xffff, v14  }
0xac: {  	v15 =	vor.u32 v3, v12;
	v14 =	vld.idx.msk [tilespmem:v16+s2+$0x0], $0xffff  }
0xad: {  	v16 =	vor.u32 v5, v13;
	_ =	sdelay $0x3  }
0xae: {  	[tilespmem:v15+s19+$0x0] =	vst.idx.msk $0xffff, v14  }
0xaf: {  	v15 =	vor.u32 v6, v12;
	v14 =	vld.idx.msk [tilespmem:v16+s2+$0x0], $0xffff  }
0xb0: {  	v13 =	vor.u32 v7, v13  }
0xb1: {  	s29 =	simm.s32 $0x7  }
0xb2: {  	v16 =	vmov s29  }
0xb3: {  	v17 =	vxor.u32 s29, v0;
	v16 =	vshll.u32 v16, $0x3  }
0xb4: {  	[tilespmem:v15+s19+$0x0] =	vst.idx.msk $0xffff, v14;
	v14 =	vand.u32 $0x7F, v17;
	v15 =	vand.u32 $0x400, v16  }
0xb5: {  	v12 =	vor.u32 v8, v12;
	v13 =	vld.idx.msk [tilespmem:v13+s2+$0x0], $0xffff;
	v16 =	vor.u32 v15, v14  }
0xb6: {  	v14 =	vor.u32 v1, v16;
	_ =	sdelay $0x3  }
0xb7: {  	[tilespmem:v12+s19+$0x0] =	vst.idx.msk $0xffff, v13;
	v12 =	vshll.u32 v17, $0x6  }
0xb8: {  	v13 =	vld.idx.msk [tilespmem:v14+s2+$0x0], $0xffff;
	v14 =	vor.u32 v0, v12  }
0xb9: {  	v15 =	vor.u32 v4, v16;
	_ =	sdelay $0x3  }
0xba: {  	[tilespmem:v14+s19+$0x0] =	vst.idx.msk $0xffff, v13  }
0xbb: {  	v14 =	vor.u32 v9, v12;
	v13 =	vld.idx.msk [tilespmem:v15+s2+$0x0], $0xffff  }
0xbc: {  	v15 =	vor.u32 v5, v16;
	_ =	sdelay $0x3  }
0xbd: {  	[tilespmem:v14+s19+$0x0] =	vst.idx.msk $0xffff, v13  }
0xbe: {  	v14 =	vld.idx.msk [tilespmem:v15+s2+$0x0], $0xffff;
	v15 =	vor.u32 v10, v12  }
0xbf: {  	v13 =	vor.u32 v7, v16;
	_ =	sdelay $0x1  }
0xc0: {  	s31 =	simm.s32 $0x8;
	s30 =	simm.s32 $0x17;
	s29 =	simm.s32 $0xF  }
.LBB2_4:
0xc1: {  	p2 =	sne.s32 s30, $0xFF;
	v16 =	vmov s31  }
0xc2: {  	v17 =	vxor.u32 s31, v0;
	v16 =	vshll.u32 v16, $0x3;
	[tilespmem:v15+s19+$0x0] =	vst.idx.msk $0xffff, v14  }
0xc3: {  	v14 =	vand.u32 $0x7F, v17;
	v15 =	vand.u32 $0x400, v16;
	v13 =	vld.idx.msk [tilespmem:v13+s2+$0x0], $0xffff  }
0xc4: {  	v12 =	vor.u32 v11, v12;
	v14 =	vor.u32 v15, v14  }
0xc5: {  	v15 =	vor.u32 v1, v14;
	_ =	sdelay $0x3  }
0xc6: {  	v16 =	vshll.u32 v17, $0x6;
	[tilespmem:v12+s19+$0x0] =	vst.idx.msk $0xffff, v13  }
0xc7: {  	v13 =	vand.u32 $0x3F80, v16;
	v12 =	vld.idx.msk [tilespmem:v15+s2+$0x0], $0xffff  }
0xc8: {  	v15 =	vor.u32 v2, v13  }
0xc9: {  	v16 =	vor.u32 v4, v14;
	_ =	sdelay $0x3  }
0xca: {  	[tilespmem:v15+s19+$0x0] =	vst.idx.msk $0xffff, v12  }
0xcb: {  	v12 =	vld.idx.msk [tilespmem:v16+s2+$0x0], $0xffff  }
0xcc: {  	v15 =	vor.u32 v3, v13  }
0xcd: {  	v16 =	vor.u32 v5, v14;
	_ =	sdelay $0x3  }
0xce: {  	[tilespmem:v15+s19+$0x0] =	vst.idx.msk $0xffff, v12  }
0xcf: {  	v12 =	vld.idx.msk [tilespmem:v16+s2+$0x0], $0xffff  }
0xd0: {  	v15 =	vor.u32 v6, v13  }
0xd1: {  	v14 =	vor.u32 v7, v14;
	_ =	sdelay $0x1  }
0xd2: {  	s31 =	sadd.s32 $0xFFFFFFFA, s29  }
0xd3: {  	v16 =	vmov s31  }
0xd4: {  	[tilespmem:v15+s19+$0x0] =	vst.idx.msk $0xffff, v12;
	v12 =	vxor.u32 s31, v0;
	v15 =	vshll.u32 v16, $0x3  }
0xd5: {  	v14 =	vld.idx.msk [tilespmem:v14+s2+$0x0], $0xffff;
	v16 =	vand.u32 $0x7F, v12;
	v15 =	vand.u32 $0x400, v15  }
0xd6: {  	v13 =	vor.u32 v8, v13;
	v15 =	vor.u32 v15, v16  }
0xd7: {  	v16 =	vor.u32 v1, v15;
	_ =	sdelay $0x3  }
0xd8: {  	[tilespmem:v13+s19+$0x0] =	vst.idx.msk $0xffff, v14  }
0xd9: {  	v12 =	vshll.u32 v12, $0x6;
	v13 =	vld.idx.msk [tilespmem:v16+s2+$0x0], $0xffff  }
0xda: {  	v14 =	vor.u32 v0, v12  }
0xdb: {  	v16 =	vor.u32 v4, v15;
	_ =	sdelay $0x3  }
0xdc: {  	[tilespmem:v14+s19+$0x0] =	vst.idx.msk $0xffff, v13  }
0xdd: {  	v13 =	vld.idx.msk [tilespmem:v16+s2+$0x0], $0xffff  }
0xde: {  	v14 =	vor.u32 v9, v12  }
0xdf: {  	v16 =	vor.u32 v5, v15;
	_ =	sdelay $0x3  }
0xe0: {  	[tilespmem:v14+s19+$0x0] =	vst.idx.msk $0xffff, v13  }
0xe1: {  	v13 =	vld.idx.msk [tilespmem:v16+s2+$0x0], $0xffff  }
0xe2: {  	v14 =	vor.u32 v10, v12  }
0xe3: {  	v15 =	vor.u32 v7, v15;
	_ =	sdelay $0x1  }
0xe4: {  	s31 =	sadd.s32 $0xFFFFFFFB, s29  }
0xe5: {  	v16 =	vmov s31  }
0xe6: {  	[tilespmem:v14+s19+$0x0] =	vst.idx.msk $0xffff, v13;
	v13 =	vxor.u32 s31, v0;
	v14 =	vshll.u32 v16, $0x3  }
0xe7: {  	v15 =	vld.idx.msk [tilespmem:v15+s2+$0x0], $0xffff;
	v16 =	vand.u32 $0x7F, v13;
	v14 =	vand.u32 $0x400, v14  }
0xe8: {  	v12 =	vor.u32 v11, v12;
	v14 =	vor.u32 v14, v16  }
0xe9: {  	v16 =	vor.u32 v1, v14;
	_ =	sdelay $0x3  }
0xea: {  	[tilespmem:v12+s19+$0x0] =	vst.idx.msk $0xffff, v15;
	v12 =	vshll.u32 v13, $0x6  }
0xeb: {  	v13 =	vld.idx.msk [tilespmem:v16+s2+$0x0], $0xffff;
	v12 =	vand.u32 $0x7FFFFF80, v12  }
0xec: {  	v15 =	vor.u32 v2, v12  }
0xed: {  	v16 =	vor.u32 v4, v14;
	_ =	sdelay $0x3  }
0xee: {  	[tilespmem:v15+s19+$0x0] =	vst.idx.msk $0xffff, v13  }
0xef: {  	v13 =	vld.idx.msk [tilespmem:v16+s2+$0x0], $0xffff  }
0xf0: {  	v15 =	vor.u32 v3, v12  }
0xf1: {  	v16 =	vor.u32 v5, v14;
	_ =	sdelay $0x3  }
0xf2: {  	[tilespmem:v15+s19+$0x0] =	vst.idx.msk $0xffff, v13  }
0xf3: {  	v13 =	vld.idx.msk [tilespmem:v16+s2+$0x0], $0xffff  }
0xf4: {  	v15 =	vor.u32 v6, v12  }
0xf5: {  	v14 =	vor.u32 v7, v14;
	_ =	sdelay $0x1  }
0xf6: {  	s31 =	sadd.s32 $0xFFFFFFFC, s29  }
0xf7: {  	v16 =	vmov s31  }
0xf8: {  	[tilespmem:v15+s19+$0x0] =	vst.idx.msk $0xffff, v13;
	v13 =	vxor.u32 s31, v0;
	v15 =	vshll.u32 v16, $0x3  }
0xf9: {  	v14 =	vld.idx.msk [tilespmem:v14+s2+$0x0], $0xffff;
	v16 =	vand.u32 $0x7F, v13;
	v15 =	vand.u32 $0x400, v15  }
0xfa: {  	v12 =	vor.u32 v8, v12;
	v15 =	vor.u32 v15, v16  }
0xfb: {  	v16 =	vor.u32 v1, v15;
	_ =	sdelay $0x3  }
0xfc: {  	[tilespmem:v12+s19+$0x0] =	vst.idx.msk $0xffff, v14  }
0xfd: {  	v12 =	vshll.u32 v13, $0x6;
	v13 =	vld.idx.msk [tilespmem:v16+s2+$0x0], $0xffff  }
0xfe: {  	v14 =	vor.u32 v0, v12  }
0xff: {  	v16 =	vor.u32 v4, v15;
	_ =	sdelay $0x3  }
0x100: {  	[tilespmem:v14+s19+$0x0] =	vst.idx.msk $0xffff, v13  }
0x101: {  	v13 =	vld.idx.msk [tilespmem:v16+s2+$0x0], $0xffff  }
0x102: {  	v14 =	vor.u32 v9, v12  }
0x103: {  	v16 =	vor.u32 v5, v15;
	_ =	sdelay $0x3  }
0x104: {  	[tilespmem:v14+s19+$0x0] =	vst.idx.msk $0xffff, v13  }
0x105: {  	v13 =	vld.idx.msk [tilespmem:v16+s2+$0x0], $0xffff  }
0x106: {  	v14 =	vor.u32 v10, v12  }
0x107: {  	v15 =	vor.u32 v7, v15;
	_ =	sdelay $0x1  }
0x108: {  	s31 =	sadd.s32 $0xFFFFFFFD, s29  }
0x109: {  	v16 =	vmov s31  }
0x10a: {  	[tilespmem:v14+s19+$0x0] =	vst.idx.msk $0xffff, v13;
	v13 =	vxor.u32 s31, v0;
	v14 =	vshll.u32 v16, $0x3  }
0x10b: {  	v15 =	vld.idx.msk [tilespmem:v15+s2+$0x0], $0xffff;
	v16 =	vand.u32 $0x7F, v13;
	v14 =	vand.u32 $0x400, v14  }
0x10c: {  	v12 =	vor.u32 v11, v12;
	v14 =	vor.u32 v14, v16  }
0x10d: {  	v16 =	vor.u32 v1, v14;
	_ =	sdelay $0x3  }
0x10e: {  	[tilespmem:v12+s19+$0x0] =	vst.idx.msk $0xffff, v15;
	v12 =	vshll.u32 v13, $0x6  }
0x10f: {  	v13 =	vld.idx.msk [tilespmem:v16+s2+$0x0], $0xffff;
	v12 =	vand.u32 $0x7FFFFF80, v12  }
0x110: {  	v15 =	vor.u32 v2, v12  }
0x111: {  	v16 =	vor.u32 v4, v14;
	_ =	sdelay $0x3  }
0x112: {  	[tilespmem:v15+s19+$0x0] =	vst.idx.msk $0xffff, v13  }
0x113: {  	v13 =	vld.idx.msk [tilespmem:v16+s2+$0x0], $0xffff  }
0x114: {  	v15 =	vor.u32 v3, v12  }
0x115: {  	v16 =	vor.u32 v5, v14;
	_ =	sdelay $0x3  }
0x116: {  	[tilespmem:v15+s19+$0x0] =	vst.idx.msk $0xffff, v13  }
0x117: {  	v13 =	vld.idx.msk [tilespmem:v16+s2+$0x0], $0xffff  }
0x118: {  	v15 =	vor.u32 v6, v12  }
0x119: {  	v14 =	vor.u32 v7, v14;
	_ =	sdelay $0x1  }
0x11a: {  	s31 =	sadd.s32 $0xFFFFFFFE, s29  }
0x11b: {  	v16 =	vmov s31  }
0x11c: {  	[tilespmem:v15+s19+$0x0] =	vst.idx.msk $0xffff, v13;
	v13 =	vxor.u32 s31, v0;
	v15 =	vshll.u32 v16, $0x3  }
0x11d: {  	v14 =	vld.idx.msk [tilespmem:v14+s2+$0x0], $0xffff;
	v16 =	vand.u32 $0x7F, v13;
	v15 =	vand.u32 $0x400, v15  }
0x11e: {  	v12 =	vor.u32 v8, v12;
	v15 =	vor.u32 v15, v16  }
0x11f: {  	v16 =	vor.u32 v1, v15;
	_ =	sdelay $0x3  }
0x120: {  	[tilespmem:v12+s19+$0x0] =	vst.idx.msk $0xffff, v14  }
0x121: {  	v12 =	vshll.u32 v13, $0x6;
	v13 =	vld.idx.msk [tilespmem:v16+s2+$0x0], $0xffff  }
0x122: {  	v14 =	vor.u32 v0, v12  }
0x123: {  	v16 =	vor.u32 v4, v15;
	_ =	sdelay $0x3  }
0x124: {  	[tilespmem:v14+s19+$0x0] =	vst.idx.msk $0xffff, v13  }
0x125: {  	v13 =	vld.idx.msk [tilespmem:v16+s2+$0x0], $0xffff  }
0x126: {  	v14 =	vor.u32 v9, v12  }
0x127: {  	v16 =	vor.u32 v5, v15;
	_ =	sdelay $0x3  }
0x128: {  	[tilespmem:v14+s19+$0x0] =	vst.idx.msk $0xffff, v13  }
0x129: {  	v13 =	vld.idx.msk [tilespmem:v16+s2+$0x0], $0xffff  }
0x12a: {  	v14 =	vor.u32 v10, v12  }
0x12b: {  	v15 =	vor.u32 v7, v15;
	_ =	sdelay $0x1  }
0x12c: {  	s31 =	sadd.s32 $0xFFFFFFFF, s29  }
0x12d: {  	v16 =	vmov s31  }
0x12e: {  	[tilespmem:v14+s19+$0x0] =	vst.idx.msk $0xffff, v13;
	v13 =	vxor.u32 s31, v0;
	v14 =	vshll.u32 v16, $0x3  }
0x12f: {  	v15 =	vld.idx.msk [tilespmem:v15+s2+$0x0], $0xffff;
	v16 =	vand.u32 $0x7F, v13;
	v14 =	vand.u32 $0x400, v14  }
0x130: {  	v12 =	vor.u32 v11, v12;
	v14 =	vor.u32 v14, v16  }
0x131: {  	v16 =	vor.u32 v1, v14;
	_ =	sdelay $0x3  }
0x132: {  	[tilespmem:v12+s19+$0x0] =	vst.idx.msk $0xffff, v15;
	v12 =	vshll.u32 v13, $0x6  }
0x133: {  	v13 =	vld.idx.msk [tilespmem:v16+s2+$0x0], $0xffff;
	v12 =	vand.u32 $0x7FFFFF80, v12  }
0x134: {  	v15 =	vor.u32 v2, v12  }
0x135: {  	v16 =	vor.u32 v4, v14;
	_ =	sdelay $0x3  }
0x136: {  	[tilespmem:v15+s19+$0x0] =	vst.idx.msk $0xffff, v13  }
0x137: {  	v13 =	vld.idx.msk [tilespmem:v16+s2+$0x0], $0xffff  }
0x138: {  	v15 =	vor.u32 v3, v12  }
0x139: {  	v16 =	vor.u32 v5, v14;
	_ =	sdelay $0x3  }
0x13a: {  	[tilespmem:v15+s19+$0x0] =	vst.idx.msk $0xffff, v13  }
0x13b: {  	v13 =	vld.idx.msk [tilespmem:v16+s2+$0x0], $0xffff  }
0x13c: {  	v15 =	vor.u32 v6, v12  }
0x13d: {  	v14 =	vor.u32 v7, v14;
	_ =	sdelay $0x2  }
0x13e: {  	v16 =	vmov s29  }
0x13f: {  	[tilespmem:v15+s19+$0x0] =	vst.idx.msk $0xffff, v13;
	v13 =	vxor.u32 s29, v0;
	v15 =	vshll.u32 v16, $0x3;
	s29 =	smov.u32 s30  }
0x140: {  	v14 =	vld.idx.msk [tilespmem:v14+s2+$0x0], $0xffff;
	v16 =	vand.u32 $0x7F, v13;
	v15 =	vand.u32 $0x400, v15  }
0x141: {  	v12 =	vor.u32 v8, v12;
	v16 =	vor.u32 v15, v16  }
0x142: {  	v15 =	vor.u32 v1, v16;
	_ =	sdelay $0x3  }
0x143: {  	[tilespmem:v12+s19+$0x0] =	vst.idx.msk $0xffff, v14  }
0x144: {  	v12 =	vshll.u32 v13, $0x6;
	v13 =	vld.idx.msk [tilespmem:v15+s2+$0x0], $0xffff  }
0x145: {  	v14 =	vor.u32 v0, v12  }
0x146: {  	v15 =	vor.u32 v4, v16;
	_ =	sdelay $0x3  }
0x147: {  	[tilespmem:v14+s19+$0x0] =	vst.idx.msk $0xffff, v13  }
0x148: {  	v13 =	vld.idx.msk [tilespmem:v15+s2+$0x0], $0xffff  }
0x149: {  	v14 =	vor.u32 v9, v12  }
0x14a: {  	v15 =	vor.u32 v5, v16;
	_ =	sdelay $0x3  }
0x14b: {  	[tilespmem:v14+s19+$0x0] =	vst.idx.msk $0xffff, v13  }
.Ltmp5:
0x14c: {  	v14 =	vld.idx.msk [tilespmem:v15+s2+$0x0], $0xffff;
	(pc) =	sbr.rel @p2 .LBB2_4-.Ltmp5, $3  }
0x14d: {  	v15 =	vor.u32 v10, v12  }
0x14e: {  	v13 =	vor.u32 v7, v16;
	_ =	sdelay $0x1  }
0x14f: {  	s30 =	sadd.s32 $0x8, s30;
	s31 =	sadd.s32 $0xFFFFFFF9, s29  }
0x150: {  	_ =	sdelay $0x1  }
0x151: {  	v16 =	vmov s31  }
0x152: {  	v17 =	vxor.u32 s31, v0;
	v16 =	vshll.u32 v16, $0x3  }
0x153: {  	[tilespmem:v15+s19+$0x0] =	vst.idx.msk $0xffff, v14;
	v26 =	vand.u32 $0x7F, v17;
	v27 =	vand.u32 $0x400, v16  }
0x154: {  	v12 =	vor.u32 v11, v12;
	v13 =	vld.idx.msk [tilespmem:v13+s2+$0x0], $0xffff;
	v14 =	vor.u32 v27, v26  }
0x155: {  	v15 =	vor.u32 v1, v14;
	_ =	sdelay $0x2  }
0x156: {  	v28 =	vshll.u32 v17, $0x6  }
0x157: {  	v29 =	vand.u32 $0x3F80, v28;
	[tilespmem:v12+s19+$0x0] =	vst.idx.msk $0xffff, v13  }
0x158: {  	v30 =	vor.u32 v2, v29;
	v13 =	vld.idx.msk [tilespmem:v15+s2+$0x0], $0xffff  }
0x159: {  	v31 =	vor.u32 v4, v14;
	_ =	sdelay $0x3  }
0x15a: {  	[tilespmem:v30+s19+$0x0] =	vst.idx.msk $0xffff, v13  }
0x15b: {  	v32 =	vor.u32 v3, v29;
	v13 =	vld.idx.msk [tilespmem:v31+s2+$0x0], $0xffff  }
0x15c: {  	v33 =	vor.u32 v5, v14;
	_ =	sdelay $0x3  }
0x15d: {  	[tilespmem:v32+s19+$0x0] =	vst.idx.msk $0xffff, v13  }
0x15e: {  	v34 =	vor.u32 v6, v29;
	v13 =	vld.idx.msk [tilespmem:v33+s2+$0x0], $0xffff  }
0x15f: {  	v14 =	vor.u32 v7, v14  }
0x160: {  	s30 =	sadd.s32 $0xFFFFFFFA, s29  }
0x161: {  	v35 =	vmov s30  }
0x162: {  	v36 =	vxor.u32 s30, v0;
	v16 =	vshll.u32 v35, $0x3  }
0x163: {  	v37 =	vand.u32 $0x7F, v36;
	v38 =	vand.u32 $0x400, v16;
	[tilespmem:v34+s19+$0x0] =	vst.idx.msk $0xffff, v13  }
0x164: {  	v12 =	vor.u32 v8, v29;
	v13 =	vor.u32 v38, v37;
	v14 =	vld.idx.msk [tilespmem:v14+s2+$0x0], $0xffff  }
0x165: {  	v15 =	vor.u32 v1, v13;
	_ =	sdelay $0x3  }
0x166: {  	v39 =	vshll.u32 v36, $0x6;
	[tilespmem:v12+s19+$0x0] =	vst.idx.msk $0xffff, v14  }
0x167: {  	v40 =	vor.u32 v0, v39;
	v14 =	vld.idx.msk [tilespmem:v15+s2+$0x0], $0xffff  }
0x168: {  	v41 =	vor.u32 v4, v13;
	_ =	sdelay $0x3  }
0x169: {  	[tilespmem:v40+s19+$0x0] =	vst.idx.msk $0xffff, v14  }
0x16a: {  	v42 =	vor.u32 v9, v39;
	v14 =	vld.idx.msk [tilespmem:v41+s2+$0x0], $0xffff  }
0x16b: {  	v43 =	vor.u32 v5, v13;
	_ =	sdelay $0x3  }
0x16c: {  	[tilespmem:v42+s19+$0x0] =	vst.idx.msk $0xffff, v14  }
0x16d: {  	v44 =	vor.u32 v10, v39;
	v14 =	vld.idx.msk [tilespmem:v43+s2+$0x0], $0xffff  }
0x16e: {  	v13 =	vor.u32 v7, v13  }
0x16f: {  	s4 =	sadd.s32 $0xFFFFFFFB, s29  }
0x170: {  	v45 =	vmov s4  }
0x171: {  	v46 =	vxor.u32 s4, v0;
	v16 =	vshll.u32 v45, $0x3  }
0x172: {  	v47 =	vand.u32 $0x7F, v46;
	v48 =	vand.u32 $0x400, v16;
	[tilespmem:v44+s19+$0x0] =	vst.idx.msk $0xffff, v14  }
0x173: {  	v12 =	vor.u32 v11, v39;
	v14 =	vor.u32 v48, v47;
	v13 =	vld.idx.msk [tilespmem:v13+s2+$0x0], $0xffff  }
0x174: {  	v15 =	vor.u32 v1, v14;
	_ =	sdelay $0x2  }
0x175: {  	v49 =	vshll.u32 v46, $0x6  }
0x176: {  	v50 =	vand.u32 $0x7FFFFF80, v49;
	[tilespmem:v12+s19+$0x0] =	vst.idx.msk $0xffff, v13  }
0x177: {  	v51 =	vor.u32 v2, v50;
	v13 =	vld.idx.msk [tilespmem:v15+s2+$0x0], $0xffff  }
0x178: {  	v52 =	vor.u32 v4, v14;
	_ =	sdelay $0x3  }
0x179: {  	[tilespmem:v51+s19+$0x0] =	vst.idx.msk $0xffff, v13  }
0x17a: {  	v53 =	vor.u32 v3, v50;
	v13 =	vld.idx.msk [tilespmem:v52+s2+$0x0], $0xffff  }
0x17b: {  	v54 =	vor.u32 v5, v14;
	_ =	sdelay $0x3  }
0x17c: {  	[tilespmem:v53+s19+$0x0] =	vst.idx.msk $0xffff, v13  }
0x17d: {  	v55 =	vor.u32 v6, v50;
	v13 =	vld.idx.msk [tilespmem:v54+s2+$0x0], $0xffff  }
0x17e: {  	v14 =	vor.u32 v7, v14  }
0x17f: {  	s31 =	sadd.s32 $0xFFFFFFFC, s29  }
0x180: {  	v56 =	vmov s31  }
0x181: {  	v57 =	vxor.u32 s31, v0;
	v16 =	vshll.u32 v56, $0x3  }
0x182: {  	v58 =	vand.u32 $0x7F, v57;
	v59 =	vand.u32 $0x400, v16;
	[tilespmem:v55+s19+$0x0] =	vst.idx.msk $0xffff, v13  }
0x183: {  	v12 =	vor.u32 v8, v50;
	v13 =	vor.u32 v59, v58;
	v14 =	vld.idx.msk [tilespmem:v14+s2+$0x0], $0xffff  }
0x184: {  	v15 =	vor.u32 v1, v13;
	_ =	sdelay $0x3  }
0x185: {  	v60 =	vshll.u32 v57, $0x6;
	[tilespmem:v12+s19+$0x0] =	vst.idx.msk $0xffff, v14  }
0x186: {  	v61 =	vor.u32 v0, v60;
	v14 =	vld.idx.msk [tilespmem:v15+s2+$0x0], $0xffff  }
0x187: {  	v62 =	vor.u32 v4, v13;
	_ =	sdelay $0x3  }
0x188: {  	[tilespmem:v61+s19+$0x0] =	vst.idx.msk $0xffff, v14  }
0x189: {  	v63 =	vor.u32 v9, v60;
	v14 =	vld.idx.msk [tilespmem:v62+s2+$0x0], $0xffff  }
0x18a: {  	v20 =	vor.u32 v5, v13;
	_ =	sdelay $0x3  }
0x18b: {  	[tilespmem:v63+s19+$0x0] =	vst.idx.msk $0xffff, v14  }
0x18c: {  	v21 =	vor.u32 v10, v60;
	v14 =	vld.idx.msk [tilespmem:v20+s2+$0x0], $0xffff  }
0x18d: {  	v13 =	vor.u32 v7, v13  }
0x18e: {  	s4 =	sadd.s32 $0xFFFFFFFD, s29  }
0x18f: {  	v22 =	vmov s4  }
0x190: {  	v23 =	vxor.u32 s4, v0;
	v16 =	vshll.u32 v22, $0x3  }
0x191: {  	v24 =	vand.u32 $0x7F, v23;
	v25 =	vand.u32 $0x400, v16;
	[tilespmem:v21+s19+$0x0] =	vst.idx.msk $0xffff, v14  }
0x192: {  	v12 =	vor.u32 v11, v60;
	v14 =	vor.u32 v25, v24;
	v13 =	vld.idx.msk [tilespmem:v13+s2+$0x0], $0xffff  }
0x193: {  	v15 =	vor.u32 v1, v14;
	_ =	sdelay $0x2  }
0x194: {  	v26 =	vshll.u32 v23, $0x6  }
0x195: {  	v27 =	vand.u32 $0x7FFFFF80, v26;
	[tilespmem:v12+s19+$0x0] =	vst.idx.msk $0xffff, v13  }
0x196: {  	v28 =	vor.u32 v2, v27;
	v13 =	vld.idx.msk [tilespmem:v15+s2+$0x0], $0xffff  }
0x197: {  	v29 =	vor.u32 v4, v14;
	_ =	sdelay $0x3  }
0x198: {  	[tilespmem:v28+s19+$0x0] =	vst.idx.msk $0xffff, v13  }
0x199: {  	v30 =	vor.u32 v3, v27;
	v13 =	vld.idx.msk [tilespmem:v29+s2+$0x0], $0xffff  }
0x19a: {  	v31 =	vor.u32 v5, v14;
	_ =	sdelay $0x3  }
0x19b: {  	[tilespmem:v30+s19+$0x0] =	vst.idx.msk $0xffff, v13  }
0x19c: {  	v32 =	vor.u32 v6, v27;
	v13 =	vld.idx.msk [tilespmem:v31+s2+$0x0], $0xffff  }
0x19d: {  	v14 =	vor.u32 v7, v14  }
0x19e: {  	s31 =	sadd.s32 $0xFFFFFFFE, s29  }
0x19f: {  	v33 =	vmov s31  }
0x1a0: {  	v16 =	vshll.u32 v33, $0x3;
	v34 =	vxor.u32 s31, v0  }
0x1a1: {  	v36 =	vand.u32 $0x400, v16;
	v35 =	vand.u32 $0x7F, v34;
	[tilespmem:v32+s19+$0x0] =	vst.idx.msk $0xffff, v13  }
0x1a2: {  	v12 =	vor.u32 v8, v27;
	v13 =	vor.u32 v36, v35;
	v14 =	vld.idx.msk [tilespmem:v14+s2+$0x0], $0xffff  }
0x1a3: {  	v15 =	vor.u32 v1, v13;
	_ =	sdelay $0x3  }
0x1a4: {  	v37 =	vshll.u32 v34, $0x6;
	[tilespmem:v12+s19+$0x0] =	vst.idx.msk $0xffff, v14  }
0x1a5: {  	v38 =	vor.u32 v0, v37;
	v14 =	vld.idx.msk [tilespmem:v15+s2+$0x0], $0xffff  }
0x1a6: {  	v39 =	vor.u32 v4, v13;
	_ =	sdelay $0x3  }
0x1a7: {  	[tilespmem:v38+s19+$0x0] =	vst.idx.msk $0xffff, v14  }
0x1a8: {  	v40 =	vor.u32 v9, v37;
	v14 =	vld.idx.msk [tilespmem:v39+s2+$0x0], $0xffff  }
0x1a9: {  	v41 =	vor.u32 v5, v13;
	_ =	sdelay $0x3  }
0x1aa: {  	[tilespmem:v40+s19+$0x0] =	vst.idx.msk $0xffff, v14  }
0x1ab: {  	v42 =	vor.u32 v10, v37;
	v14 =	vld.idx.msk [tilespmem:v41+s2+$0x0], $0xffff  }
0x1ac: {  	v13 =	vor.u32 v7, v13  }
0x1ad: {  	s4 =	sadd.s32 $0xFFFFFFFF, s29  }
0x1ae: {  	v43 =	vmov s4  }
0x1af: {  	v16 =	vshll.u32 v43, $0x3;
	v44 =	vxor.u32 s4, v0  }
0x1b0: {  	v46 =	vand.u32 $0x400, v16;
	v45 =	vand.u32 $0x7F, v44;
	[tilespmem:v42+s19+$0x0] =	vst.idx.msk $0xffff, v14  }
0x1b1: {  	v12 =	vor.u32 v11, v37;
	v14 =	vor.u32 v46, v45;
	v13 =	vld.idx.msk [tilespmem:v13+s2+$0x0], $0xffff  }
0x1b2: {  	v15 =	vor.u32 v1, v14;
	_ =	sdelay $0x2  }
0x1b3: {  	v47 =	vshll.u32 v44, $0x6  }
0x1b4: {  	v48 =	vand.u32 $0x7FFFFF80, v47;
	[tilespmem:v12+s19+$0x0] =	vst.idx.msk $0xffff, v13  }
0x1b5: {  	v49 =	vor.u32 v2, v48;
	v13 =	vld.idx.msk [tilespmem:v15+s2+$0x0], $0xffff  }
0x1b6: {  	v50 =	vor.u32 v4, v14;
	_ =	sdelay $0x3  }
0x1b7: {  	[tilespmem:v49+s19+$0x0] =	vst.idx.msk $0xffff, v13  }
0x1b8: {  	v51 =	vor.u32 v3, v48;
	v13 =	vld.idx.msk [tilespmem:v50+s2+$0x0], $0xffff  }
0x1b9: {  	v52 =	vor.u32 v5, v14;
	_ =	sdelay $0x3  }
0x1ba: {  	[tilespmem:v51+s19+$0x0] =	vst.idx.msk $0xffff, v13  }
0x1bb: {  	v53 =	vor.u32 v6, v48;
	v13 =	vld.idx.msk [tilespmem:v52+s2+$0x0], $0xffff  }
0x1bc: {  	v14 =	vor.u32 v7, v14;
	_ =	sdelay $0x1  }
0x1bd: {  	v54 =	vmov s29  }
0x1be: {  	v16 =	vshll.u32 v54, $0x3;
	v55 =	vxor.u32 s29, v0  }
0x1bf: {  	v57 =	vand.u32 $0x400, v16;
	v56 =	vand.u32 $0x7F, v55;
	[tilespmem:v53+s19+$0x0] =	vst.idx.msk $0xffff, v13  }
0x1c0: {  	v12 =	vor.u32 v8, v48;
	v13 =	vor.u32 v57, v56;
	v14 =	vld.idx.msk [tilespmem:v14+s2+$0x0], $0xffff  }
0x1c1: {  	v15 =	vor.u32 v1, v13;
	_ =	sdelay $0x3  }
0x1c2: {  	v58 =	vshll.u32 v55, $0x6;
	[tilespmem:v12+s19+$0x0] =	vst.idx.msk $0xffff, v14  }
0x1c3: {  	v59 =	vor.u32 v0, v58;
	v14 =	vld.idx.msk [tilespmem:v15+s2+$0x0], $0xffff  }
0x1c4: {  	v60 =	vor.u32 v4, v13;
	_ =	sdelay $0x3  }
0x1c5: {  	[tilespmem:v59+s19+$0x0] =	vst.idx.msk $0xffff, v14  }
0x1c6: {  	v61 =	vor.u32 v9, v58;
	v14 =	vld.idx.msk [tilespmem:v60+s2+$0x0], $0xffff  }
0x1c7: {  	v62 =	vor.u32 v5, v13;
	_ =	sdelay $0x3  }
0x1c8: {  	[tilespmem:v61+s19+$0x0] =	vst.idx.msk $0xffff, v14  }
0x1c9: {  	v63 =	vor.u32 v10, v58;
	v14 =	vld.idx.msk [tilespmem:v62+s2+$0x0], $0xffff  }
0x1ca: {  	v13 =	vor.u32 v7, v13;
	_ =	sdelay $0x3  }
0x1cb: {  	[tilespmem:v63+s19+$0x0] =	vst.idx.msk $0xffff, v14  }
0x1cc: {  	v12 =	vor.u32 v11, v58;
	v13 =	vld.idx.msk [tilespmem:v13+s2+$0x0], $0xffff;
	_ =	sdelay $0x3  }
0x1cd: {  	s31 =	sshll.u32 s28, $0xB  }
0x1ce: {  	s29 =	sadd.s32 s6, s31;
	[tilespmem:v12+s19+$0x0] =	vst.idx.msk $0xffff, v13  }
0x1cf: {  	[hbm4b:s29+s2] =	stream.linear.scatter [tilespmem:s19], [sflag:$0x3], $0x4000, $0x38;
	[tilespmem:$0x12000] =	vst v63  }
0x1d0: {  	s29 =	sadd.s32 s9, s26  }
0x1d1: {  	p2 =	sgt.u32 s29, $0xF41  }
0x1d2: {  	s29 =	sshll.u32 @!p2 s29, $0x8;
	s30 =	simm.s32 @!p2 $0x800  }
0x1d3: {  	s31 =	simm.s32 @!p2 $0x7A1400;
	s4 =	simm.s32 @!p2 $0x0;
	s29 =	sadd.s32 @!p2 s0, s29  }
0x1d4: {  	[tilespmem:s4], [sflag:$0x1] =	stream.strided.gather @!p2 [hbm4b:s29+s30], $0x4000, s31, s30, $0x38;
	[tilespmem:$0x12000] =	vst v63  }
.LBB2_6:
0x1d5: {  	s28 =	sor.u32 $0x20, s28  }
0x1d6: {  	p2 =	sgt.u32 s28, $0xF41  }
.Ltmp6:
0x1d7: {  	_ = 	snop;
	(pc) =	sbr.rel @p2 .LBB2_10-.Ltmp6, $1  }
0x1d8: {  	_ =	sdelay $0x3  }
0x1d9: {  	s4 =	simm.s32 $0x0  }
0x1da: {  	v12 =	vmov s4  }
0x1db: {  	v13 =	vxor.u32 s4, v0;
	v12 =	vshll.u32 v12, $0x3  }
0x1dc: {  	v14 =	vand.u32 $0x7F, v13;
	v12 =	vand.u32 $0x400, v12  }
0x1dd: {  	_ =	swait.ge [sflag:s20], $0x4000;
	v12 =	vor.u32 v12, v14  }
0x1de: {  	[sflag:s20] =	ssyncset.done $0x0;
	v14 =	vor.u32 v1, v12  }
0x1df: {  	s4 =	simm.s32 @!p1 $0x4;
	[sflag:s20] =	ssyncadd.s32 $0xFFFFC000  }
0x1e0: {  	_ =	swait.ge @!p1 [sflag:s4], $0x4000  }
0x1e1: {  	v13 =	vshll.u32 v13, $0x6;
	[sflag:s4] =	ssyncset.done @!p1 $0x0  }
0x1e2: {  	v13 =	vand.u32 $0x3F80, v13;
	[sflag:s4] =	ssyncadd.s32 @!p1 $0xFFFFC000  }
0x1e3: {  	v15 =	vor.u32 v2, v13;
	v14 =	vld.idx.msk [tilespmem:v14+s17+$0x0], $0xffff  }
0x1e4: {  	v16 =	vor.u32 v4, v12;
	_ =	sdelay $0x3  }
0x1e5: {  	[tilespmem:v15+s21+$0x0] =	vst.idx.msk $0xffff, v14  }
0x1e6: {  	v15 =	vor.u32 v3, v13;
	v14 =	vld.idx.msk [tilespmem:v16+s17+$0x0], $0xffff  }
0x1e7: {  	v16 =	vor.u32 v5, v12;
	_ =	sdelay $0x3  }
0x1e8: {  	[tilespmem:v15+s21+$0x0] =	vst.idx.msk $0xffff, v14  }
0x1e9: {  	v15 =	vor.u32 v6, v13;
	v14 =	vld.idx.msk [tilespmem:v16+s17+$0x0], $0xffff  }
0x1ea: {  	v12 =	vor.u32 v7, v12  }
0x1eb: {  	s4 =	simm.s32 $0x1  }
0x1ec: {  	v16 =	vmov s4  }
0x1ed: {  	v17 =	vxor.u32 s4, v0;
	v16 =	vshll.u32 v16, $0x3  }
0x1ee: {  	[tilespmem:v15+s21+$0x0] =	vst.idx.msk $0xffff, v14;
	v14 =	vand.u32 $0x7F, v17;
	v15 =	vand.u32 $0x400, v16  }
0x1ef: {  	v13 =	vor.u32 v8, v13;
	v12 =	vld.idx.msk [tilespmem:v12+s17+$0x0], $0xffff;
	v14 =	vor.u32 v15, v14  }
0x1f0: {  	v15 =	vor.u32 v1, v14;
	_ =	sdelay $0x3  }
0x1f1: {  	[tilespmem:v13+s21+$0x0] =	vst.idx.msk $0xffff, v12;
	v12 =	vshll.u32 v17, $0x6  }
0x1f2: {  	v13 =	vld.idx.msk [tilespmem:v15+s17+$0x0], $0xffff;
	v15 =	vor.u32 v0, v12  }
0x1f3: {  	v16 =	vor.u32 v4, v14;
	_ =	sdelay $0x3  }
0x1f4: {  	[tilespmem:v15+s21+$0x0] =	vst.idx.msk $0xffff, v13  }
0x1f5: {  	v15 =	vor.u32 v9, v12;
	v13 =	vld.idx.msk [tilespmem:v16+s17+$0x0], $0xffff  }
0x1f6: {  	v16 =	vor.u32 v5, v14;
	_ =	sdelay $0x3  }
0x1f7: {  	[tilespmem:v15+s21+$0x0] =	vst.idx.msk $0xffff, v13  }
0x1f8: {  	v15 =	vor.u32 v10, v12;
	v13 =	vld.idx.msk [tilespmem:v16+s17+$0x0], $0xffff  }
0x1f9: {  	v14 =	vor.u32 v7, v14  }
0x1fa: {  	s4 =	simm.s32 $0x2  }
0x1fb: {  	v16 =	vmov s4  }
0x1fc: {  	v17 =	vxor.u32 s4, v0;
	v16 =	vshll.u32 v16, $0x3  }
0x1fd: {  	[tilespmem:v15+s21+$0x0] =	vst.idx.msk $0xffff, v13;
	v13 =	vand.u32 $0x7F, v17;
	v15 =	vand.u32 $0x400, v16  }
0x1fe: {  	v12 =	vor.u32 v11, v12;
	v14 =	vld.idx.msk [tilespmem:v14+s17+$0x0], $0xffff;
	v13 =	vor.u32 v15, v13  }
0x1ff: {  	v15 =	vor.u32 v1, v13;
	_ =	sdelay $0x2  }
0x200: {  	v16 =	vshll.u32 v17, $0x6  }
0x201: {  	[tilespmem:v12+s21+$0x0] =	vst.idx.msk $0xffff, v14;
	v12 =	vand.u32 $0x7FFFFF80, v16  }
0x202: {  	v14 =	vld.idx.msk [tilespmem:v15+s17+$0x0], $0xffff;
	v15 =	vor.u32 v2, v12  }
0x203: {  	v16 =	vor.u32 v4, v13;
	_ =	sdelay $0x3  }
0x204: {  	[tilespmem:v15+s21+$0x0] =	vst.idx.msk $0xffff, v14  }
0x205: {  	v15 =	vor.u32 v3, v12;
	v14 =	vld.idx.msk [tilespmem:v16+s17+$0x0], $0xffff  }
0x206: {  	v16 =	vor.u32 v5, v13;
	_ =	sdelay $0x3  }
0x207: {  	[tilespmem:v15+s21+$0x0] =	vst.idx.msk $0xffff, v14  }
0x208: {  	v15 =	vor.u32 v6, v12;
	v14 =	vld.idx.msk [tilespmem:v16+s17+$0x0], $0xffff  }
0x209: {  	v13 =	vor.u32 v7, v13  }
0x20a: {  	s4 =	simm.s32 $0x3  }
0x20b: {  	v16 =	vmov s4  }
0x20c: {  	v17 =	vxor.u32 s4, v0;
	v16 =	vshll.u32 v16, $0x3  }
0x20d: {  	[tilespmem:v15+s21+$0x0] =	vst.idx.msk $0xffff, v14;
	v14 =	vand.u32 $0x7F, v17;
	v15 =	vand.u32 $0x400, v16  }
0x20e: {  	v12 =	vor.u32 v8, v12;
	v13 =	vld.idx.msk [tilespmem:v13+s17+$0x0], $0xffff;
	v14 =	vor.u32 v15, v14  }
0x20f: {  	v15 =	vor.u32 v1, v14;
	_ =	sdelay $0x3  }
0x210: {  	[tilespmem:v12+s21+$0x0] =	vst.idx.msk $0xffff, v13;
	v12 =	vshll.u32 v17, $0x6  }
0x211: {  	v13 =	vld.idx.msk [tilespmem:v15+s17+$0x0], $0xffff;
	v15 =	vor.u32 v0, v12  }
0x212: {  	v16 =	vor.u32 v4, v14;
	_ =	sdelay $0x3  }
0x213: {  	[tilespmem:v15+s21+$0x0] =	vst.idx.msk $0xffff, v13  }
0x214: {  	v15 =	vor.u32 v9, v12;
	v13 =	vld.idx.msk [tilespmem:v16+s17+$0x0], $0xffff  }
0x215: {  	v16 =	vor.u32 v5, v14;
	_ =	sdelay $0x3  }
0x216: {  	[tilespmem:v15+s21+$0x0] =	vst.idx.msk $0xffff, v13  }
0x217: {  	v15 =	vor.u32 v10, v12;
	v13 =	vld.idx.msk [tilespmem:v16+s17+$0x0], $0xffff  }
0x218: {  	v14 =	vor.u32 v7, v14  }
0x219: {  	s4 =	simm.s32 $0x4  }
0x21a: {  	v16 =	vmov s4  }
0x21b: {  	v17 =	vxor.u32 s4, v0;
	v16 =	vshll.u32 v16, $0x3  }
0x21c: {  	[tilespmem:v15+s21+$0x0] =	vst.idx.msk $0xffff, v13;
	v13 =	vand.u32 $0x7F, v17;
	v15 =	vand.u32 $0x400, v16  }
0x21d: {  	v12 =	vor.u32 v11, v12;
	v14 =	vld.idx.msk [tilespmem:v14+s17+$0x0], $0xffff;
	v13 =	vor.u32 v15, v13  }
0x21e: {  	v15 =	vor.u32 v1, v13;
	_ =	sdelay $0x2  }
0x21f: {  	v16 =	vshll.u32 v17, $0x6  }
0x220: {  	[tilespmem:v12+s21+$0x0] =	vst.idx.msk $0xffff, v14;
	v12 =	vand.u32 $0x7FFFFF80, v16  }
0x221: {  	v14 =	vld.idx.msk [tilespmem:v15+s17+$0x0], $0xffff;
	v15 =	vor.u32 v2, v12  }
0x222: {  	v16 =	vor.u32 v4, v13;
	_ =	sdelay $0x3  }
0x223: {  	[tilespmem:v15+s21+$0x0] =	vst.idx.msk $0xffff, v14  }
0x224: {  	v15 =	vor.u32 v3, v12;
	v14 =	vld.idx.msk [tilespmem:v16+s17+$0x0], $0xffff  }
0x225: {  	v16 =	vor.u32 v5, v13;
	_ =	sdelay $0x3  }
0x226: {  	[tilespmem:v15+s21+$0x0] =	vst.idx.msk $0xffff, v14  }
0x227: {  	v15 =	vor.u32 v6, v12;
	v14 =	vld.idx.msk [tilespmem:v16+s17+$0x0], $0xffff  }
0x228: {  	v13 =	vor.u32 v7, v13  }
0x229: {  	s4 =	simm.s32 $0x5  }
0x22a: {  	v16 =	vmov s4  }
0x22b: {  	v17 =	vxor.u32 s4, v0;
	v16 =	vshll.u32 v16, $0x3  }
0x22c: {  	[tilespmem:v15+s21+$0x0] =	vst.idx.msk $0xffff, v14;
	v14 =	vand.u32 $0x7F, v17;
	v15 =	vand.u32 $0x400, v16  }
0x22d: {  	v12 =	vor.u32 v8, v12;
	v13 =	vld.idx.msk [tilespmem:v13+s17+$0x0], $0xffff;
	v14 =	vor.u32 v15, v14  }
0x22e: {  	v15 =	vor.u32 v1, v14;
	_ =	sdelay $0x3  }
0x22f: {  	[tilespmem:v12+s21+$0x0] =	vst.idx.msk $0xffff, v13;
	v12 =	vshll.u32 v17, $0x6  }
0x230: {  	v13 =	vld.idx.msk [tilespmem:v15+s17+$0x0], $0xffff;
	v15 =	vor.u32 v0, v12  }
0x231: {  	v16 =	vor.u32 v4, v14;
	_ =	sdelay $0x3  }
0x232: {  	[tilespmem:v15+s21+$0x0] =	vst.idx.msk $0xffff, v13  }
0x233: {  	v15 =	vor.u32 v9, v12;
	v13 =	vld.idx.msk [tilespmem:v16+s17+$0x0], $0xffff  }
0x234: {  	v16 =	vor.u32 v5, v14;
	_ =	sdelay $0x3  }
0x235: {  	[tilespmem:v15+s21+$0x0] =	vst.idx.msk $0xffff, v13  }
0x236: {  	v15 =	vor.u32 v10, v12;
	v13 =	vld.idx.msk [tilespmem:v16+s17+$0x0], $0xffff  }
0x237: {  	v14 =	vor.u32 v7, v14  }
0x238: {  	s4 =	simm.s32 $0x6  }
0x239: {  	v16 =	vmov s4  }
0x23a: {  	v17 =	vxor.u32 s4, v0;
	v16 =	vshll.u32 v16, $0x3  }
0x23b: {  	[tilespmem:v15+s21+$0x0] =	vst.idx.msk $0xffff, v13;
	v13 =	vand.u32 $0x7F, v17;
	v15 =	vand.u32 $0x400, v16  }
0x23c: {  	v12 =	vor.u32 v11, v12;
	v14 =	vld.idx.msk [tilespmem:v14+s17+$0x0], $0xffff;
	v13 =	vor.u32 v15, v13  }
0x23d: {  	v15 =	vor.u32 v1, v13;
	_ =	sdelay $0x2  }
0x23e: {  	v16 =	vshll.u32 v17, $0x6  }
0x23f: {  	[tilespmem:v12+s21+$0x0] =	vst.idx.msk $0xffff, v14;
	v12 =	vand.u32 $0x7FFFFF80, v16  }
0x240: {  	v14 =	vld.idx.msk [tilespmem:v15+s17+$0x0], $0xffff;
	v15 =	vor.u32 v2, v12  }
0x241: {  	v16 =	vor.u32 v4, v13;
	_ =	sdelay $0x3  }
0x242: {  	[tilespmem:v15+s21+$0x0] =	vst.idx.msk $0xffff, v14  }
0x243: {  	v15 =	vor.u32 v3, v12;
	v14 =	vld.idx.msk [tilespmem:v16+s17+$0x0], $0xffff  }
0x244: {  	v16 =	vor.u32 v5, v13;
	_ =	sdelay $0x3  }
0x245: {  	[tilespmem:v15+s21+$0x0] =	vst.idx.msk $0xffff, v14  }
0x246: {  	v15 =	vor.u32 v6, v12;
	v14 =	vld.idx.msk [tilespmem:v16+s17+$0x0], $0xffff  }
0x247: {  	v13 =	vor.u32 v7, v13  }
0x248: {  	s4 =	simm.s32 $0x7  }
0x249: {  	v16 =	vmov s4  }
0x24a: {  	v17 =	vxor.u32 s4, v0;
	v16 =	vshll.u32 v16, $0x3  }
0x24b: {  	[tilespmem:v15+s21+$0x0] =	vst.idx.msk $0xffff, v14;
	v14 =	vand.u32 $0x7F, v17;
	v15 =	vand.u32 $0x400, v16  }
0x24c: {  	v12 =	vor.u32 v8, v12;
	v13 =	vld.idx.msk [tilespmem:v13+s17+$0x0], $0xffff;
	v16 =	vor.u32 v15, v14  }
0x24d: {  	v14 =	vor.u32 v1, v16;
	_ =	sdelay $0x3  }
0x24e: {  	[tilespmem:v12+s21+$0x0] =	vst.idx.msk $0xffff, v13;
	v12 =	vshll.u32 v17, $0x6  }
0x24f: {  	v13 =	vld.idx.msk [tilespmem:v14+s17+$0x0], $0xffff;
	v14 =	vor.u32 v0, v12  }
0x250: {  	v15 =	vor.u32 v4, v16;
	_ =	sdelay $0x3  }
0x251: {  	[tilespmem:v14+s21+$0x0] =	vst.idx.msk $0xffff, v13  }
0x252: {  	v14 =	vor.u32 v9, v12;
	v13 =	vld.idx.msk [tilespmem:v15+s17+$0x0], $0xffff  }
0x253: {  	v15 =	vor.u32 v5, v16;
	_ =	sdelay $0x3  }
0x254: {  	[tilespmem:v14+s21+$0x0] =	vst.idx.msk $0xffff, v13  }
0x255: {  	v14 =	vld.idx.msk [tilespmem:v15+s17+$0x0], $0xffff;
	v15 =	vor.u32 v10, v12  }
0x256: {  	v13 =	vor.u32 v7, v16;
	_ =	sdelay $0x1  }
0x257: {  	s29 =	simm.s32 $0xF;
	s31 =	simm.s32 $0x8;
	s30 =	simm.s32 $0x17  }
.LBB2_8:
0x258: {  	p1 =	sne.s32 s30, $0xFF;
	v16 =	vmov s31  }
0x259: {  	v17 =	vxor.u32 s31, v0;
	v16 =	vshll.u32 v16, $0x3;
	[tilespmem:v15+s21+$0x0] =	vst.idx.msk $0xffff, v14  }
0x25a: {  	v14 =	vand.u32 $0x7F, v17;
	v15 =	vand.u32 $0x400, v16;
	v13 =	vld.idx.msk [tilespmem:v13+s17+$0x0], $0xffff  }
0x25b: {  	v12 =	vor.u32 v11, v12;
	v14 =	vor.u32 v15, v14  }
0x25c: {  	v15 =	vor.u32 v1, v14;
	_ =	sdelay $0x3  }
0x25d: {  	v16 =	vshll.u32 v17, $0x6;
	[tilespmem:v12+s21+$0x0] =	vst.idx.msk $0xffff, v13  }
0x25e: {  	v13 =	vand.u32 $0x3F80, v16;
	v12 =	vld.idx.msk [tilespmem:v15+s17+$0x0], $0xffff  }
0x25f: {  	v15 =	vor.u32 v2, v13  }
0x260: {  	v16 =	vor.u32 v4, v14;
	_ =	sdelay $0x3  }
0x261: {  	[tilespmem:v15+s21+$0x0] =	vst.idx.msk $0xffff, v12  }
0x262: {  	v12 =	vld.idx.msk [tilespmem:v16+s17+$0x0], $0xffff  }
0x263: {  	v15 =	vor.u32 v3, v13  }
0x264: {  	v16 =	vor.u32 v5, v14;
	_ =	sdelay $0x3  }
0x265: {  	[tilespmem:v15+s21+$0x0] =	vst.idx.msk $0xffff, v12  }
0x266: {  	v12 =	vld.idx.msk [tilespmem:v16+s17+$0x0], $0xffff  }
0x267: {  	v15 =	vor.u32 v6, v13  }
0x268: {  	v14 =	vor.u32 v7, v14;
	_ =	sdelay $0x1  }
0x269: {  	s4 =	sadd.s32 $0xFFFFFFFA, s29  }
0x26a: {  	v16 =	vmov s4  }
0x26b: {  	[tilespmem:v15+s21+$0x0] =	vst.idx.msk $0xffff, v12;
	v12 =	vxor.u32 s4, v0;
	v15 =	vshll.u32 v16, $0x3  }
0x26c: {  	v14 =	vld.idx.msk [tilespmem:v14+s17+$0x0], $0xffff;
	v16 =	vand.u32 $0x7F, v12;
	v15 =	vand.u32 $0x400, v15  }
0x26d: {  	v13 =	vor.u32 v8, v13;
	v15 =	vor.u32 v15, v16  }
0x26e: {  	v16 =	vor.u32 v1, v15;
	_ =	sdelay $0x3  }
0x26f: {  	[tilespmem:v13+s21+$0x0] =	vst.idx.msk $0xffff, v14  }
0x270: {  	v12 =	vshll.u32 v12, $0x6;
	v13 =	vld.idx.msk [tilespmem:v16+s17+$0x0], $0xffff  }
0x271: {  	v14 =	vor.u32 v0, v12  }
0x272: {  	v16 =	vor.u32 v4, v15;
	_ =	sdelay $0x3  }
0x273: {  	[tilespmem:v14+s21+$0x0] =	vst.idx.msk $0xffff, v13  }
0x274: {  	v13 =	vld.idx.msk [tilespmem:v16+s17+$0x0], $0xffff  }
0x275: {  	v14 =	vor.u32 v9, v12  }
0x276: {  	v16 =	vor.u32 v5, v15;
	_ =	sdelay $0x3  }
0x277: {  	[tilespmem:v14+s21+$0x0] =	vst.idx.msk $0xffff, v13  }
0x278: {  	v13 =	vld.idx.msk [tilespmem:v16+s17+$0x0], $0xffff  }
0x279: {  	v14 =	vor.u32 v10, v12  }
0x27a: {  	v15 =	vor.u32 v7, v15;
	_ =	sdelay $0x1  }
0x27b: {  	s4 =	sadd.s32 $0xFFFFFFFB, s29  }
0x27c: {  	v16 =	vmov s4  }
0x27d: {  	[tilespmem:v14+s21+$0x0] =	vst.idx.msk $0xffff, v13;
	v13 =	vxor.u32 s4, v0;
	v14 =	vshll.u32 v16, $0x3  }
0x27e: {  	v15 =	vld.idx.msk [tilespmem:v15+s17+$0x0], $0xffff;
	v16 =	vand.u32 $0x7F, v13;
	v14 =	vand.u32 $0x400, v14  }
0x27f: {  	v12 =	vor.u32 v11, v12;
	v14 =	vor.u32 v14, v16  }
0x280: {  	v16 =	vor.u32 v1, v14;
	_ =	sdelay $0x3  }
0x281: {  	[tilespmem:v12+s21+$0x0] =	vst.idx.msk $0xffff, v15;
	v12 =	vshll.u32 v13, $0x6  }
0x282: {  	v13 =	vld.idx.msk [tilespmem:v16+s17+$0x0], $0xffff;
	v12 =	vand.u32 $0x7FFFFF80, v12  }
0x283: {  	v15 =	vor.u32 v2, v12  }
0x284: {  	v16 =	vor.u32 v4, v14;
	_ =	sdelay $0x3  }
0x285: {  	[tilespmem:v15+s21+$0x0] =	vst.idx.msk $0xffff, v13  }
0x286: {  	v13 =	vld.idx.msk [tilespmem:v16+s17+$0x0], $0xffff  }
0x287: {  	v15 =	vor.u32 v3, v12  }
0x288: {  	v16 =	vor.u32 v5, v14;
	_ =	sdelay $0x3  }
0x289: {  	[tilespmem:v15+s21+$0x0] =	vst.idx.msk $0xffff, v13  }
0x28a: {  	v13 =	vld.idx.msk [tilespmem:v16+s17+$0x0], $0xffff  }
0x28b: {  	v15 =	vor.u32 v6, v12  }
0x28c: {  	v14 =	vor.u32 v7, v14;
	_ =	sdelay $0x1  }
0x28d: {  	s4 =	sadd.s32 $0xFFFFFFFC, s29  }
0x28e: {  	v16 =	vmov s4  }
0x28f: {  	[tilespmem:v15+s21+$0x0] =	vst.idx.msk $0xffff, v13;
	v13 =	vxor.u32 s4, v0;
	v15 =	vshll.u32 v16, $0x3  }
0x290: {  	v14 =	vld.idx.msk [tilespmem:v14+s17+$0x0], $0xffff;
	v16 =	vand.u32 $0x7F, v13;
	v15 =	vand.u32 $0x400, v15  }
0x291: {  	v12 =	vor.u32 v8, v12;
	v15 =	vor.u32 v15, v16  }
0x292: {  	v16 =	vor.u32 v1, v15;
	_ =	sdelay $0x3  }
0x293: {  	[tilespmem:v12+s21+$0x0] =	vst.idx.msk $0xffff, v14  }
0x294: {  	v12 =	vshll.u32 v13, $0x6;
	v13 =	vld.idx.msk [tilespmem:v16+s17+$0x0], $0xffff  }
0x295: {  	v14 =	vor.u32 v0, v12  }
0x296: {  	v16 =	vor.u32 v4, v15;
	_ =	sdelay $0x3  }
0x297: {  	[tilespmem:v14+s21+$0x0] =	vst.idx.msk $0xffff, v13  }
0x298: {  	v13 =	vld.idx.msk [tilespmem:v16+s17+$0x0], $0xffff  }
0x299: {  	v14 =	vor.u32 v9, v12  }
0x29a: {  	v16 =	vor.u32 v5, v15;
	_ =	sdelay $0x3  }
0x29b: {  	[tilespmem:v14+s21+$0x0] =	vst.idx.msk $0xffff, v13  }
0x29c: {  	v13 =	vld.idx.msk [tilespmem:v16+s17+$0x0], $0xffff  }
0x29d: {  	v14 =	vor.u32 v10, v12  }
0x29e: {  	v15 =	vor.u32 v7, v15;
	_ =	sdelay $0x1  }
0x29f: {  	s4 =	sadd.s32 $0xFFFFFFFD, s29  }
0x2a0: {  	v16 =	vmov s4  }
0x2a1: {  	[tilespmem:v14+s21+$0x0] =	vst.idx.msk $0xffff, v13;
	v13 =	vxor.u32 s4, v0;
	v14 =	vshll.u32 v16, $0x3  }
0x2a2: {  	v15 =	vld.idx.msk [tilespmem:v15+s17+$0x0], $0xffff;
	v16 =	vand.u32 $0x7F, v13;
	v14 =	vand.u32 $0x400, v14  }
0x2a3: {  	v12 =	vor.u32 v11, v12;
	v14 =	vor.u32 v14, v16  }
0x2a4: {  	v16 =	vor.u32 v1, v14;
	_ =	sdelay $0x3  }
0x2a5: {  	[tilespmem:v12+s21+$0x0] =	vst.idx.msk $0xffff, v15;
	v12 =	vshll.u32 v13, $0x6  }
0x2a6: {  	v13 =	vld.idx.msk [tilespmem:v16+s17+$0x0], $0xffff;
	v12 =	vand.u32 $0x7FFFFF80, v12  }
0x2a7: {  	v15 =	vor.u32 v2, v12  }
0x2a8: {  	v16 =	vor.u32 v4, v14;
	_ =	sdelay $0x3  }
0x2a9: {  	[tilespmem:v15+s21+$0x0] =	vst.idx.msk $0xffff, v13  }
0x2aa: {  	v13 =	vld.idx.msk [tilespmem:v16+s17+$0x0], $0xffff  }
0x2ab: {  	v15 =	vor.u32 v3, v12  }
0x2ac: {  	v16 =	vor.u32 v5, v14;
	_ =	sdelay $0x3  }
0x2ad: {  	[tilespmem:v15+s21+$0x0] =	vst.idx.msk $0xffff, v13  }
0x2ae: {  	v13 =	vld.idx.msk [tilespmem:v16+s17+$0x0], $0xffff  }
0x2af: {  	v15 =	vor.u32 v6, v12  }
0x2b0: {  	v14 =	vor.u32 v7, v14;
	_ =	sdelay $0x1  }
0x2b1: {  	s4 =	sadd.s32 $0xFFFFFFFE, s29  }
0x2b2: {  	v16 =	vmov s4  }
0x2b3: {  	[tilespmem:v15+s21+$0x0] =	vst.idx.msk $0xffff, v13;
	v13 =	vxor.u32 s4, v0;
	v15 =	vshll.u32 v16, $0x3  }
0x2b4: {  	v14 =	vld.idx.msk [tilespmem:v14+s17+$0x0], $0xffff;
	v16 =	vand.u32 $0x7F, v13;
	v15 =	vand.u32 $0x400, v15  }
0x2b5: {  	v12 =	vor.u32 v8, v12;
	v15 =	vor.u32 v15, v16  }
0x2b6: {  	v16 =	vor.u32 v1, v15;
	_ =	sdelay $0x3  }
0x2b7: {  	[tilespmem:v12+s21+$0x0] =	vst.idx.msk $0xffff, v14  }
0x2b8: {  	v12 =	vshll.u32 v13, $0x6;
	v13 =	vld.idx.msk [tilespmem:v16+s17+$0x0], $0xffff  }
0x2b9: {  	v14 =	vor.u32 v0, v12  }
0x2ba: {  	v16 =	vor.u32 v4, v15;
	_ =	sdelay $0x3  }
0x2bb: {  	[tilespmem:v14+s21+$0x0] =	vst.idx.msk $0xffff, v13  }
0x2bc: {  	v13 =	vld.idx.msk [tilespmem:v16+s17+$0x0], $0xffff  }
0x2bd: {  	v14 =	vor.u32 v9, v12  }
0x2be: {  	v16 =	vor.u32 v5, v15;
	_ =	sdelay $0x3  }
0x2bf: {  	[tilespmem:v14+s21+$0x0] =	vst.idx.msk $0xffff, v13  }
0x2c0: {  	v13 =	vld.idx.msk [tilespmem:v16+s17+$0x0], $0xffff  }
0x2c1: {  	v14 =	vor.u32 v10, v12  }
0x2c2: {  	v15 =	vor.u32 v7, v15;
	_ =	sdelay $0x1  }
0x2c3: {  	s4 =	sadd.s32 $0xFFFFFFFF, s29  }
0x2c4: {  	v16 =	vmov s4  }
0x2c5: {  	[tilespmem:v14+s21+$0x0] =	vst.idx.msk $0xffff, v13;
	v13 =	vxor.u32 s4, v0;
	v14 =	vshll.u32 v16, $0x3  }
0x2c6: {  	v15 =	vld.idx.msk [tilespmem:v15+s17+$0x0], $0xffff;
	v16 =	vand.u32 $0x7F, v13;
	v14 =	vand.u32 $0x400, v14  }
0x2c7: {  	v12 =	vor.u32 v11, v12;
	v14 =	vor.u32 v14, v16  }
0x2c8: {  	v16 =	vor.u32 v1, v14;
	_ =	sdelay $0x3  }
0x2c9: {  	[tilespmem:v12+s21+$0x0] =	vst.idx.msk $0xffff, v15;
	v12 =	vshll.u32 v13, $0x6  }
0x2ca: {  	v13 =	vld.idx.msk [tilespmem:v16+s17+$0x0], $0xffff;
	v12 =	vand.u32 $0x7FFFFF80, v12  }
0x2cb: {  	v15 =	vor.u32 v2, v12  }
0x2cc: {  	v16 =	vor.u32 v4, v14;
	_ =	sdelay $0x3  }
0x2cd: {  	[tilespmem:v15+s21+$0x0] =	vst.idx.msk $0xffff, v13  }
0x2ce: {  	v13 =	vld.idx.msk [tilespmem:v16+s17+$0x0], $0xffff  }
0x2cf: {  	v15 =	vor.u32 v3, v12  }
0x2d0: {  	v16 =	vor.u32 v5, v14;
	_ =	sdelay $0x3  }
0x2d1: {  	[tilespmem:v15+s21+$0x0] =	vst.idx.msk $0xffff, v13  }
0x2d2: {  	v13 =	vld.idx.msk [tilespmem:v16+s17+$0x0], $0xffff  }
0x2d3: {  	v15 =	vor.u32 v6, v12  }
0x2d4: {  	v14 =	vor.u32 v7, v14;
	_ =	sdelay $0x2  }
0x2d5: {  	v16 =	vmov s29  }
0x2d6: {  	[tilespmem:v15+s21+$0x0] =	vst.idx.msk $0xffff, v13;
	v13 =	vxor.u32 s29, v0;
	v15 =	vshll.u32 v16, $0x3;
	s29 =	smov.u32 s30  }
0x2d7: {  	v14 =	vld.idx.msk [tilespmem:v14+s17+$0x0], $0xffff;
	v16 =	vand.u32 $0x7F, v13;
	v15 =	vand.u32 $0x400, v15  }
0x2d8: {  	v12 =	vor.u32 v8, v12;
	v16 =	vor.u32 v15, v16  }
0x2d9: {  	v15 =	vor.u32 v1, v16;
	_ =	sdelay $0x3  }
0x2da: {  	[tilespmem:v12+s21+$0x0] =	vst.idx.msk $0xffff, v14  }
0x2db: {  	v12 =	vshll.u32 v13, $0x6;
	v13 =	vld.idx.msk [tilespmem:v15+s17+$0x0], $0xffff  }
0x2dc: {  	v14 =	vor.u32 v0, v12  }
0x2dd: {  	v15 =	vor.u32 v4, v16;
	_ =	sdelay $0x3  }
0x2de: {  	[tilespmem:v14+s21+$0x0] =	vst.idx.msk $0xffff, v13  }
0x2df: {  	v13 =	vld.idx.msk [tilespmem:v15+s17+$0x0], $0xffff  }
0x2e0: {  	v14 =	vor.u32 v9, v12  }
0x2e1: {  	v15 =	vor.u32 v5, v16;
	_ =	sdelay $0x3  }
0x2e2: {  	[tilespmem:v14+s21+$0x0] =	vst.idx.msk $0xffff, v13  }
.Ltmp7:
0x2e3: {  	v14 =	vld.idx.msk [tilespmem:v15+s17+$0x0], $0xffff;
	(pc) =	sbr.rel @p1 .LBB2_8-.Ltmp7, $3  }
0x2e4: {  	v15 =	vor.u32 v10, v12  }
0x2e5: {  	v13 =	vor.u32 v7, v16;
	_ =	sdelay $0x1  }
0x2e6: {  	s30 =	sadd.s32 $0x8, s30;
	s31 =	sadd.s32 $0xFFFFFFF9, s29  }
0x2e7: {  	_ =	sdelay $0x1  }
0x2e8: {  	v16 =	vmov s31  }
0x2e9: {  	v17 =	vxor.u32 s31, v0;
	v16 =	vshll.u32 v16, $0x3  }
0x2ea: {  	[tilespmem:v15+s21+$0x0] =	vst.idx.msk $0xffff, v14;
	v26 =	vand.u32 $0x7F, v17;
	v27 =	vand.u32 $0x400, v16  }
0x2eb: {  	v12 =	vor.u32 v11, v12;
	v13 =	vld.idx.msk [tilespmem:v13+s17+$0x0], $0xffff;
	v14 =	vor.u32 v27, v26  }
0x2ec: {  	v15 =	vor.u32 v1, v14;
	_ =	sdelay $0x2  }
0x2ed: {  	v28 =	vshll.u32 v17, $0x6  }
0x2ee: {  	v29 =	vand.u32 $0x3F80, v28;
	[tilespmem:v12+s21+$0x0] =	vst.idx.msk $0xffff, v13  }
0x2ef: {  	v30 =	vor.u32 v2, v29;
	v13 =	vld.idx.msk [tilespmem:v15+s17+$0x0], $0xffff  }
0x2f0: {  	v31 =	vor.u32 v4, v14;
	_ =	sdelay $0x3  }
0x2f1: {  	[tilespmem:v30+s21+$0x0] =	vst.idx.msk $0xffff, v13  }
0x2f2: {  	v32 =	vor.u32 v3, v29;
	v13 =	vld.idx.msk [tilespmem:v31+s17+$0x0], $0xffff  }
0x2f3: {  	v33 =	vor.u32 v5, v14;
	_ =	sdelay $0x3  }
0x2f4: {  	[tilespmem:v32+s21+$0x0] =	vst.idx.msk $0xffff, v13  }
0x2f5: {  	v34 =	vor.u32 v6, v29;
	v13 =	vld.idx.msk [tilespmem:v33+s17+$0x0], $0xffff  }
0x2f6: {  	v14 =	vor.u32 v7, v14  }
0x2f7: {  	s4 =	sadd.s32 $0xFFFFFFFA, s29  }
0x2f8: {  	v35 =	vmov s4  }
0x2f9: {  	v36 =	vxor.u32 s4, v0;
	v16 =	vshll.u32 v35, $0x3  }
0x2fa: {  	v37 =	vand.u32 $0x7F, v36;
	v38 =	vand.u32 $0x400, v16;
	[tilespmem:v34+s21+$0x0] =	vst.idx.msk $0xffff, v13  }
0x2fb: {  	v12 =	vor.u32 v8, v29;
	v13 =	vor.u32 v38, v37;
	v14 =	vld.idx.msk [tilespmem:v14+s17+$0x0], $0xffff  }
0x2fc: {  	v15 =	vor.u32 v1, v13;
	_ =	sdelay $0x3  }
0x2fd: {  	v39 =	vshll.u32 v36, $0x6;
	[tilespmem:v12+s21+$0x0] =	vst.idx.msk $0xffff, v14  }
0x2fe: {  	v40 =	vor.u32 v0, v39;
	v14 =	vld.idx.msk [tilespmem:v15+s17+$0x0], $0xffff  }
0x2ff: {  	v41 =	vor.u32 v4, v13;
	_ =	sdelay $0x3  }
0x300: {  	[tilespmem:v40+s21+$0x0] =	vst.idx.msk $0xffff, v14  }
0x301: {  	v42 =	vor.u32 v9, v39;
	v14 =	vld.idx.msk [tilespmem:v41+s17+$0x0], $0xffff  }
0x302: {  	v43 =	vor.u32 v5, v13;
	_ =	sdelay $0x3  }
0x303: {  	[tilespmem:v42+s21+$0x0] =	vst.idx.msk $0xffff, v14  }
0x304: {  	v44 =	vor.u32 v10, v39;
	v14 =	vld.idx.msk [tilespmem:v43+s17+$0x0], $0xffff  }
0x305: {  	v13 =	vor.u32 v7, v13  }
0x306: {  	s30 =	sadd.s32 $0xFFFFFFFB, s29  }
0x307: {  	v45 =	vmov s30  }
0x308: {  	v46 =	vxor.u32 s30, v0;
	v16 =	vshll.u32 v45, $0x3  }
0x309: {  	v47 =	vand.u32 $0x7F, v46;
	v48 =	vand.u32 $0x400, v16;
	[tilespmem:v44+s21+$0x0] =	vst.idx.msk $0xffff, v14  }
0x30a: {  	v12 =	vor.u32 v11, v39;
	v14 =	vor.u32 v48, v47;
	v13 =	vld.idx.msk [tilespmem:v13+s17+$0x0], $0xffff  }
0x30b: {  	v15 =	vor.u32 v1, v14;
	_ =	sdelay $0x2  }
0x30c: {  	v49 =	vshll.u32 v46, $0x6  }
0x30d: {  	v50 =	vand.u32 $0x7FFFFF80, v49;
	[tilespmem:v12+s21+$0x0] =	vst.idx.msk $0xffff, v13  }
0x30e: {  	v51 =	vor.u32 v2, v50;
	v13 =	vld.idx.msk [tilespmem:v15+s17+$0x0], $0xffff  }
0x30f: {  	v52 =	vor.u32 v4, v14;
	_ =	sdelay $0x3  }
0x310: {  	[tilespmem:v51+s21+$0x0] =	vst.idx.msk $0xffff, v13  }
0x311: {  	v53 =	vor.u32 v3, v50;
	v13 =	vld.idx.msk [tilespmem:v52+s17+$0x0], $0xffff  }
0x312: {  	v54 =	vor.u32 v5, v14;
	_ =	sdelay $0x3  }
0x313: {  	[tilespmem:v53+s21+$0x0] =	vst.idx.msk $0xffff, v13  }
0x314: {  	v55 =	vor.u32 v6, v50;
	v13 =	vld.idx.msk [tilespmem:v54+s17+$0x0], $0xffff  }
0x315: {  	v14 =	vor.u32 v7, v14  }
0x316: {  	s31 =	sadd.s32 $0xFFFFFFFC, s29  }
0x317: {  	v56 =	vmov s31  }
0x318: {  	v57 =	vxor.u32 s31, v0;
	v16 =	vshll.u32 v56, $0x3  }
0x319: {  	v58 =	vand.u32 $0x7F, v57;
	v59 =	vand.u32 $0x400, v16;
	[tilespmem:v55+s21+$0x0] =	vst.idx.msk $0xffff, v13  }
0x31a: {  	v12 =	vor.u32 v8, v50;
	v13 =	vor.u32 v59, v58;
	v14 =	vld.idx.msk [tilespmem:v14+s17+$0x0], $0xffff  }
0x31b: {  	v15 =	vor.u32 v1, v13;
	_ =	sdelay $0x3  }
0x31c: {  	v60 =	vshll.u32 v57, $0x6;
	[tilespmem:v12+s21+$0x0] =	vst.idx.msk $0xffff, v14  }
0x31d: {  	v61 =	vor.u32 v0, v60;
	v14 =	vld.idx.msk [tilespmem:v15+s17+$0x0], $0xffff  }
0x31e: {  	v62 =	vor.u32 v4, v13;
	_ =	sdelay $0x3  }
0x31f: {  	[tilespmem:v61+s21+$0x0] =	vst.idx.msk $0xffff, v14  }
0x320: {  	v63 =	vor.u32 v9, v60;
	v14 =	vld.idx.msk [tilespmem:v62+s17+$0x0], $0xffff  }
0x321: {  	v20 =	vor.u32 v5, v13;
	_ =	sdelay $0x3  }
0x322: {  	[tilespmem:v63+s21+$0x0] =	vst.idx.msk $0xffff, v14  }
0x323: {  	v21 =	vor.u32 v10, v60;
	v14 =	vld.idx.msk [tilespmem:v20+s17+$0x0], $0xffff  }
0x324: {  	v13 =	vor.u32 v7, v13  }
0x325: {  	s30 =	sadd.s32 $0xFFFFFFFD, s29  }
0x326: {  	v22 =	vmov s30  }
0x327: {  	v23 =	vxor.u32 s30, v0;
	v16 =	vshll.u32 v22, $0x3  }
0x328: {  	v24 =	vand.u32 $0x7F, v23;
	v25 =	vand.u32 $0x400, v16;
	[tilespmem:v21+s21+$0x0] =	vst.idx.msk $0xffff, v14  }
0x329: {  	v12 =	vor.u32 v11, v60;
	v14 =	vor.u32 v25, v24;
	v13 =	vld.idx.msk [tilespmem:v13+s17+$0x0], $0xffff  }
0x32a: {  	v15 =	vor.u32 v1, v14;
	_ =	sdelay $0x2  }
0x32b: {  	v26 =	vshll.u32 v23, $0x6  }
0x32c: {  	v27 =	vand.u32 $0x7FFFFF80, v26;
	[tilespmem:v12+s21+$0x0] =	vst.idx.msk $0xffff, v13  }
0x32d: {  	v28 =	vor.u32 v2, v27;
	v13 =	vld.idx.msk [tilespmem:v15+s17+$0x0], $0xffff  }
0x32e: {  	v29 =	vor.u32 v4, v14;
	_ =	sdelay $0x3  }
0x32f: {  	[tilespmem:v28+s21+$0x0] =	vst.idx.msk $0xffff, v13  }
0x330: {  	v30 =	vor.u32 v3, v27;
	v13 =	vld.idx.msk [tilespmem:v29+s17+$0x0], $0xffff  }
0x331: {  	v31 =	vor.u32 v5, v14;
	_ =	sdelay $0x3  }
0x332: {  	[tilespmem:v30+s21+$0x0] =	vst.idx.msk $0xffff, v13  }
0x333: {  	v32 =	vor.u32 v6, v27;
	v13 =	vld.idx.msk [tilespmem:v31+s17+$0x0], $0xffff  }
0x334: {  	v14 =	vor.u32 v7, v14  }
0x335: {  	s31 =	sadd.s32 $0xFFFFFFFE, s29  }
0x336: {  	v33 =	vmov s31  }
0x337: {  	v16 =	vshll.u32 v33, $0x3;
	v34 =	vxor.u32 s31, v0  }
0x338: {  	v36 =	vand.u32 $0x400, v16;
	v35 =	vand.u32 $0x7F, v34;
	[tilespmem:v32+s21+$0x0] =	vst.idx.msk $0xffff, v13  }
0x339: {  	v12 =	vor.u32 v8, v27;
	v13 =	vor.u32 v36, v35;
	v14 =	vld.idx.msk [tilespmem:v14+s17+$0x0], $0xffff  }
0x33a: {  	v15 =	vor.u32 v1, v13;
	_ =	sdelay $0x3  }
0x33b: {  	v37 =	vshll.u32 v34, $0x6;
	[tilespmem:v12+s21+$0x0] =	vst.idx.msk $0xffff, v14  }
0x33c: {  	v38 =	vor.u32 v0, v37;
	v14 =	vld.idx.msk [tilespmem:v15+s17+$0x0], $0xffff  }
0x33d: {  	v39 =	vor.u32 v4, v13;
	_ =	sdelay $0x3  }
0x33e: {  	[tilespmem:v38+s21+$0x0] =	vst.idx.msk $0xffff, v14  }
0x33f: {  	v40 =	vor.u32 v9, v37;
	v14 =	vld.idx.msk [tilespmem:v39+s17+$0x0], $0xffff  }
0x340: {  	v41 =	vor.u32 v5, v13;
	_ =	sdelay $0x3  }
0x341: {  	[tilespmem:v40+s21+$0x0] =	vst.idx.msk $0xffff, v14  }
0x342: {  	v42 =	vor.u32 v10, v37;
	v14 =	vld.idx.msk [tilespmem:v41+s17+$0x0], $0xffff  }
0x343: {  	v13 =	vor.u32 v7, v13  }
0x344: {  	s30 =	sadd.s32 $0xFFFFFFFF, s29  }
0x345: {  	v43 =	vmov s30  }
0x346: {  	v16 =	vshll.u32 v43, $0x3;
	v44 =	vxor.u32 s30, v0  }
0x347: {  	v46 =	vand.u32 $0x400, v16;
	v45 =	vand.u32 $0x7F, v44;
	[tilespmem:v42+s21+$0x0] =	vst.idx.msk $0xffff, v14  }
0x348: {  	v12 =	vor.u32 v11, v37;
	v14 =	vor.u32 v46, v45;
	v13 =	vld.idx.msk [tilespmem:v13+s17+$0x0], $0xffff  }
0x349: {  	v15 =	vor.u32 v1, v14;
	_ =	sdelay $0x2  }
0x34a: {  	v47 =	vshll.u32 v44, $0x6  }
0x34b: {  	v48 =	vand.u32 $0x7FFFFF80, v47;
	[tilespmem:v12+s21+$0x0] =	vst.idx.msk $0xffff, v13  }
0x34c: {  	v49 =	vor.u32 v2, v48;
	v13 =	vld.idx.msk [tilespmem:v15+s17+$0x0], $0xffff  }
0x34d: {  	v50 =	vor.u32 v4, v14;
	_ =	sdelay $0x3  }
0x34e: {  	[tilespmem:v49+s21+$0x0] =	vst.idx.msk $0xffff, v13  }
0x34f: {  	v51 =	vor.u32 v3, v48;
	v13 =	vld.idx.msk [tilespmem:v50+s17+$0x0], $0xffff  }
0x350: {  	v52 =	vor.u32 v5, v14;
	_ =	sdelay $0x3  }
0x351: {  	[tilespmem:v51+s21+$0x0] =	vst.idx.msk $0xffff, v13  }
0x352: {  	v53 =	vor.u32 v6, v48;
	v13 =	vld.idx.msk [tilespmem:v52+s17+$0x0], $0xffff  }
0x353: {  	v14 =	vor.u32 v7, v14;
	_ =	sdelay $0x1  }
0x354: {  	v54 =	vmov s29  }
0x355: {  	v16 =	vshll.u32 v54, $0x3;
	v55 =	vxor.u32 s29, v0  }
0x356: {  	v57 =	vand.u32 $0x400, v16;
	v56 =	vand.u32 $0x7F, v55;
	[tilespmem:v53+s21+$0x0] =	vst.idx.msk $0xffff, v13  }
0x357: {  	v12 =	vor.u32 v8, v48;
	v13 =	vor.u32 v57, v56;
	v14 =	vld.idx.msk [tilespmem:v14+s17+$0x0], $0xffff  }
0x358: {  	v15 =	vor.u32 v1, v13;
	_ =	sdelay $0x3  }
0x359: {  	v58 =	vshll.u32 v55, $0x6;
	[tilespmem:v12+s21+$0x0] =	vst.idx.msk $0xffff, v14  }
0x35a: {  	v59 =	vor.u32 v0, v58;
	v14 =	vld.idx.msk [tilespmem:v15+s17+$0x0], $0xffff  }
0x35b: {  	v60 =	vor.u32 v4, v13;
	_ =	sdelay $0x3  }
0x35c: {  	[tilespmem:v59+s21+$0x0] =	vst.idx.msk $0xffff, v14  }
0x35d: {  	v61 =	vor.u32 v9, v58;
	v14 =	vld.idx.msk [tilespmem:v60+s17+$0x0], $0xffff  }
0x35e: {  	v62 =	vor.u32 v5, v13;
	_ =	sdelay $0x3  }
0x35f: {  	[tilespmem:v61+s21+$0x0] =	vst.idx.msk $0xffff, v14  }
0x360: {  	v63 =	vor.u32 v10, v58;
	v14 =	vld.idx.msk [tilespmem:v62+s17+$0x0], $0xffff  }
0x361: {  	v13 =	vor.u32 v7, v13;
	_ =	sdelay $0x3  }
0x362: {  	[tilespmem:v63+s21+$0x0] =	vst.idx.msk $0xffff, v14  }
0x363: {  	v12 =	vor.u32 v11, v58;
	v13 =	vld.idx.msk [tilespmem:v13+s17+$0x0], $0xffff;
	_ =	sdelay $0x3  }
0x364: {  	s31 =	sshll.u32 s28, $0xB  }
0x365: {  	s4 =	sadd.s32 s6, s31;
	[tilespmem:v12+s21+$0x0] =	vst.idx.msk $0xffff, v13  }
0x366: {  	[hbm4b:s4+s2] =	stream.linear.scatter [tilespmem:s21], [sflag:$0x4], $0x4000, $0x38;
	[tilespmem:$0x12000] =	vst v63  }
.Ltmp8:
0x367: {  	s4 =	sadd.s32 s10, s26;
	(pc) =	sbr.rel .LBB2_10-.Ltmp8, $4  }
0x368: {  	p1 =	sgt.u32 s4, $0xF41  }
0x369: {  	s4 =	sshll.u32 @!p1 s4, $0x8;
	s26 =	simm.s32 @!p1 $0x800  }
0x36a: {  	s28 =	simm.s32 @!p1 $0x7A1400;
	s29 =	simm.s32 @!p1 $0x4000;
	s4 =	sadd.s32 @!p1 s0, s4  }
0x36b: {  	[tilespmem:s29], [sflag:$0x2] =	stream.strided.gather @!p1 [hbm4b:s4+s26], $0x4000, s28, s26, $0x38;
	[tilespmem:$0x12000] =	vst v63  }
.LBB2_11:
0x36c: {  	_ =	swait.ge [sflag:s12], $0x4000  }
.Ltmp9:
0x36d: {  	[sflag:s12] =	ssyncset.done $0x0;
	(pc) =	sbr.rel @p0 .LBB2_15-.Ltmp9, $4  }
0x36e: {  	[sflag:s12] =	ssyncadd.s32 $0xFFFFC000  }
0x36f: {  	_ =	swait.ge [sflag:s14], $0x4000  }
0x370: {  	[sflag:s14] =	ssyncset.done $0x0  }
0x371: {  	[sflag:s14] =	ssyncadd.s32 $0xFFFFC000  }
0x372: {  	s4 =	simm.s32 $0x0  }
0x373: {  	[tilespmem:s22], [sflag:$0x5] =	stream.linear.gather [hbm4b:s1+s4], $0x2000, $0x38;
	[tilespmem:$0x12000] =	vst v63  }
0x374: {  	_ =	swait.ge [sflag:s23], $0x2000  }
0x375: {  	[sflag:s23] =	ssyncset.done $0x0  }
0x376: {  	s31 =	simm.s32 $0x0;
	[sflag:s23] =	ssyncadd.s32 $0xFFFFE000  }
0x377: {  	v12 =	vld [tilespmem:s31+$0x10000];
	_ =	sdelay $0x3  }
0x378: {  	s25 =	simm.s32 $0x8040  }
0x379: {  	[tilespmem:s25+$0xFFFFFFC0] =	vst v12  }
0x37a: {  	v12 =	vld [tilespmem:s31+$0x10010];
	_ =	sdelay $0x4  }
0x37b: {  	[tilespmem:s25+$0xFFFFFFD0] =	vst v12  }
0x37c: {  	v12 =	vld [tilespmem:s31+$0x10020];
	_ =	sdelay $0x4  }
0x37d: {  	[tilespmem:s25+$0xFFFFFFE0] =	vst v12  }
0x37e: {  	v12 =	vld [tilespmem:s31+$0x10030];
	_ =	sdelay $0x4  }
0x37f: {  	[tilespmem:s25+$0xFFFFFFF0] =	vst v12  }
0x380: {  	v12 =	vld [tilespmem:s31+$0x10080];
	_ =	sdelay $0x4  }
0x381: {  	[tilespmem:s25+$0x0] =	vst v12  }
0x382: {  	v12 =	vld [tilespmem:s31+$0x10090];
	_ =	sdelay $0x4  }
0x383: {  	[tilespmem:s25+$0x10] =	vst v12  }
0x384: {  	v12 =	vld [tilespmem:s31+$0x100A0];
	_ =	sdelay $0x4  }
0x385: {  	[tilespmem:s25+$0x20] =	vst v12  }
0x386: {  	v12 =	vld [tilespmem:s31+$0x100B0];
	_ =	sdelay $0x4  }
0x387: {  	s26 =	simm.s32 $0x100;
	s28 =	simm.s32 $0x800;
	[tilespmem:s25+$0x30] =	vst v12  }
.LBB2_13:
0x388: {  	p1 =	sne.s32 s28, $0x7C00;
	v12 =	vld [tilespmem:s26+$0x10000];
	_ =	sdelay $0x3  }
0x389: {  	s25 =	sadd.s32 $0x80, s25  }
0x38a: {  	[tilespmem:s25+$0xFFFFFFC0] =	vst v12  }
0x38b: {  	v12 =	vld [tilespmem:s26+$0x10010];
	_ =	sdelay $0x4  }
0x38c: {  	[tilespmem:s25+$0xFFFFFFD0] =	vst v12  }
0x38d: {  	v12 =	vld [tilespmem:s26+$0x10020];
	_ =	sdelay $0x4  }
0x38e: {  	[tilespmem:s25+$0xFFFFFFE0] =	vst v12  }
0x38f: {  	v12 =	vld [tilespmem:s26+$0x10030];
	_ =	sdelay $0x4  }
0x390: {  	[tilespmem:s25+$0xFFFFFFF0] =	vst v12  }
0x391: {  	v12 =	vld [tilespmem:s26+$0x10080];
	_ =	sdelay $0x4  }
0x392: {  	[tilespmem:s25+$0x0] =	vst v12  }
0x393: {  	v12 =	vld [tilespmem:s26+$0x10090];
	_ =	sdelay $0x4  }
0x394: {  	[tilespmem:s25+$0x10] =	vst v12  }
0x395: {  	v12 =	vld [tilespmem:s26+$0x100A0];
	_ =	sdelay $0x4  }
0x396: {  	[tilespmem:s25+$0x20] =	vst v12  }
0x397: {  	v12 =	vld [tilespmem:s26+$0x100B0]  }
.Ltmp10:
0x398: {  	(pc) =	sbr.rel @p1 .LBB2_13-.Ltmp10, $2  }
0x399: {  	_ =	sdelay $0x2  }
0x39a: {  	s26 =	sshra.s32 s28, $0x2;
	s28 =	sadd.s32 $0x400, s28;
	[tilespmem:s25+$0x30] =	vst v12  }
0x39b: {  	v12 =	vld [tilespmem:s26+$0x10000];
	_ =	sdelay $0x3  }
0x39c: {  	s4 =	sadd.s32 $0x80, s25  }
0x39d: {  	[tilespmem:s4+$0xFFFFFFC0] =	vst v12  }
0x39e: {  	v12 =	vld [tilespmem:s26+$0x10010];
	_ =	sdelay $0x4  }
0x39f: {  	[tilespmem:s4+$0xFFFFFFD0] =	vst v12  }
0x3a0: {  	v12 =	vld [tilespmem:s26+$0x10020];
	_ =	sdelay $0x4  }
0x3a1: {  	[tilespmem:s4+$0xFFFFFFE0] =	vst v12  }
0x3a2: {  	v12 =	vld [tilespmem:s26+$0x10030];
	_ =	sdelay $0x4  }
0x3a3: {  	[tilespmem:s4+$0xFFFFFFF0] =	vst v12  }
0x3a4: {  	v12 =	vld [tilespmem:s26+$0x10080];
	_ =	sdelay $0x4  }
0x3a5: {  	[tilespmem:s4+$0x0] =	vst v12  }
0x3a6: {  	v12 =	vld [tilespmem:s26+$0x10090];
	_ =	sdelay $0x4  }
0x3a7: {  	[tilespmem:s4+$0x10] =	vst v12  }
0x3a8: {  	v12 =	vld [tilespmem:s26+$0x100A0];
	_ =	sdelay $0x4  }
0x3a9: {  	[tilespmem:s4+$0x20] =	vst v12  }
0x3aa: {  	v12 =	vld [tilespmem:s26+$0x100B0];
	_ =	sdelay $0x4  }
.Ltmp11:
0x3ab: {  	[tilespmem:s4+$0x30] =	vst v12;
	(pc) =	sbr.rel .LBB2_15-.Ltmp11, $4  }
0x3ac: {  	[hbm4b:s11+s2] =	stream.linear.scatter [tilespmem:s19], [sflag:$0x5], $0x1000, $0x38;
	[tilespmem:$0x12000] =	vst v63  }
0x3ad: {  	_ =	swait.ge [sflag:s23], $0x1000  }
0x3ae: {  	[sflag:s23] =	ssyncset.done $0x0  }
0x3af: {  	[sflag:s23] =	ssyncadd.s32 $0xFFFFF000  }
.LBB2_16:
0x3b0: {  	_ =	sfence.sel $0x180000  }
0x3b1: {  	[bflag:$0x0] =	sbarrier.arrive $0xFFFF  }
0x3b2: {  	_ =	strace $0x90000047  }
0x3b3: {  	[bflag:$0x2] =	sbarrier.arrive $0xFFFF  }
0x3b4: {  	p0 =	sne.s32 s3, $0x0;
	s0 =	rddreg [dreg:$0x3]  }
0x3b5: {  	s0 =	sadd.s32 @!p0 $0x100000, s0  }
0x3b6: {  	[sflag:s0] =	ssyncadd.tile.s32 @!p0 $0x1;
	_ =	shalt  }
.Lfunc_end2:
_tile_overlayer_lowered:
.L_overlay_start_2:
0x3b7: {  	(tag) =	ssettag $0x2  }
0x3b8: {  	s0 =	rddreg [dreg:$0x0];
	s2 =	stileid.u32  }
0x3b9: {  	s1 =	rddreg [dreg:$0x1];
	p0 =	sne.s32 s2, $0x0  }
0x3ba: {  	s3 =	rddreg [dreg:$0x2];
	[bflag:$0x3] =	sbarrier.arrive $0xFFFF;
	s2 =	simm.s32 @!p0 $0x1C05  }
0x3bb: {  	[timem:s3], [sflag:s2] =	dma.local @!p0 [hbm:s0], s1  }
0x3bc: {  	s0 =	simm.s32 @!p0 $0x5  }
0x3bd: {  	_ =	swait.ge @!p0 [sflag:s0], s1  }
0x3be: {  	s1 =	ssub.s32 @!p0 $0x0, s1;
	[sflag:s0] =	ssyncset.done @!p0 $0x0  }
0x3bf: {  	[sflag:s0] =	ssyncadd.s32 @!p0 s1  }
0x3c0: {  	[bflag:$0x3] =	sbarrier.arrive $0xFFFF  }
0x3c1: {  	_ =	shalt  }

// kernel: kernel.8.cloned.1.call-start
scs
__scs_entry_jumppad:
0x0: {  	(pc) =	sbr.rel $0x88, $3  }
0x1: {  	(tag) =	ssettag $0x0;
	lr =	simm.s32 $0x1  }
0x2: {  	[smem:$0x3F9D] =	sst lr;
	_ =	strace $0xD0000000  }
0x3: {  	_ = 	snop  }
0x4: {  	_ = 	snop  }
0x5: {  	_ = 	snop  }
0x6: {  	_ = 	snop  }
0x7: {  	_ = 	snop  }
__scs_overlays_trampoline_lowered:
0x8: {  	[smem:$0x3FAC] =	sst s0  }
0x9: {  	[smem:$0x3FAD] =	sst s1  }
0xa: {  	[smem:$0x3FAE] =	sst s2  }
0xb: {  	[smem:$0x3FAF] =	sst s3  }
0xc: {  	[smem:$0x3FB0] =	sst s4  }
0xd: {  	[smem:$0x3FB1] =	sst s5  }
0xe: {  	[smem:$0x3FB2] =	sst s6  }
0xf: {  	[smem:$0x3FB3] =	sst s7  }
0x10: {  	[smem:$0x3FB4] =	sst s8  }
0x11: {  	[smem:$0x3FB5] =	sst s9;
	s0 =	simm.s32 @!p0 $0x0  }
0x12: {  	s1 =	sld [smem:$0x3F9B];
	s0 =	simm.s32 @p0 $0x1  }
0x13: {  	[smem:$0x3FB6] =	sst s0;
	s0 =	simm.s32 @!p1 $0x0  }
0x14: {  	s2 =	sld [smem:$0x3F9A];
	s0 =	simm.s32 @p1 $0x1  }
0x15: {  	[smem:$0x3FB7] =	sst s0;
	s0 =	simm.s32 @!p2 $0x0  }
0x16: {  	s3 =	sld [smem:$0x3FDB];
	s0 =	simm.s32 @p2 $0x1  }
0x17: {  	s4 =	simm.s32 $0x1BF5;
	[smem:$0x3FB9] =	sst s0  }
0x18: {  	s0 =	sld [smem:$0x3F9C];
	_ =	swait.ge [sflag:s4], $0x0  }
0x19: {  	s7 =	sld [smem:$0x3F9D]  }
0x1a: {  	s8 =	sadd.s32 $0xFFFFE003, lr  }
0x1b: {  	s9 =	sadd.s32 $0xFFFFFEF7, lr;
	s5 =	simm.s32 $0xFFFFFFFF;
	p2 =	slt.u32 s8, $0xFFFFF086  }
0x1c: {  	p1 =	slt.u32 s9, $0xF7A;
	s5 =	simm.s32 @!p2 $0x0  }
0x1d: {  	s5 =	simm.s32 @p1 $0x1;
	p0 =	seq.s32 s7, s2  }
0x1e: {  	s7 =	smul.u32 @!p0 $0xF7A, s2;
	p2 =	seq.s32 @!p0 s5, $0x0  }
0x1f: {  	s9 =	smul.u32 $0xF7A, s1;
	s8 =	simm.s32 @!p0 $0x1BF5;
	p2 =	por !p2, p0  }
0x20: {  	[sflag:s8] =	ssyncset.s32 @!p0 $0xFFFFF086;
	s6 =	sadd.s32 @!p0 s3, s7;
	s7 =	simm.s32 @!p0 $0x108  }
0x21: {  	s3 =	sadd.s32 s3, s9;
	s6 =	sadd.s32 @!p0 $0x88, s6;
	s7 =	simm.s32 @p2 $0x1082  }
0x22: {  	[simem:s7], [sflag:s8] =	dma.local @!p0 [hbm:s6], $0xF7A  }
0x23: {  	s9 =	sor.u32 $0xD0000000, s2;
	s6 =	simm.s32 $0x108;
	_ =	swait.ge @!p0 [sflag:s8], $0x0  }
0x24: {  	s3 =	sadd.s32 $0x88, s3;
	s6 =	simm.s32 @!p1 $0x1082;
	[sflag:s4] =	ssyncset.s32 $0xFFFFF086  }
0x25: {  	[simem:s6], [sflag:s4] =	dma.local [hbm:s3], $0xF7A  }
0x26: {  	[smem:$0x3F9D] =	sst s1;
	(tag) =	ssettag s2;
	_ =	strace s9  }
0x27: {  	s1 =	sld [smem:$0x3FAD]  }
0x28: {  	s2 =	sld [smem:$0x3FAE]  }
0x29: {  	s4 =	sld [smem:$0x3FB0]  }
0x2a: {  	p0 =	seq.s32 s5, $0x0;
	s5 =	sld [smem:$0x3FB1]  }
0x2b: {  	s6 =	sld [smem:$0x3FB2]  }
0x2c: {  	s7 =	sld [smem:$0x3FB3]  }
0x2d: {  	s3 =	simm.s32 $0x108;
	s8 =	sld [smem:$0x3FB4]  }
0x2e: {  	s3 =	simm.s32 @!p0 $0x1082;
	s9 =	sld [smem:$0x3FB5]  }
0x2f: {  	lr =	sadd.s32 s0, s3;
	s0 =	sld [smem:$0x3FAC]  }
0x30: {  	s3 =	sld [smem:$0x3FAF]  }
0x31: {  	[smem:$0x3FB8] =	sst s10  }
0x32: {  	s10 =	sld [smem:$0x3FB6];
	_ =	sdelay $0x3  }
0x33: {  	p0 =	seq.s32 s10, $0x1;
	s10 =	sld [smem:$0x3FB8];
	_ =	sdelay $0x3  }
0x34: {  	[smem:$0x3FB8] =	sst s10  }
0x35: {  	s10 =	sld [smem:$0x3FB7];
	_ =	sdelay $0x3  }
0x36: {  	p1 =	seq.s32 s10, $0x1;
	s10 =	sld [smem:$0x3FB8];
	_ =	sdelay $0x3  }
0x37: {  	[smem:$0x3FB8] =	sst s10  }
0x38: {  	s10 =	sld [smem:$0x3FB9]  }
0x39: {  	_ = 	snop;
	(pc) =	sbr.ind lr, $3  }
0x3a: {  	_ = 	snop  }
0x3b: {  	_ = 	snop  }
0x3c: {  	p2 =	seq.s32 s10, $0x1;
	s10 =	sld [smem:$0x3FB8]  }
0x3d: {  	_ =	shalt  }
0x3e: {  	_ =	shalt  }
0x3f: {  	_ =	shalt  }
0x40: {  	_ =	shalt  }
0x41: {  	_ =	shalt  }
0x42: {  	_ =	shalt  }
0x43: {  	_ =	shalt  }
0x44: {  	_ =	shalt  }
0x45: {  	_ =	shalt  }
0x46: {  	_ =	shalt  }
0x47: {  	_ =	shalt  }
0x48: {  	_ =	shalt  }
0x49: {  	_ =	shalt  }
0x4a: {  	_ =	shalt  }
0x4b: {  	_ =	shalt  }
0x4c: {  	_ =	shalt  }
0x4d: {  	_ =	shalt  }
0x4e: {  	_ =	shalt  }
0x4f: {  	_ =	shalt  }
0x50: {  	_ =	shalt  }
0x51: {  	_ =	shalt  }
0x52: {  	_ =	shalt  }
0x53: {  	_ =	shalt  }
0x54: {  	_ =	shalt  }
0x55: {  	_ =	shalt  }
0x56: {  	_ =	shalt  }
0x57: {  	_ =	shalt  }
0x58: {  	_ =	shalt  }
0x59: {  	_ =	shalt  }
0x5a: {  	_ =	shalt  }
0x5b: {  	_ =	shalt  }
0x5c: {  	_ =	shalt  }
0x5d: {  	_ =	shalt  }
0x5e: {  	_ =	shalt  }
0x5f: {  	_ =	shalt  }
0x60: {  	_ =	shalt  }
0x61: {  	_ =	shalt  }
0x62: {  	_ =	shalt  }
0x63: {  	_ =	shalt  }
0x64: {  	_ =	shalt  }
0x65: {  	_ =	shalt  }
0x66: {  	_ =	shalt  }
0x67: {  	_ =	shalt  }
0x68: {  	_ =	shalt  }
0x69: {  	_ =	shalt  }
0x6a: {  	_ =	shalt  }
0x6b: {  	_ =	shalt  }
0x6c: {  	_ =	shalt  }
0x6d: {  	_ =	shalt  }
0x6e: {  	_ =	shalt  }
0x6f: {  	_ =	shalt  }
0x70: {  	_ =	shalt  }
0x71: {  	_ =	shalt  }
0x72: {  	_ =	shalt  }
0x73: {  	_ =	shalt  }
0x74: {  	_ =	shalt  }
0x75: {  	_ =	shalt  }
0x76: {  	_ =	shalt  }
0x77: {  	_ =	shalt  }
0x78: {  	_ =	shalt  }
0x79: {  	_ =	shalt  }
0x7a: {  	_ =	shalt  }
0x7b: {  	_ =	shalt  }
0x7c: {  	_ =	shalt  }
0x7d: {  	_ =	shalt  }
0x7e: {  	_ =	shalt  }
0x7f: {  	_ =	shalt  }
0x80: {  	_ =	shalt  }
0x81: {  	_ =	shalt  }
0x82: {  	_ =	shalt  }
0x83: {  	_ =	shalt  }
0x84: {  	_ =	shalt  }
0x85: {  	_ =	shalt  }
0x86: {  	_ =	shalt  }
0x87: {  	_ =	shalt  }
.Lfunc_end0:
.L_simem_size_0:
called_computation.1_lowered:
.L_overlay_start_0:
0x88: {  	s2 =	sld [smem:$0x3FD9]  }
0x89: {  	s3 =	sld [smem:$0x3FFE];
	_ =	sdelay $0x1  }
0x8a: {  	s1 =	srdreg.scid  }
0x8b: {  	s0 =	sand.u32 $0x1, s1  }
0x8c: {  	s17 =	sshll.u32 s0, $0xA;
	s2 =	sadd.s32 s3, s2  }
0x8d: {  	s2 =	sadd.s32 s2, s17  }
0x8e: {  	[smem:$0x3FC4] =	sst s2  }
0x8f: {  	_ = 	snop  }
0x90: {  	s2 =	sld [smem:$0x3FC9];
	(tm) =	ssettm $0x1  }
0x91: {  	s18 =	sld [smem:$0x3FFB];
	_ =	sdelay $0x3  }
0x92: {  	_ =	strace s18  }
0x93: {  	s3 =	sld [smem:$0x3FFC];
	_ =	sdelay $0x3  }
0x94: {  	_ =	strace s3  }
0x95: {  	s3 =	sld [smem:$0x3FFD];
	_ =	sdelay $0x3  }
0x96: {  	_ =	strace s3  }
0x97: {  	_ =	strace $0x8FFFFFFF  }
0x98: {  	s19 =	sld [smem:$0x3FDB];
	_ =	sdelay $0x1  }
0x99: {  	s4 =	simm.s32 $_scs_section_size  }
0x9a: {  	s5 =	simm.s32 $_size__tile_overlayer_lowered;
	s6 =	simm.s32 $_tile_overlayer_lowered  }
0x9b: {  	s22 =	simm.s32 $0x1BFF;
	s21 =	sshll.u32 s6, $0x1;
	s3 =	sadd.s32 s4, s19  }
0x9c: {  	s7 =	simm.s32 $0x0;
	s20 =	sshll.u32 s5, $0x1;
	s5 =	sadd.s32 s21, s3  }
0x9d: {  	[timem:s7], [sflag:s22] =	dma.local [hbm:s5], s20  }
0x9e: {  	_ =	swait.ge [sflag:s22], s20  }
0x9f: {  	s4 =	ssub.s32 $0x0, s20;
	[sflag:s22] =	ssyncset.done $0x0  }
0xa0: {  	[sflag:s22] =	ssyncadd.s32 s4;
	_ =	sdelay $0x1  }
0xa1: {  	s23 =	simm.s32 $0x1B8B  }
0xa2: {  	_ =	swait.ge [sflag:s23], $0x1  }
0xa3: {  	[sflag:s23] =	ssyncset.done $0x0  }
0xa4: {  	s25 =	simm.s32 $0x1B8E;
	s24 =	sld [smem:$0x3FFE];
	[sflag:s23] =	ssyncadd.s32 $0xFFFFFFFF  }
0xa5: {  	s26 =	simm.s32 $execute0_lowered;
	[smem:$0x3FD2] =	sst s25  }
0xa6: {  	s5 =	sshll.u32 s26, $0x1;
	_ =	strace $0x80000049;
	[dreg:$0x1] =	wrdreg $0xFFFFFFFF  }
0xa7: {  	s28 =	simm.s32 $_size_execute0_lowered;
	s3 =	sadd.s32 s3, s5;
	[dreg:$0x0] =	wrdreg $0x0  }
0xa8: {  	s5 =	sshll.u32 s28, $0x1;
	[dreg:$0x2] =	wrdreg s3  }
0xa9: {  	[dreg:$0x3] =	wrdreg s5  }
0xaa: {  	[dreg:$0x4] =	wrdreg $0xC0  }
0xab: {  	_ =	task [dreg:s7], $0x5FFFF  }
0xac: {  	[dreg:$0x1] =	wrdreg $0xFFFFFFFF  }
0xad: {  	[dreg:$0x0] =	wrdreg $0x60  }
0xae: {  	[dreg:$0x2] =	wrdreg s2  }
0xaf: {  	[dreg:$0x3] =	wrdreg s24  }
0xb0: {  	[dreg:$0x4] =	wrdreg $0x9  }
0xb1: {  	_ =	task.clear_ibuf [dreg:s7], $0x5FFFF;
	_ =	strace $0x90000049  }
0xb2: {  	s29 =	simm.s32 $0x9;
	_ =	strace $0x8000004B  }
0xb3: {  	_ =	swait.ge [sflag:s29], $0x1  }
0xb4: {  	[sflag:s29] =	ssyncadd.s32 $0xFFFFFFFF  }
0xb5: {  	_ =	strace $0x9000004B  }
0xb6: {  	_ =	sfence  }
0xb7: {  	s30 =	sld [smem:$0x0];
	_ =	sdelay $0x2  }
0xb8: {  	s31 =	sshll.u32 s1, $0xD;
	s1 =	sshrl.u32 s1, $0x2  }
0xb9: {  	s3 =	sand.u32 $0x4000, s31;
	s1 =	sadd.s32 s1, s30  }
0xba: {  	s0 =	sor.u32 s3, s0;
	s1 =	sshll.u32 s1, $0x11  }
0xbb: {  	s0 =	sor.u32 s1, s0  }
0xbc: {  	s0 =	sadd.s32 $0x8F2B, s0  }
0xbd: {  	[sflag:s0] =	ssyncadd.remote.s32 $0x1  }
0xbe: {  	_ =	sfence.sel $0xFFFF  }
0xbf: {  	[dreg:$0x0] =	wrdreg $0xFFFFFFFF;
	(pc) =	sbr.abs _section_cstart, $3  }
0xc0: {  	[dreg:$0x1] =	wrdreg $0xFFFFFFFF  }
0xc1: {  	_ =	task.clear_ibuf [dreg:s7], $0x2FFFF;
	_ =	strace $0x9FFFFFFF  }
0xc2: {  	(tm) =	ssettm $0x7FFFFFFF  }
0xc3: {  	_ =	shalt  }
tec
execute0_lowered:
.L_overlay_start_1:
0x0: {  	(tag) =	ssettag $0x1  }
0x1: {  	s4 =	rddreg [dreg:$0x0]  }
0x2: {  	s5 =	rddreg [dreg:$0x1]  }
0x3: {  	s2 =	srdreg.scid;
	s0 =	stileid.u32;
	s10 =	simm.s32 $0x6400  }
0x4: {  	s11 =	simm.s32 $0x60;
	s13 =	simm.s32 $0x68;
	s14 =	simm.s32 $0x6460  }
0x5: {  	s15 =	simm.s32 $0xF880;
	s16 =	simm.s32 $0x64C8;
	s17 =	simm.s32 $0x12C80  }
0x6: {  	s18 =	simm.s32 $0x6528;
	s19 =	simm.s32 $0x15C80;
	s20 =	simm.s32 $0x1  }
0x7: {  	s21 =	simm.s32 $0xC800;
	s22 =	simm.s32 $0x2;
	s23 =	simm.s32 $0x19080  }
0x8: {  	v0 =	vlaneseq.u32;
	s24 =	simm.s32 $0x0;
	s3 =	sand.u32 $0x1, s2;
	s2 =	simm.s32 $0x0  }
0x9: {  	s6 =	sshll.u32 s0, $0x8;
	v0 =	vmul.u32 $0xC8, v0;
	s7 =	sshll.u32 s3, $0x7;
	[smem:$0x7FF] =	sst s2  }
0xa: {  	s31 =	ssub.s32 $0x2, s3;
	s3 =	sadd.s32 $0xE00, s5;
	s6 =	sor.u32 s7, s6  }
0xb: {  	_ =	strace $0x8000004A;
	s9 =	sshrl.u32 s31, $0x1;
	v1 =	vadd.s32 $0xC80, v0;
	[tilespmem:$0x1FFD0] =	vst v0;
	s8 =	sshll.u32 s6, $0x4  }
0xc: {  	v2 =	vadd.s32 $0x1900, v0;
	v3 =	vadd.s32 $0x2580, v0;
	v4 =	vadd.s32 $0x3200, v0;
	s7 =	ssub.s32 s31, s9;
	s4 =	sadd.s32 s4, s6;
	[tilespmem:$0x1FFE0] =	vst v1;
	s5 =	sadd.s32 s8, s5  }
0xd: {  	v5 =	vadd.s32 $0x3E80, v0;
	v6 =	vadd.s32 $0x4B00, v0;
	v7 =	vadd.s32 $0x5780, v0;
	s9 =	simm.s32 $0x3;
	[tilespmem:$0x1FFF0] =	vst v2;
	s6 =	smax.u32 s7, $0x1;
	s5 =	sadd.s32 $0x7A2000, s5  }
.LBB2_1:
0xe: {  	v8 =	vimm.s32 $0x0  }
0xf: {  	v9 =	vimm.s32 $0x0;
	v11 =	vimm.s32 $0x0;
	v12 =	vimm.s32 $0x0;
	s0 =	simm.s32 $0x400;
	s1 =	simm.s32 $0x8000  }
0x10: {  	v14 =	vimm.s32 $0x0;
	v15 =	vimm.s32 $0x0;
	v17 =	vimm.s32 $0x0;
	[tilespmem:s2], [sflag:$0x3] =	stream.strided.gather [hbm4b:s4+s0], $0x6400, s1, s0, $0x38;
	[tilespmem:$0x1D080] =	vst v63  }
0x11: {  	v19 =	vimm.s32 $0x0;
	v10 =	vimm.s32 $0x0;
	v13 =	vimm.s32 $0x0;
	_ =	swait.ge [sflag:s9], $0x6400  }
0x12: {  	v16 =	vimm.s32 $0x0;
	v18 =	vimm.s32 $0x0;
	v20 =	vimm.s32 $0x0;
	[sflag:s9] =	ssyncset.done $0x0  }
0x13: {  	s25 =	simm.s32 $0x0;
	v21 =	vimm.s32 $0x0;
	v22 =	vimm.s32 $0x0;
	v23 =	vimm.s32 $0x0;
	[sflag:s9] =	ssyncadd.s32 $0xFFFF9C00  }
.LBB2_2:
0x14: {  	s26 =	sshra.s32 s25, $0x2  }
0x15: {  	v24 =	vld [tilespmem:s26+$0x0];
	_ =	sdelay $0x4  }
0x16: {  	v25 =	vand.u32 $0x1, v24  }
0x17: {  	v26 =	vsub.s32 $0xC7, v19;
	vm0 =	veq.s32 v25, $0x0  }
0x18: {  	v26 =	vsel vm0, v23, v26  }
0x19: {  	v26 =	vadd.s32 v0, v26;
	_ =	sdelay $0x3  }
0x1a: {  	v24 =	vshrl.u32 v24, $0x1  }
0x1b: {  	[tilespmem:v26+s10+$0x0] =	vst.idx.msk $0xffff, v24  }
0x1c: {  	v24 =	vld [tilespmem:s26+$0x10];
	_ =	sdelay $0x4  }
0x1d: {  	v49 =	vand.u32 $0x1, v24  }
0x1e: {  	v27 =	vsub.s32 $0xC7, v17;
	vm9 =	veq.s32 v49, $0x0  }
0x1f: {  	v27 =	vsel vm9, v22, v27  }
0x20: {  	v27 =	vadd.s32 v1, v27;
	_ =	sdelay $0x3  }
0x21: {  	v24 =	vshrl.u32 v24, $0x1  }
0x22: {  	[tilespmem:v27+s10+$0x0] =	vst.idx.msk $0xffff, v24  }
0x23: {  	v24 =	vld [tilespmem:s26+$0x20];
	_ =	sdelay $0x4  }
0x24: {  	v50 =	vand.u32 $0x1, v24  }
0x25: {  	v28 =	vsub.s32 $0xC7, v15;
	vm10 =	veq.s32 v50, $0x0  }
0x26: {  	v28 =	vsel vm10, v21, v28  }
0x27: {  	v28 =	vadd.s32 v2, v28;
	_ =	sdelay $0x3  }
0x28: {  	v24 =	vshrl.u32 v24, $0x1  }
0x29: {  	[tilespmem:v28+s10+$0x0] =	vst.idx.msk $0xffff, v24  }
0x2a: {  	v24 =	vld [tilespmem:s26+$0x30];
	_ =	sdelay $0x4  }
0x2b: {  	v51 =	vand.u32 $0x1, v24  }
0x2c: {  	v29 =	vsub.s32 $0xC7, v14;
	vm11 =	veq.s32 v51, $0x0  }
0x2d: {  	v29 =	vsel vm11, v20, v29  }
0x2e: {  	v29 =	vadd.s32 v3, v29;
	_ =	sdelay $0x3  }
0x2f: {  	v24 =	vshrl.u32 v24, $0x1  }
0x30: {  	[tilespmem:v29+s10+$0x0] =	vst.idx.msk $0xffff, v24  }
0x31: {  	v24 =	vld [tilespmem:s26+$0x40];
	_ =	sdelay $0x4  }
0x32: {  	v52 =	vand.u32 $0x1, v24  }
0x33: {  	v30 =	vsub.s32 $0xC7, v12;
	vm12 =	veq.s32 v52, $0x0  }
0x34: {  	v30 =	vsel vm12, v18, v30  }
0x35: {  	v30 =	vadd.s32 v4, v30;
	_ =	sdelay $0x3  }
0x36: {  	v24 =	vshrl.u32 v24, $0x1  }
0x37: {  	[tilespmem:v30+s10+$0x0] =	vst.idx.msk $0xffff, v24  }
0x38: {  	v24 =	vld [tilespmem:s26+$0x50];
	_ =	sdelay $0x4  }
0x39: {  	v53 =	vand.u32 $0x1, v24  }
0x3a: {  	v31 =	vsub.s32 $0xC7, v11;
	vm13 =	veq.s32 v53, $0x0  }
0x3b: {  	v31 =	vsel vm13, v16, v31  }
0x3c: {  	v31 =	vadd.s32 v5, v31;
	_ =	sdelay $0x3  }
0x3d: {  	v24 =	vshrl.u32 v24, $0x1  }
0x3e: {  	[tilespmem:v31+s10+$0x0] =	vst.idx.msk $0xffff, v24  }
0x3f: {  	v24 =	vld [tilespmem:s26+$0x60];
	_ =	sdelay $0x4  }
0x40: {  	v54 =	vand.u32 $0x1, v24  }
0x41: {  	v32 =	vsub.s32 $0xC7, v9;
	vm14 =	veq.s32 v54, $0x0  }
0x42: {  	v32 =	vsel vm14, v13, v32  }
0x43: {  	v32 =	vadd.s32 v6, v32;
	_ =	sdelay $0x3  }
0x44: {  	v24 =	vshrl.u32 v24, $0x1  }
0x45: {  	[tilespmem:v32+s10+$0x0] =	vst.idx.msk $0xffff, v24  }
0x46: {  	v24 =	vld [tilespmem:s26+$0x70];
	_ =	sdelay $0x2  }
0x47: {  	v55 =	vxor.u32 $0x1, v25  }
0x48: {  	v34 =	vsub.s32 $0xC7, v8;
	v19 =	vadd.s32 v19, v25;
	v23 =	vadd.s32 v23, v55  }
0x49: {  	v33 =	vxor.u32 $0x1, v49;
	v17 =	vadd.s32 v17, v49;
	v56 =	vand.u32 $0x1, v24  }
0x4a: {  	v22 =	vadd.s32 v22, v33;
	v58 =	vxor.u32 $0x1, v50;
	vm15 =	veq.s32 v56, $0x0  }
0x4b: {  	v15 =	vadd.s32 v15, v50;
	v21 =	vadd.s32 v21, v58;
	v57 =	vsel vm15, v10, v34  }
0x4c: {  	p0 =	sne.s32 s25, $0x18E00;
	v59 =	vxor.u32 $0x1, v51;
	v14 =	vadd.s32 v14, v51;
	v25 =	vadd.s32 v7, v57  }
.Ltmp0:
0x4d: {  	v20 =	vadd.s32 v20, v59;
	v60 =	vxor.u32 $0x1, v52;
	v12 =	vadd.s32 v12, v52;
	(pc) =	sbr.rel @p0 .LBB2_2-.Ltmp0, $4  }
0x4e: {  	v18 =	vadd.s32 v18, v60;
	v61 =	vxor.u32 $0x1, v53;
	v11 =	vadd.s32 v11, v53  }
0x4f: {  	v16 =	vadd.s32 v16, v61;
	v62 =	vxor.u32 $0x1, v54;
	v9 =	vadd.s32 v9, v54  }
0x50: {  	v13 =	vadd.s32 v13, v62;
	v24 =	vshrl.u32 v24, $0x1;
	v63 =	vxor.u32 $0x1, v56  }
0x51: {  	s25 =	sadd.s32 $0x200, s25;
	v8 =	vadd.s32 v8, v56;
	v10 =	vadd.s32 v10, v63;
	[tilespmem:v25+s10+$0x0] =	vst.idx.msk $0xffff, v24  }
0x52: {  	[tilespmem:$0xC800] =	vst v23  }
0x53: {  	[tilespmem:$0xC810] =	vst v22  }
0x54: {  	[tilespmem:$0xC820] =	vst v21  }
0x55: {  	[tilespmem:$0xC830] =	vst v20  }
0x56: {  	[tilespmem:$0xC840] =	vst v18  }
0x57: {  	[tilespmem:$0xC850] =	vst v16  }
0x58: {  	[tilespmem:$0xC860] =	vst v13  }
0x59: {  	[tilespmem:$0xC870] =	vst v10;
	s0 =	simm.s32 $0xC880  }
0x5a: {  	[tilespmem:s0], [sflag:$0x1] =	stream.indirect.gather [hbm4b:s3+s11], $0x80, s10, s11, $0xb8;
	[tilespmem:$0x1D080] =	vst v63  }
0x5b: {  	_ = 	snop  }
0x5c: {  	[tilespmem:s15], [sflag:$0x1] =	stream.indirect.gather [hbm4b:s3+s13], $0x80, s14, s13, $0xb8;
	[tilespmem:$0x1D080] =	vst v63  }
0x5d: {  	_ = 	snop  }
0x5e: {  	[tilespmem:s17], [sflag:$0x2] =	stream.indirect.gather [hbm4b:s3+s11], $0x80, s16, s11, $0xb8;
	[tilespmem:$0x1D080] =	vst v63  }
0x5f: {  	s25 =	simm.s32 $0x0  }
0x60: {  	[tilespmem:s19], [sflag:$0x2] =	stream.indirect.gather [hbm4b:s3+s13], $0x80, s18, s13, $0xb8;
	[tilespmem:$0x1D080] =	vst v63  }
.LBB2_4:
0x61: {  	_ =	swait.ge [sflag:s20], $0x3000  }
0x62: {  	[sflag:s20] =	ssyncset.done $0x0  }
0x63: {  	[sflag:s20] =	ssyncadd.s32 $0xFFFFD000  }
0x64: {  	_ =	swait.ge [sflag:s20], $0x3400  }
0x65: {  	[sflag:s20] =	ssyncset.done $0x0  }
0x66: {  	s29 =	simm.s32 $0xCA80;
	[sflag:s20] =	ssyncadd.s32 $0xFFFFCC00  }
0x67: {  	v20 =	vld [tilespmem:s29+$0x180]  }
0x68: {  	v21 =	vld [tilespmem:s29+$0x1C0]  }
0x69: {  	v26 =	vld [tilespmem:s29+$0x190]  }
0x6a: {  	v27 =	vld [tilespmem:s29+$0x1D0]  }
0x6b: {  	v9 =	vld [tilespmem:s29+$0x1E0]  }
0x6c: {  	v28 =	vld [tilespmem:s29+$0x100]  }
0x6d: {  	v29 =	vld [tilespmem:s29+$0x140]  }
0x6e: {  	v45 =	vld [tilespmem:s29+$0x110]  }
0x6f: {  	v58 =	vld [tilespmem:s29+$0x150]  }
0x70: {  	v10 =	vld [tilespmem:s29+$0x120]  }
0x71: {  	v11 =	vld [tilespmem:s29+$0x160]  }
0x72: {  	v31 =	vld [tilespmem:s29+$0x80]  }
0x73: {  	v41 =	vld [tilespmem:s29+$0xC0]  }
0x74: {  	v23 =	vld [tilespmem:s29+$0x90]  }
0x75: {  	v25 =	vld [tilespmem:s29+$0xD0]  }
0x76: {  	v13 =	vld [tilespmem:s29+$0xA0]  }
0x77: {  	v14 =	vld [tilespmem:s29+$0xE0]  }
0x78: {  	v30 =	vld [tilespmem:s29+$0x0]  }
0x79: {  	v32 =	vld [tilespmem:s29+$0x40]  }
0x7a: {  	v33 =	vld [tilespmem:s29+$0x10]  }
0x7b: {  	v34 =	vld [tilespmem:s29+$0x50]  }
0x7c: {  	v15 =	vld [tilespmem:s29+$0x20]  }
0x7d: {  	v16 =	vld [tilespmem:s29+$0x60]  }
0x7e: {  	v35 =	vld [tilespmem:s29+$0xFFFFFF80]  }
0x7f: {  	v36 =	vld [tilespmem:s29+$0xFFFFFFC0]  }
0x80: {  	v37 =	vld [tilespmem:s29+$0xFFFFFF90]  }
0x81: {  	v38 =	vld [tilespmem:s29+$0xFFFFFFD0]  }
0x82: {  	v17 =	vld [tilespmem:s29+$0xFFFFFFA0]  }
0x83: {  	v18 =	vld [tilespmem:s29+$0xFFFFFFE0]  }
0x84: {  	v44 =	vld [tilespmem:s29+$0xFFFFFF00]  }
0x85: {  	v46 =	vld [tilespmem:s29+$0xFFFFFF40]  }
0x86: {  	v39 =	vld [tilespmem:s29+$0xFFFFFF10]  }
0x87: {  	s28 =	sshll.u32 s25, $0x1;
	v42 =	vld [tilespmem:s29+$0xFFFFFF50]  }
0x88: {  	v8 =	vmov s28;
	v22 =	vld [tilespmem:s29+$0xFFFFFF20]  }
0x89: {  	v8 =	vbroadcast v8, $0x0;
	v24 =	vld [tilespmem:s29+$0xFFFFFF60]  }
0x8a: {  	v47 =	vld [tilespmem:s29+$0xFFFFFE80]  }
0x8b: {  	v49 =	vld [tilespmem:s29+$0xFFFFFEC0]  }
0x8c: {  	v48 =	vld [tilespmem:s29+$0xFFFFFE90]  }
0x8d: {  	v50 =	vld [tilespmem:s29+$0xFFFFFED0]  }
0x8e: {  	v40 =	vld [tilespmem:s29+$0xFFFFFEA0]  }
0x8f: {  	v12 =	vld.idx.msk [tilespmem:v8+s21+$0x0], $0xffff  }
0x90: {  	v43 =	vld [tilespmem:s29+$0xFFFFFEE0]  }
0x91: {  	s26 =	simm.s32 $0x7;
	s30 =	simm.s32 $0x6;
	v19 =	vimm.f32 $0.0e+00;
	s8 =	simm.s32 $0x3;
	v51 =	vld [tilespmem:s29+$0xFFFFFE00]  }
0x92: {  	s31 =	simm.s32 $0x4;
	s0 =	simm.s32 $0x5;
	s12 =	simm.s32 $0x0;
	v52 =	vmov s26;
	v55 =	vmov s30;
	v56 =	vmov s8;
	v53 =	vld [tilespmem:s29+$0xFFFFFE10]  }
0x93: {  	s1 =	simm.s32 $0x1;
	s7 =	simm.s32 $0x2;
	v57 =	vmov s31;
	v59 =	vmov s0;
	v60 =	vmov s12;
	v54 =	vld [tilespmem:s29+$0xFFFFFE50]  }
0x94: {  	v61 =	vmov s1;
	v62 =	vmov s7;
	v8 =	vld [tilespmem:s29+$0x1A0];
	vm0 =	vlt.s32 v52, v12  }
0x95: {  	v52 =	vld [tilespmem:s29+$0xFFFFFE40];
	vm3 =	vlt.s32 v57, v12;
	vm2 =	vlt.s32 v59, v12;
	vm1 =	vlt.s32 v55, v12  }
0x96: {  	v55 =	vld [tilespmem:s29+$0xFFFFFE20];
	vm6 =	vlt.s32 v61, v12;
	vm5 =	vlt.s32 v62, v12;
	vm4 =	vlt.s32 v56, v12  }
0x97: {  	v56 =	vld [tilespmem:s29+$0xFFFFFE60];
	vm7 =	vlt.s32 v60, v12;
	v21 =	vsel vm0, v20, v21;
	v20 =	vsel vm0, v26, v27  }
0x98: {  	v57 =	vld [tilespmem:s29+$0xFFFFFE30];
	v41 =	vsel vm2, v31, v41;
	v31 =	vsel vm1, v28, v29;
	v28 =	vsel vm1, v45, v58  }
0x99: {  	s26 =	simm.s32 $0xF;
	v45 =	vld [tilespmem:s29+$0xFFFFFE70];
	v29 =	vimm.f32 $0.0e+00;
	v27 =	vimm.f32 $0.0e+00;
	v26 =	vimm.f32 $0.0e+00  }
.LBB2_5:
0x9a: {  	p0 =	sne.s32 s26, $0xC7;
	v58 =	vld [tilespmem:s29+$0xFFFFFEB0];
	v30 =	vsel vm3, v30, v32;
	v32 =	vsel vm3, v33, v34;
	v23 =	vsel vm2, v23, v25  }
0x9b: {  	v33 =	vsel vm5, v44, v46;
	v34 =	vsel vm4, v35, v36;
	v35 =	vsel vm4, v37, v38;
	v25 =	vld [tilespmem:s29+$0xFFFFFEF0]  }
0x9c: {  	v36 =	vsel vm6, v47, v49;
	v37 =	vsel vm6, v48, v50;
	v38 =	vsel vm5, v39, v42;
	v39 =	vld [tilespmem:s29+$0xFFFFFF30]  }
0x9d: {  	v42 =	vsel vm7, v51, v52;
	v44 =	vsel vm7, v53, v54;
	v46 =	vsel vm7, v55, v56;
	v47 =	vld [tilespmem:s29+$0xFFFFFF70]  }
0x9e: {  	v19 =	vadd.f32 v42, v19;
	v29 =	vadd.f32 v44, v29;
	v45 =	vsel vm7, v57, v45;
	v42 =	vld [tilespmem:s29+$0xFFFFFFB0]  }
0x9f: {  	v40 =	vsel vm6, v40, v43;
	v27 =	vadd.f32 v46, v27;
	v26 =	vadd.f32 v45, v26;
	v43 =	vld [tilespmem:s29+$0xFFFFFFF0]  }
0xa0: {  	v19 =	vadd.f32 v36, v19;
	v29 =	vadd.f32 v37, v29;
	v25 =	vsel vm6, v58, v25;
	v36 =	vld [tilespmem:s29+$0x30]  }
0xa1: {  	v22 =	vsel vm5, v22, v24;
	v27 =	vadd.f32 v40, v27;
	v25 =	vadd.f32 v25, v26;
	v24 =	vld [tilespmem:s29+$0x70]  }
0xa2: {  	v19 =	vadd.f32 v33, v19;
	v29 =	vadd.f32 v38, v29;
	v26 =	vsel vm5, v39, v47;
	v33 =	vld [tilespmem:s29+$0xB0]  }
0xa3: {  	v17 =	vsel vm4, v17, v18;
	v22 =	vadd.f32 v22, v27;
	v25 =	vadd.f32 v26, v25;
	v18 =	vld [tilespmem:s29+$0xF0]  }
0xa4: {  	v19 =	vadd.f32 v34, v19;
	v27 =	vadd.f32 v35, v29;
	v26 =	vsel vm4, v42, v43;
	v29 =	vld [tilespmem:s29+$0x130]  }
0xa5: {  	v15 =	vsel vm3, v15, v16;
	v17 =	vadd.f32 v17, v22;
	v22 =	vadd.f32 v26, v25;
	v16 =	vld [tilespmem:s29+$0x170]  }
0xa6: {  	v19 =	vadd.f32 v30, v19;
	v25 =	vadd.f32 v32, v27;
	v24 =	vsel vm3, v36, v24;
	v26 =	vld [tilespmem:s29+$0x1B0]  }
0xa7: {  	v13 =	vsel vm2, v13, v14;
	v15 =	vadd.f32 v15, v17;
	v17 =	vadd.f32 v24, v22;
	v14 =	vld [tilespmem:s29+$0x1F0];
	s29 =	sadd.s32 $0x400, s29  }
0xa8: {  	v19 =	vadd.f32 v41, v19;
	v22 =	vadd.f32 v23, v25;
	v45 =	vld [tilespmem:s29+$0x180];
	v18 =	vsel vm2, v33, v18  }
0xa9: {  	v10 =	vsel vm1, v10, v11;
	v13 =	vadd.f32 v13, v15;
	v41 =	vld [tilespmem:s29+$0x1C0];
	v15 =	vadd.f32 v18, v17  }
0xaa: {  	v17 =	vadd.f32 v28, v22;
	v58 =	vld [tilespmem:s29+$0x190];
	v11 =	vsel vm1, v29, v16;
	v16 =	vadd.f32 v31, v19  }
0xab: {  	v10 =	vadd.f32 v10, v13;
	v13 =	vsel vm0, v8, v9;
	v28 =	vld [tilespmem:s29+$0x1D0];
	v11 =	vadd.f32 v11, v15  }
0xac: {  	v29 =	vadd.f32 v20, v17;
	v8 =	vld [tilespmem:s29+$0x1A0];
	v14 =	vsel vm0, v26, v14;
	v19 =	vadd.f32 v21, v16  }
0xad: {  	v27 =	vadd.f32 v13, v10;
	v9 =	vld [tilespmem:s29+$0x1E0];
	v26 =	vadd.f32 v14, v11  }
0xae: {  	v31 =	vld [tilespmem:s29+$0x100]  }
0xaf: {  	v59 =	vld [tilespmem:s29+$0x140]  }
0xb0: {  	v60 =	vld [tilespmem:s29+$0x110]  }
0xb1: {  	v61 =	vld [tilespmem:s29+$0x150]  }
0xb2: {  	v10 =	vld [tilespmem:s29+$0x120]  }
0xb3: {  	v11 =	vld [tilespmem:s29+$0x160]  }
0xb4: {  	v62 =	vld [tilespmem:s29+$0x80]  }
0xb5: {  	v63 =	vld [tilespmem:s29+$0xC0]  }
0xb6: {  	v23 =	vld [tilespmem:s29+$0x90]  }
0xb7: {  	v25 =	vld [tilespmem:s29+$0xD0]  }
0xb8: {  	v13 =	vld [tilespmem:s29+$0xA0]  }
0xb9: {  	v14 =	vld [tilespmem:s29+$0xE0]  }
0xba: {  	v30 =	vld [tilespmem:s29+$0x0]  }
0xbb: {  	v32 =	vld [tilespmem:s29+$0x40]  }
0xbc: {  	v33 =	vld [tilespmem:s29+$0x10]  }
0xbd: {  	v34 =	vld [tilespmem:s29+$0x50]  }
0xbe: {  	v15 =	vld [tilespmem:s29+$0x20]  }
0xbf: {  	v16 =	vld [tilespmem:s29+$0x60]  }
0xc0: {  	v35 =	vld [tilespmem:s29+$0xFFFFFF80]  }
0xc1: {  	v36 =	vld [tilespmem:s29+$0xFFFFFFC0]  }
0xc2: {  	v37 =	vld [tilespmem:s29+$0xFFFFFF90]  }
0xc3: {  	v38 =	vld [tilespmem:s29+$0xFFFFFFD0]  }
0xc4: {  	v17 =	vld [tilespmem:s29+$0xFFFFFFA0]  }
0xc5: {  	v18 =	vld [tilespmem:s29+$0xFFFFFFE0]  }
0xc6: {  	v44 =	vld [tilespmem:s29+$0xFFFFFF00]  }
0xc7: {  	v46 =	vld [tilespmem:s29+$0xFFFFFF40]  }
0xc8: {  	v39 =	vld [tilespmem:s29+$0xFFFFFF10]  }
0xc9: {  	v42 =	vld [tilespmem:s29+$0xFFFFFF50]  }
0xca: {  	v22 =	vld [tilespmem:s29+$0xFFFFFF20]  }
0xcb: {  	v24 =	vld [tilespmem:s29+$0xFFFFFF60]  }
0xcc: {  	v47 =	vld [tilespmem:s29+$0xFFFFFE80]  }
0xcd: {  	v49 =	vld [tilespmem:s29+$0xFFFFFEC0]  }
0xce: {  	v48 =	vld [tilespmem:s29+$0xFFFFFE90]  }
0xcf: {  	v50 =	vld [tilespmem:s29+$0xFFFFFED0]  }
0xd0: {  	v40 =	vld [tilespmem:s29+$0xFFFFFEA0]  }
0xd1: {  	v43 =	vld [tilespmem:s29+$0xFFFFFEE0]  }
0xd2: {  	s0 =	sadd.s32 $0xFFFFFFFF, s26;
	v20 =	vmov s26;
	v51 =	vld [tilespmem:s29+$0xFFFFFE00]  }
0xd3: {  	s1 =	sadd.s32 $0xFFFFFFFC, s26;
	s7 =	sadd.s32 $0xFFFFFFFD, s26;
	s30 =	sadd.s32 $0xFFFFFFFE, s26;
	v21 =	vmov s0;
	vm0 =	vlt.s32 v20, v12;
	v52 =	vld [tilespmem:s29+$0xFFFFFE40]  }
0xd4: {  	s31 =	sadd.s32 $0xFFFFFFFA, s26;
	s8 =	sadd.s32 $0xFFFFFFFB, s26;
	v56 =	vmov s7;
	v57 =	vmov s30;
	s0 =	sadd.s32 $0xFFFFFFF9, s26;
	v20 =	vmov s1;
	v53 =	vld [tilespmem:s29+$0xFFFFFE10]  }
.Ltmp1:
0xd5: {  	v1 =	vmov s31;
	v2 =	vmov s8;
	v0 =	vmov s0;
	v54 =	vld [tilespmem:s29+$0xFFFFFE50];
	(pc) =	sbr.rel @p0 .LBB2_5-.Ltmp1, $4  }
0xd6: {  	vm3 =	vlt.s32 v56, v12;
	vm2 =	vlt.s32 v57, v12;
	vm1 =	vlt.s32 v21, v12;
	v55 =	vld [tilespmem:s29+$0xFFFFFE20]  }
0xd7: {  	vm6 =	vlt.s32 v1, v12;
	vm5 =	vlt.s32 v2, v12;
	vm4 =	vlt.s32 v20, v12;
	v56 =	vld [tilespmem:s29+$0xFFFFFE60]  }
0xd8: {  	vm7 =	vlt.s32 v0, v12;
	v21 =	vsel vm0, v45, v41;
	v20 =	vsel vm0, v58, v28;
	v57 =	vld [tilespmem:s29+$0xFFFFFE30]  }
0xd9: {  	s26 =	sadd.s32 $0x8, s26;
	v31 =	vsel vm1, v31, v59;
	v28 =	vsel vm1, v60, v61;
	v41 =	vsel vm2, v62, v63;
	v45 =	vld [tilespmem:s29+$0xFFFFFE70]  }
0xda: {  	v1 =	vsel vm3, v30, v32;
	v2 =	vsel vm3, v33, v34  }
0xdb: {  	v0 =	vld [tilespmem:s29+$0xFFFFFEB0];
	v12 =	vsel vm2, v23, v25;
	v25 =	vsel vm5, v44, v46;
	v30 =	vsel vm4, v35, v36  }
0xdc: {  	v23 =	vld [tilespmem:s29+$0xFFFFFEF0];
	v63 =	vsel vm4, v37, v38;
	v46 =	vsel vm6, v47, v49;
	v49 =	vsel vm7, v51, v52  }
0xdd: {  	v47 =	vld [tilespmem:s29+$0xFFFFFF30];
	v50 =	vsel vm6, v48, v50;
	v51 =	vsel vm7, v53, v54;
	v19 =	vadd.f32 v49, v19  }
0xde: {  	v52 =	vld [tilespmem:s29+$0xFFFFFF70];
	v53 =	vsel vm5, v39, v42;
	v29 =	vadd.f32 v51, v29;
	v54 =	vsel vm7, v55, v56  }
0xdf: {  	v55 =	vld [tilespmem:s29+$0xFFFFFFB0];
	v27 =	vadd.f32 v54, v27;
	v19 =	vadd.f32 v46, v19;
	v56 =	vsel vm7, v57, v45  }
0xe0: {  	v58 =	vsel vm6, v40, v43;
	v29 =	vadd.f32 v50, v29;
	v57 =	vld [tilespmem:s29+$0xFFFFFFF0];
	v26 =	vadd.f32 v56, v26  }
0xe1: {  	v59 =	vld [tilespmem:s29+$0x30];
	v0 =	vsel vm6, v0, v23;
	v23 =	vadd.f32 v58, v27;
	v19 =	vadd.f32 v25, v19  }
0xe2: {  	v22 =	vsel vm5, v22, v24;
	v27 =	vld [tilespmem:s29+$0x70];
	v24 =	vadd.f32 v53, v29;
	v0 =	vadd.f32 v0, v26  }
0xe3: {  	v25 =	vld [tilespmem:s29+$0xB0];
	v26 =	vsel vm5, v47, v52;
	v22 =	vadd.f32 v22, v23;
	v19 =	vadd.f32 v30, v19  }
0xe4: {  	p0 =	seq.s32 s25, $0x3F;
	v17 =	vsel vm4, v17, v18;
	v23 =	vld [tilespmem:s29+$0xF0];
	v18 =	vadd.f32 v63, v24;
	v0 =	vadd.f32 v26, v0  }
0xe5: {  	s0 =	smul.u32 @!p0 $0x640, s25;
	v24 =	vld [tilespmem:s29+$0x130];
	v26 =	vsel vm4, v55, v57;
	v17 =	vadd.f32 v17, v22;
	v1 =	vadd.f32 v1, v19  }
0xe6: {  	v15 =	vsel vm3, v15, v16;
	v22 =	vld [tilespmem:s29+$0x170];
	v2 =	vadd.f32 v2, v18;
	v0 =	vadd.f32 v26, v0  }
0xe7: {  	v16 =	vld [tilespmem:s29+$0x1B0];
	s8 =	sshll.u32 s25, $0x8;
	s26 =	sshra.s32 @!p0 s0, $0x2;
	v18 =	vsel vm3, v59, v27;
	v15 =	vadd.f32 v15, v17;
	v1 =	vadd.f32 v41, v1  }
0xe8: {  	v13 =	vsel vm2, v13, v14;
	s1 =	simm.s32 @!p0 $0x60;
	s7 =	simm.s32 @!p0 $0xC880;
	s0 =	sadd.s32 @!p0 $0x6590, s26;
	v17 =	vld [tilespmem:s29+$0x1F0];
	v2 =	vadd.f32 v12, v2;
	v0 =	vadd.f32 v18, v0  }
0xe9: {  	[tilespmem:s7], [sflag:$0x1] =	stream.indirect.gather @!p0 [hbm4b:s3+s1], $0x80, s0, s1, $0xb8;
	v12 =	vsel vm2, v25, v23;
	v13 =	vadd.f32 v13, v15;
	v1 =	vadd.f32 v31, v1;
	[tilespmem:$0x1D080] =	vst v63  }
0xea: {  	v10 =	vsel vm1, v10, v11;
	s0 =	sadd.s32 @!p0 $0x65F0, s26;
	s1 =	simm.s32 @!p0 $0x68;
	s7 =	simm.s32 @!p0 $0xF880;
	v2 =	vadd.f32 v28, v2;
	v0 =	vadd.f32 v12, v0  }
0xeb: {  	[tilespmem:s7], [sflag:$0x1] =	stream.indirect.gather @!p0 [hbm4b:s3+s1], $0x80, s0, s1, $0xb8;
	v11 =	vsel vm1, v24, v22;
	v10 =	vadd.f32 v10, v13;
	v1 =	vadd.f32 v21, v1;
	[tilespmem:$0x1D080] =	vst v63  }
0xec: {  	v8 =	vsel vm0, v8, v9;
	s0 =	sand.u32 $0x3FFFFF00, s8;
	v2 =	vadd.f32 v20, v2;
	v0 =	vadd.f32 v11, v0  }
0xed: {  	v9 =	vsel vm0, v16, v17;
	v8 =	vadd.f32 v8, v10;
	[tilespmem:s0+$0x19080] =	vst v1  }
0xee: {  	[tilespmem:s0+$0x19090] =	vst v2;
	v0 =	vadd.f32 v9, v0  }
0xef: {  	[tilespmem:s0+$0x190A0] =	vst v8  }
0xf0: {  	[tilespmem:s0+$0x190B0] =	vst v0  }
0xf1: {  	s28 =	sor.u32 $0x1, s28;
	_ =	swait.ge [sflag:s22], $0x3000  }
0xf2: {  	v0 =	vmov s28;
	[sflag:s22] =	ssyncset.done $0x0  }
0xf3: {  	[sflag:s22] =	ssyncadd.s32 $0xFFFFD000  }
0xf4: {  	_ =	swait.ge [sflag:s22], $0x3400  }
0xf5: {  	[sflag:s22] =	ssyncset.done $0x0  }
0xf6: {  	[sflag:s22] =	ssyncadd.s32 $0xFFFFCC00  }
0xf7: {  	s29 =	simm.s32 $0x12E80;
	v12 =	vld.idx.msk [tilespmem:v0+s21+$0x0], $0xffff  }
0xf8: {  	v0 =	vld [tilespmem:s29+$0x180]  }
0xf9: {  	v1 =	vld [tilespmem:s29+$0x1C0]  }
0xfa: {  	v2 =	vld [tilespmem:s29+$0x190]  }
0xfb: {  	v20 =	vld [tilespmem:s29+$0x1D0]  }
0xfc: {  	v8 =	vld [tilespmem:s29+$0x1A0]  }
0xfd: {  	v9 =	vld [tilespmem:s29+$0x1E0]  }
0xfe: {  	v26 =	vld [tilespmem:s29+$0x100]  }
0xff: {  	v27 =	vld [tilespmem:s29+$0x140]  }
0x100: {  	v28 =	vld [tilespmem:s29+$0x110]  }
0x101: {  	v29 =	vld [tilespmem:s29+$0x150]  }
0x102: {  	v10 =	vld [tilespmem:s29+$0x120]  }
0x103: {  	v11 =	vld [tilespmem:s29+$0x160]  }
0x104: {  	v32 =	vld [tilespmem:s29+$0x80]  }
0x105: {  	v43 =	vld [tilespmem:s29+$0xC0]  }
0x106: {  	v23 =	vld [tilespmem:s29+$0x90]  }
0x107: {  	v25 =	vld [tilespmem:s29+$0xD0]  }
0x108: {  	v13 =	vld [tilespmem:s29+$0xA0]  }
0x109: {  	v14 =	vld [tilespmem:s29+$0xE0]  }
0x10a: {  	v30 =	vld [tilespmem:s29+$0x0]  }
0x10b: {  	v31 =	vld [tilespmem:s29+$0x40]  }
0x10c: {  	v33 =	vld [tilespmem:s29+$0x10]  }
0x10d: {  	v34 =	vld [tilespmem:s29+$0x50]  }
0x10e: {  	v15 =	vld [tilespmem:s29+$0x20]  }
0x10f: {  	v16 =	vld [tilespmem:s29+$0x60]  }
0x110: {  	v35 =	vld [tilespmem:s29+$0xFFFFFF80]  }
0x111: {  	v36 =	vld [tilespmem:s29+$0xFFFFFFC0]  }
0x112: {  	v37 =	vld [tilespmem:s29+$0xFFFFFF90]  }
0x113: {  	v38 =	vld [tilespmem:s29+$0xFFFFFFD0]  }
0x114: {  	v17 =	vld [tilespmem:s29+$0xFFFFFFA0]  }
0x115: {  	v18 =	vld [tilespmem:s29+$0xFFFFFFE0]  }
0x116: {  	v44 =	vld [tilespmem:s29+$0xFFFFFF00]  }
0x117: {  	v46 =	vld [tilespmem:s29+$0xFFFFFF40]  }
0x118: {  	v39 =	vld [tilespmem:s29+$0xFFFFFF10]  }
0x119: {  	v41 =	vld [tilespmem:s29+$0xFFFFFF50]  }
0x11a: {  	v22 =	vld [tilespmem:s29+$0xFFFFFF20]  }
0x11b: {  	v24 =	vld [tilespmem:s29+$0xFFFFFF60]  }
0x11c: {  	v47 =	vld [tilespmem:s29+$0xFFFFFE80]  }
0x11d: {  	v49 =	vld [tilespmem:s29+$0xFFFFFEC0]  }
0x11e: {  	v48 =	vld [tilespmem:s29+$0xFFFFFE90]  }
0x11f: {  	v50 =	vld [tilespmem:s29+$0xFFFFFED0]  }
0x120: {  	s31 =	simm.s32 $0x6;
	v40 =	vld [tilespmem:s29+$0xFFFFFEA0]  }
0x121: {  	s30 =	simm.s32 $0x1;
	v60 =	vmov s31;
	s31 =	simm.s32 $0x2;
	v42 =	vld [tilespmem:s29+$0xFFFFFEE0]  }
0x122: {  	s12 =	simm.s32 $0x7;
	v58 =	vmov s30;
	v19 =	vimm.f32 $0.0e+00;
	v59 =	vmov s31;
	s7 =	simm.s32 $0x4;
	s8 =	simm.s32 $0x5;
	v51 =	vld [tilespmem:s29+$0xFFFFFE00]  }
0x123: {  	v61 =	vmov s7;
	v62 =	vmov s8;
	v21 =	vmov s12;
	s12 =	simm.s32 $0x0;
	s0 =	simm.s32 $0x3;
	v52 =	vld [tilespmem:s29+$0xFFFFFE40]  }
0x124: {  	v63 =	vmov s12;
	v53 =	vld [tilespmem:s29+$0xFFFFFE10];
	vm0 =	vlt.s32 v21, v12;
	v21 =	vmov s0  }
0x125: {  	v54 =	vld [tilespmem:s29+$0xFFFFFE50];
	vm3 =	vlt.s32 v61, v12;
	vm2 =	vlt.s32 v62, v12;
	vm1 =	vlt.s32 v60, v12  }
0x126: {  	v55 =	vld [tilespmem:s29+$0xFFFFFE20];
	vm6 =	vlt.s32 v58, v12;
	vm5 =	vlt.s32 v59, v12;
	vm7 =	vlt.s32 v63, v12  }
0x127: {  	v56 =	vld [tilespmem:s29+$0xFFFFFE60];
	vm4 =	vlt.s32 v21, v12;
	v21 =	vsel vm0, v0, v1;
	v20 =	vsel vm0, v2, v20  }
0x128: {  	v57 =	vld [tilespmem:s29+$0xFFFFFE30];
	v43 =	vsel vm2, v32, v43;
	v32 =	vsel vm1, v26, v27;
	v29 =	vsel vm1, v28, v29  }
0x129: {  	s30 =	simm.s32 $0xF;
	v45 =	vld [tilespmem:s29+$0xFFFFFE70];
	v28 =	vimm.f32 $0.0e+00;
	v27 =	vimm.f32 $0.0e+00;
	v26 =	vimm.f32 $0.0e+00  }
.LBB2_7:
0x12a: {  	p1 =	sne.s32 s30, $0xC7;
	v0 =	vld [tilespmem:s29+$0xFFFFFEB0];
	v1 =	vsel vm3, v30, v31;
	v2 =	vsel vm3, v33, v34;
	v23 =	vsel vm2, v23, v25  }
0x12b: {  	v30 =	vsel vm5, v44, v46;
	v31 =	vsel vm4, v35, v36;
	v33 =	vsel vm4, v37, v38;
	v25 =	vld [tilespmem:s29+$0xFFFFFEF0]  }
0x12c: {  	v34 =	vsel vm6, v47, v49;
	v35 =	vsel vm6, v48, v50;
	v36 =	vsel vm5, v39, v41;
	v37 =	vld [tilespmem:s29+$0xFFFFFF30]  }
0x12d: {  	v38 =	vsel vm7, v51, v52;
	v39 =	vsel vm7, v53, v54;
	v41 =	vsel vm7, v55, v56;
	v44 =	vld [tilespmem:s29+$0xFFFFFF70]  }
0x12e: {  	v19 =	vadd.f32 v38, v19;
	v28 =	vadd.f32 v39, v28;
	v45 =	vsel vm7, v57, v45;
	v38 =	vld [tilespmem:s29+$0xFFFFFFB0]  }
0x12f: {  	v39 =	vsel vm6, v40, v42;
	v27 =	vadd.f32 v41, v27;
	v26 =	vadd.f32 v45, v26;
	v40 =	vld [tilespmem:s29+$0xFFFFFFF0]  }
0x130: {  	v19 =	vadd.f32 v34, v19;
	v0 =	vsel vm6, v0, v25;
	v25 =	vadd.f32 v35, v28;
	v28 =	vld [tilespmem:s29+$0x30]  }
0x131: {  	v22 =	vsel vm5, v22, v24;
	v27 =	vadd.f32 v39, v27;
	v0 =	vadd.f32 v0, v26;
	v24 =	vld [tilespmem:s29+$0x70]  }
0x132: {  	v19 =	vadd.f32 v30, v19;
	v26 =	vsel vm5, v37, v44;
	v25 =	vadd.f32 v36, v25;
	v30 =	vld [tilespmem:s29+$0xB0]  }
0x133: {  	v17 =	vsel vm4, v17, v18;
	v22 =	vadd.f32 v22, v27;
	v0 =	vadd.f32 v26, v0;
	v18 =	vld [tilespmem:s29+$0xF0]  }
0x134: {  	v19 =	vadd.f32 v31, v19;
	v26 =	vsel vm4, v38, v40;
	v25 =	vadd.f32 v33, v25;
	v27 =	vld [tilespmem:s29+$0x130]  }
0x135: {  	v15 =	vsel vm3, v15, v16;
	v17 =	vadd.f32 v17, v22;
	v0 =	vadd.f32 v26, v0;
	v16 =	vld [tilespmem:s29+$0x170]  }
0x136: {  	v1 =	vadd.f32 v1, v19;
	v22 =	vsel vm3, v28, v24;
	v2 =	vadd.f32 v2, v25;
	v19 =	vld [tilespmem:s29+$0x1B0]  }
0x137: {  	v13 =	vsel vm2, v13, v14;
	v15 =	vadd.f32 v15, v17;
	v0 =	vadd.f32 v22, v0;
	v14 =	vld [tilespmem:s29+$0x1F0];
	s29 =	sadd.s32 $0x400, s29  }
0x138: {  	v1 =	vadd.f32 v43, v1;
	v45 =	vld [tilespmem:s29+$0x180];
	v17 =	vsel vm2, v30, v18;
	v2 =	vadd.f32 v23, v2  }
0x139: {  	v10 =	vsel vm1, v10, v11;
	v13 =	vadd.f32 v13, v15;
	v43 =	vld [tilespmem:s29+$0x1C0];
	v0 =	vadd.f32 v17, v0  }
0x13a: {  	v1 =	vadd.f32 v32, v1;
	v58 =	vld [tilespmem:s29+$0x190];
	v11 =	vsel vm1, v27, v16;
	v2 =	vadd.f32 v29, v2  }
0x13b: {  	v10 =	vadd.f32 v10, v13;
	v29 =	vld [tilespmem:s29+$0x1D0];
	v0 =	vadd.f32 v11, v0;
	v11 =	vsel vm0, v8, v9  }
0x13c: {  	v8 =	vld [tilespmem:s29+$0x1A0];
	v13 =	vsel vm0, v19, v14;
	v19 =	vadd.f32 v21, v1;
	v28 =	vadd.f32 v20, v2  }
0x13d: {  	v27 =	vadd.f32 v11, v10;
	v9 =	vld [tilespmem:s29+$0x1E0];
	v26 =	vadd.f32 v13, v0  }
0x13e: {  	v0 =	vld [tilespmem:s29+$0x100]  }
0x13f: {  	v1 =	vld [tilespmem:s29+$0x140]  }
0x140: {  	v2 =	vld [tilespmem:s29+$0x110]  }
0x141: {  	v59 =	vld [tilespmem:s29+$0x150]  }
0x142: {  	v10 =	vld [tilespmem:s29+$0x120]  }
0x143: {  	v11 =	vld [tilespmem:s29+$0x160]  }
0x144: {  	v32 =	vld [tilespmem:s29+$0x80]  }
0x145: {  	v60 =	vld [tilespmem:s29+$0xC0]  }
0x146: {  	v23 =	vld [tilespmem:s29+$0x90]  }
0x147: {  	v25 =	vld [tilespmem:s29+$0xD0]  }
0x148: {  	v13 =	vld [tilespmem:s29+$0xA0]  }
0x149: {  	v14 =	vld [tilespmem:s29+$0xE0]  }
0x14a: {  	v30 =	vld [tilespmem:s29+$0x0]  }
0x14b: {  	v31 =	vld [tilespmem:s29+$0x40]  }
0x14c: {  	v33 =	vld [tilespmem:s29+$0x10]  }
0x14d: {  	v34 =	vld [tilespmem:s29+$0x50]  }
0x14e: {  	v15 =	vld [tilespmem:s29+$0x20]  }
0x14f: {  	v16 =	vld [tilespmem:s29+$0x60]  }
0x150: {  	v35 =	vld [tilespmem:s29+$0xFFFFFF80]  }
0x151: {  	v36 =	vld [tilespmem:s29+$0xFFFFFFC0]  }
0x152: {  	v37 =	vld [tilespmem:s29+$0xFFFFFF90]  }
0x153: {  	v38 =	vld [tilespmem:s29+$0xFFFFFFD0]  }
0x154: {  	v17 =	vld [tilespmem:s29+$0xFFFFFFA0]  }
0x155: {  	v18 =	vld [tilespmem:s29+$0xFFFFFFE0]  }
0x156: {  	v44 =	vld [tilespmem:s29+$0xFFFFFF00]  }
0x157: {  	v46 =	vld [tilespmem:s29+$0xFFFFFF40]  }
0x158: {  	v39 =	vld [tilespmem:s29+$0xFFFFFF10]  }
0x159: {  	v41 =	vld [tilespmem:s29+$0xFFFFFF50]  }
0x15a: {  	v22 =	vld [tilespmem:s29+$0xFFFFFF20]  }
0x15b: {  	v24 =	vld [tilespmem:s29+$0xFFFFFF60]  }
0x15c: {  	v47 =	vld [tilespmem:s29+$0xFFFFFE80]  }
0x15d: {  	v49 =	vld [tilespmem:s29+$0xFFFFFEC0]  }
0x15e: {  	v48 =	vld [tilespmem:s29+$0xFFFFFE90]  }
0x15f: {  	v50 =	vld [tilespmem:s29+$0xFFFFFED0]  }
0x160: {  	v40 =	vld [tilespmem:s29+$0xFFFFFEA0]  }
0x161: {  	v42 =	vld [tilespmem:s29+$0xFFFFFEE0]  }
0x162: {  	s0 =	sadd.s32 $0xFFFFFFFF, s30;
	v20 =	vmov s30;
	v51 =	vld [tilespmem:s29+$0xFFFFFE00]  }
0x163: {  	s1 =	sadd.s32 $0xFFFFFFFC, s30;
	s7 =	sadd.s32 $0xFFFFFFFD, s30;
	s8 =	sadd.s32 $0xFFFFFFFE, s30;
	v21 =	vmov s0;
	vm0 =	vlt.s32 v20, v12;
	v52 =	vld [tilespmem:s29+$0xFFFFFE40]  }
0x164: {  	s31 =	sadd.s32 $0xFFFFFFFA, s30;
	s12 =	sadd.s32 $0xFFFFFFFB, s30;
	v56 =	vmov s7;
	v57 =	vmov s8;
	s0 =	sadd.s32 $0xFFFFFFF9, s30;
	v20 =	vmov s1;
	v53 =	vld [tilespmem:s29+$0xFFFFFE10]  }
.Ltmp2:
0x165: {  	v62 =	vmov s31;
	v63 =	vmov s12;
	v61 =	vmov s0;
	v54 =	vld [tilespmem:s29+$0xFFFFFE50];
	(pc) =	sbr.rel @p1 .LBB2_7-.Ltmp2, $4  }
0x166: {  	vm3 =	vlt.s32 v56, v12;
	vm2 =	vlt.s32 v57, v12;
	vm1 =	vlt.s32 v21, v12;
	v55 =	vld [tilespmem:s29+$0xFFFFFE20]  }
0x167: {  	vm6 =	vlt.s32 v62, v12;
	vm5 =	vlt.s32 v63, v12;
	vm4 =	vlt.s32 v20, v12;
	v56 =	vld [tilespmem:s29+$0xFFFFFE60]  }
0x168: {  	vm7 =	vlt.s32 v61, v12;
	v21 =	vsel vm0, v45, v43;
	v20 =	vsel vm0, v58, v29;
	v57 =	vld [tilespmem:s29+$0xFFFFFE30]  }
0x169: {  	s30 =	sadd.s32 $0x8, s30;
	v29 =	vsel vm1, v2, v59;
	v43 =	vsel vm2, v32, v60;
	v32 =	vsel vm1, v0, v1;
	v45 =	vld [tilespmem:s29+$0xFFFFFE70]  }
0x16a: {  	v1 =	vsel vm3, v30, v31;
	v2 =	vsel vm3, v33, v34  }
0x16b: {  	v0 =	vld [tilespmem:s29+$0xFFFFFEB0];
	v12 =	vsel vm2, v23, v25;
	v25 =	vsel vm5, v44, v46;
	v30 =	vsel vm4, v35, v36  }
0x16c: {  	v23 =	vld [tilespmem:s29+$0xFFFFFEF0];
	v31 =	vsel vm4, v37, v38;
	v49 =	vsel vm6, v47, v49;
	v52 =	vsel vm7, v51, v52  }
0x16d: {  	v34 =	vld [tilespmem:s29+$0xFFFFFF30];
	v58 =	vsel vm6, v48, v50;
	v59 =	vsel vm7, v53, v54;
	v19 =	vadd.f32 v52, v19  }
0x16e: {  	v60 =	vld [tilespmem:s29+$0xFFFFFF70];
	v61 =	vsel vm5, v39, v41;
	v28 =	vadd.f32 v59, v28;
	v62 =	vsel vm7, v55, v56  }
0x16f: {  	v63 =	vld [tilespmem:s29+$0xFFFFFFB0];
	v27 =	vadd.f32 v62, v27;
	v19 =	vadd.f32 v49, v19;
	v44 =	vsel vm7, v57, v45  }
0x170: {  	v46 =	vsel vm6, v40, v42;
	v28 =	vadd.f32 v58, v28;
	v45 =	vld [tilespmem:s29+$0xFFFFFFF0];
	v26 =	vadd.f32 v44, v26  }
0x171: {  	v47 =	vld [tilespmem:s29+$0x30];
	v0 =	vsel vm6, v0, v23;
	v48 =	vadd.f32 v46, v27;
	v19 =	vadd.f32 v25, v19  }
0x172: {  	v22 =	vsel vm5, v22, v24;
	v49 =	vld [tilespmem:s29+$0x70];
	v50 =	vadd.f32 v61, v28;
	v0 =	vadd.f32 v0, v26  }
0x173: {  	v51 =	vld [tilespmem:s29+$0xB0];
	v52 =	vsel vm5, v34, v60;
	v22 =	vadd.f32 v22, v48;
	v19 =	vadd.f32 v30, v19  }
0x174: {  	v53 =	vld [tilespmem:s29+$0xF0];
	v17 =	vsel vm4, v17, v18;
	v54 =	vadd.f32 v31, v50;
	v0 =	vadd.f32 v52, v0  }
0x175: {  	v55 =	vld [tilespmem:s29+$0x130];
	v56 =	vsel vm4, v63, v45;
	v17 =	vadd.f32 v17, v22;
	v1 =	vadd.f32 v1, v19  }
0x176: {  	v15 =	vsel vm3, v15, v16;
	s0 =	sadd.s32 @!p0 $0x6658, s26;
	v57 =	vld [tilespmem:s29+$0x170];
	v2 =	vadd.f32 v2, v54;
	v0 =	vadd.f32 v56, v0  }
0x177: {  	s1 =	simm.s32 @!p0 $0x60;
	s7 =	simm.s32 @!p0 $0x12C80;
	s25 =	sadd.s32 $0x1, s25;
	v58 =	vld [tilespmem:s29+$0x1B0];
	v59 =	vsel vm3, v47, v49;
	v15 =	vadd.f32 v15, v17;
	v1 =	vadd.f32 v43, v1  }
0x178: {  	v13 =	vsel vm2, v13, v14;
	v60 =	vld [tilespmem:s29+$0x1F0];
	[tilespmem:s7], [sflag:$0x2] =	stream.indirect.gather @!p0 [hbm4b:s3+s1], $0x80, s0, s1, $0xb8;
	v2 =	vadd.f32 v12, v2;
	v0 =	vadd.f32 v59, v0  }
0x179: {  	v61 =	vsel vm2, v51, v53;
	s0 =	sadd.s32 @!p0 $0x66B8, s26;
	s1 =	simm.s32 @!p0 $0x68;
	s7 =	simm.s32 @!p0 $0x15C80;
	v13 =	vadd.f32 v13, v15;
	v1 =	vadd.f32 v32, v1  }
0x17a: {  	v10 =	vsel vm1, v10, v11;
	[tilespmem:s7], [sflag:$0x2] =	stream.indirect.gather @!p0 [hbm4b:s3+s1], $0x80, s0, s1, $0xb8;
	v2 =	vadd.f32 v29, v2;
	v0 =	vadd.f32 v61, v0;
	[tilespmem:$0x1D080] =	vst v63  }
0x17b: {  	s31 =	sshll.u32 s28, $0x7;
	p0 =	sne.s32 s25, $0x40;
	v62 =	vsel vm1, v55, v57;
	v10 =	vadd.f32 v10, v13;
	v1 =	vadd.f32 v21, v1  }
.Ltmp3:
0x17c: {  	v8 =	vsel vm0, v8, v9;
	s0 =	sand.u32 $0x3FFFFF80, s31;
	v2 =	vadd.f32 v20, v2;
	v0 =	vadd.f32 v62, v0;
	(pc) =	sbr.rel @p0 .LBB2_4-.Ltmp3, $4  }
0x17d: {  	v63 =	vsel vm0, v58, v60;
	v8 =	vadd.f32 v8, v10;
	[tilespmem:s0+$0x19080] =	vst v1  }
0x17e: {  	[tilespmem:s0+$0x19090] =	vst v2;
	v0 =	vadd.f32 v63, v0  }
0x17f: {  	[tilespmem:s0+$0x190A0] =	vst v8  }
0x180: {  	[tilespmem:s0+$0x190B0] =	vst v0  }
0x181: {  	[hbm4b:s5+s2] =	stream.linear.scatter [tilespmem:s23], [sflag:$0x3], $0x4000, $0x38;
	[tilespmem:$0x1D080] =	vst v63  }
0x182: {  	s24 =	sadd.s32 $0x1, s24  }
0x183: {  	p0 =	sne.s32 s24, s6  }
.Ltmp4:
0x184: {  	_ = 	snop;
	(pc) =	sbr.rel @p0 .LBB2_1-.Ltmp4, $4  }
0x185: {  	_ =	swait.ge [sflag:s9], $0x4000  }
0x186: {  	v0 =	vld [tilespmem:$0x1FFD0]  }
0x187: {  	[sflag:s9] =	ssyncset.done $0x0;
	v1 =	vld [tilespmem:$0x1FFE0]  }
0x188: {  	v2 =	vld [tilespmem:$0x1FFF0];
	[sflag:s9] =	ssyncadd.s32 $0xFFFFC000  }
0x189: {  	_ =	sfence.sel $0x180000  }
0x18a: {  	[bflag:$0x0] =	sbarrier.arrive $0xFFFF  }
0x18b: {  	_ =	strace $0x9000004A  }
0x18c: {  	s0 =	stileid.u32;
	[bflag:$0x2] =	sbarrier.arrive $0xFFFF  }
0x18d: {  	p0 =	sne.s32 s0, $0x0;
	s0 =	rddreg [dreg:$0x2]  }
0x18e: {  	s0 =	sadd.s32 @!p0 $0x100000, s0  }
0x18f: {  	[sflag:s0] =	ssyncadd.tile.s32 @!p0 $0x1;
	_ =	shalt  }
.Lfunc_end2:
_tile_overlayer_lowered:
.L_overlay_start_2:
0x190: {  	(tag) =	ssettag $0x2  }
0x191: {  	s0 =	rddreg [dreg:$0x0];
	s2 =	stileid.u32  }
0x192: {  	s1 =	rddreg [dreg:$0x1];
	p0 =	sne.s32 s2, $0x0  }
0x193: {  	s3 =	rddreg [dreg:$0x2];
	[bflag:$0x3] =	sbarrier.arrive $0xFFFF;
	s2 =	simm.s32 @!p0 $0x1C03  }
0x194: {  	[timem:s3], [sflag:s2] =	dma.local @!p0 [hbm:s0], s1  }
0x195: {  	s0 =	simm.s32 @!p0 $0x3  }
0x196: {  	_ =	swait.ge @!p0 [sflag:s0], s1  }
0x197: {  	s1 =	ssub.s32 @!p0 $0x0, s1;
	[sflag:s0] =	ssyncset.done @!p0 $0x0  }
0x198: {  	[sflag:s0] =	ssyncadd.s32 @!p0 s1  }
0x199: {  	[bflag:$0x3] =	sbarrier.arrive $0xFFFF  }
0x19a: {  	_ =	shalt  }

</sc_bundles>
